<compile_context>
chip_gen: v7x
topology: tpu7x:2x2x1
jax: 0.10.2.dev20260603
libtpu: 0.0.44.dev20260713+nightly
codegen_flags: <defaults>
</compile_context>

<pallas_src>
import jax
import jax.numpy as jnp
from jax import lax
from jax.experimental import pallas as pl
from jax.experimental.pallas import tpu as pltpu
from jax.experimental.pallas import tpu_sc as plsc

NC = 2
NS = 16
NW = NC * NS
CH = 128


def _sc_gather_edges(user_t, eu, item2, ii, ed):
    n_rows = eu.shape[0]
    n_items = ii.shape[0]
    d = user_t.shape[1]
    d2 = d // 2
    per_w = n_rows // NW
    n_ch = per_w // CH
    per_c = n_rows // NS
    n_ch_c = per_c // CH
    per_w_i = n_items // NS
    n_ch_i = per_w_i // CH
    assert n_ch * CH * NW == n_rows and n_ch_i * CH * NS == n_items

    mesh = plsc.VectorSubcoreMesh(
        core_axis_name="c", subcore_axis_name="s", num_cores=NC, num_subcores=NS)

    def body(user_ref, eu_ref, item_ref, ii_ref, ed_ref,
             pt_ref, qlo_ref, qhi_ref, idx_v, idxt_v, idxq_v, rows_v, qrows_v,
             sem, semq, item_sh):
        c = lax.axis_index("c")
        s = lax.axis_index("s")
        w = s * NC + c

        def stage(i, carry):
            base = s * per_w_i + i * CH
            pltpu.sync_copy(ii_ref.at[pl.ds(base, CH)], idx_v)
            for k in range(CH // 16):
                sl = pl.ds(k * 16, 16)
                idxt_v[sl] = idx_v[sl] * 2 + c
            pltpu.async_copy(item_ref.at[idxt_v], qrows_v, sem).wait()
            pltpu.sync_copy(qrows_v, item_sh.at[pl.ds(base, CH)])
            return carry

        lax.fori_loop(0, n_ch_i, stage, 0)
        plsc.subcore_barrier()

        def step(i, carry):
            offq = s * per_c + i * CH
            pltpu.sync_copy(ed_ref.at[pl.ds(offq, CH)], idxq_v)
            qcopy = pltpu.async_copy(item_sh.at[idxq_v], qrows_v, semq)

            @pl.when(i < n_ch)
            def _():
                off = w * per_w + i * CH
                pltpu.sync_copy(eu_ref.at[pl.ds(off, CH)], idx_v)
                pltpu.async_copy(user_ref.at[idx_v], rows_v, sem).wait()
                pltpu.sync_copy(rows_v, pt_ref.at[pl.ds(off, CH)])

            qcopy.wait()

            @pl.when(c == 0)
            def _():
                pltpu.sync_copy(qrows_v, qlo_ref.at[pl.ds(offq, CH)])

            @pl.when(c == 1)
            def _():
                pltpu.sync_copy(qrows_v, qhi_ref.at[pl.ds(offq, CH)])

            return carry

        lax.fori_loop(0, n_ch_c, step, 0)

    call = pl.kernel(
        body,
        out_type=[
            jax.ShapeDtypeStruct((n_rows, d), jnp.float32),
            jax.ShapeDtypeStruct((n_rows, d2), jnp.float32),
            jax.ShapeDtypeStruct((n_rows, d2), jnp.float32),
        ],
        mesh=mesh,
        scratch_types=[
            pltpu.VMEM((CH,), jnp.int32),
            pltpu.VMEM((CH,), jnp.int32),
            pltpu.VMEM((CH,), jnp.int32),
            pltpu.VMEM((CH, d), jnp.float32),
            pltpu.VMEM((CH, d2), jnp.float32),
            pltpu.SemaphoreType.DMA,
            pltpu.SemaphoreType.DMA,
            pltpu.VMEM_SHARED((n_items, d2), jnp.float32),
        ],
    )
    return call(user_t, eu, item2, ii, ed)


def _sc_segment_sums(wf_lo, wf_hi, ex3, dst2, n_seg):
    n_rows, dlo = wf_lo.shape
    per_w = n_rows // NS
    n_ch = per_w // CH
    gb = 8
    n_g = n_ch // gb
    assert n_ch * CH * NS == n_rows and n_g * gb == n_ch
    rows_out = n_seg // NS

    mesh = plsc.VectorSubcoreMesh(
        core_axis_name="c", subcore_axis_name="s", num_cores=NC, num_subcores=NS)

    def body(wflo_ref, wfhi_ref, ex_ref, dst_ref,
             slo_ref, shi_ref, den_ref, cnt_ref,
             idx_g, ex_g, ones_v, zrow_v, rows_a, rows_b, sem_a, sem_b,
             acc_sh, sc_sh):
        c = lax.axis_index("c")
        s = lax.axis_index("s")
        wf_ref = wflo_ref
        sc_src = ex_g

        def z1(k, carry):
            rows_a[k // 8, pl.ds((k % 8) * 16, 16)] = jnp.zeros((16,), jnp.float32)
            return carry
        lax.fori_loop(0, CH * 8, z1, 0)

        def z2(k, carry):
            zrow_v[pl.ds(k * 16, 16)] = jnp.zeros((16,), jnp.float32)
            return carry
        lax.fori_loop(0, rows_out // 16, z2, 0)

        for k in range(CH // 16):
            ones_v[pl.ds(k * 16, 16)] = jnp.ones((16,), jnp.float32)

        for k in range(rows_out // CH):
            pltpu.sync_copy(rows_a, acc_sh.at[pl.ds(s * rows_out + k * CH, CH)])
        pltpu.sync_copy(zrow_v, sc_sh.at[pl.ds(s * rows_out, rows_out)])

        plsc.subcore_barrier()

        def group(g, carry):
            grow = s * n_ch + g * gb
            pltpu.sync_copy(dst_ref.at[pl.ds(grow, gb)], idx_g)

            @pl.when(c == 0)
            def _():
                pltpu.sync_copy(ex_ref.at[s * n_g + g, 0, :], ex_g)

            def chunk(j, carry):
                off = (grow + j) * CH
                buf = rows_a if j % 2 == 0 else rows_b
                sem = sem_a if j % 2 == 0 else sem_b
                nbuf = rows_b if j % 2 == 0 else rows_a
                nsem = sem_b if j % 2 == 0 else sem_a
                if j == 0:
                    pltpu.async_copy(wf_ref.at[pl.ds(off, CH)], buf, sem)
                if j + 1 < gb:
                    pltpu.async_copy(
                        wf_ref.at[pl.ds(off + CH, CH)], nbuf, nsem)
                pltpu.make_async_copy(wf_ref.at[pl.ds(off, CH)], buf, sem).wait()
                pltpu.sync_copy(buf, acc_sh.at[idx_g.at[j]], add=True)

                @pl.when(c == 0)
                def _():
                    pltpu.sync_copy(sc_src.at[pl.ds(j * CH, CH)],
                                    sc_sh.at[idx_g.at[j]], add=True)

                @pl.when(c == 1)
                def _():
                    pltpu.sync_copy(ones_v, sc_sh.at[idx_g.at[j]], add=True)

                return carry

            for j in range(gb):
                chunk(j, 0)
            return carry

        @pl.when(c == 0)
        def _():
            lax.fori_loop(0, n_g, group, 0)

        def group1(g, carry):
            grow = s * n_ch + g * gb
            pltpu.sync_copy(dst_ref.at[pl.ds(grow, gb)], idx_g)

            def chunk(j, carry):
                off = (grow + j) * CH
                buf = rows_a if j % 2 == 0 else rows_b
                sem = sem_a if j % 2 == 0 else sem_b
                nbuf = rows_b if j % 2 == 0 else rows_a
                nsem = sem_b if j % 2 == 0 else sem_a
                if j == 0:
                    pltpu.async_copy(wfhi_ref.at[pl.ds(off, CH)], buf, sem)
                if j + 1 < gb:
                    pltpu.async_copy(
                        wfhi_ref.at[pl.ds(off + CH, CH)], nbuf, nsem)
                pltpu.make_async_copy(
                    wfhi_ref.at[pl.ds(off, CH)], buf, sem).wait()
                pltpu.sync_copy(buf, acc_sh.at[idx_g.at[j]], add=True)
                pltpu.sync_copy(ones_v, sc_sh.at[idx_g.at[j]], add=True)
                return carry

            for j in range(gb):
                chunk(j, 0)
            return carry

        @pl.when(c == 1)
        def _():
            lax.fori_loop(0, n_g, group1, 0)

        plsc.subcore_barrier()

        @pl.when(c == 0)
        def _():
            pltpu.sync_copy(acc_sh.at[pl.ds(s * rows_out, rows_out)],
                            slo_ref.at[pl.ds(s * rows_out, rows_out)])
            pltpu.sync_copy(sc_sh.at[pl.ds(s * rows_out, rows_out)],
                            den_ref.at[pl.ds(s * rows_out, rows_out)])

        @pl.when(c == 1)
        def _():
            pltpu.sync_copy(acc_sh.at[pl.ds(s * rows_out, rows_out)],
                            shi_ref.at[pl.ds(s * rows_out, rows_out)])
            pltpu.sync_copy(sc_sh.at[pl.ds(s * rows_out, rows_out)],
                            cnt_ref.at[pl.ds(s * rows_out, rows_out)])

    call = pl.kernel(
        body,
        out_type=[
            jax.ShapeDtypeStruct((n_seg, dlo), jnp.float32),
            jax.ShapeDtypeStruct((n_seg, dlo), jnp.float32),
            jax.ShapeDtypeStruct((n_seg,), jnp.float32),
            jax.ShapeDtypeStruct((n_seg,), jnp.float32),
        ],
        mesh=mesh,
        scratch_types=[
            pltpu.VMEM((gb, CH), jnp.int32),
            pltpu.VMEM((gb * CH,), jnp.float32),
            pltpu.VMEM((CH,), jnp.float32),
            pltpu.VMEM((rows_out,), jnp.float32),
            pltpu.VMEM((CH, dlo), jnp.float32),
            pltpu.VMEM((CH, dlo), jnp.float32),
            pltpu.SemaphoreType.DMA,
            pltpu.SemaphoreType.DMA,
            pltpu.VMEM_SHARED((n_seg, dlo), jnp.float32),
            pltpu.VMEM_SHARED((n_seg,), jnp.float32),
        ],
    )
    return call(wf_lo, wf_hi, ex3, dst2)


def _tc_main(p_t, qj_lo, qj_hi, rat3, op_pad, w1p_t, w1o_t, b1, w2_t, b2,
             wa1f_t, wa1q_lo, wa1q_hi, ba1, wa2_t, ba2):
    e_rows, d = p_t.shape
    h = w1p_t.shape[1]
    be = 1024
    grid = e_rows // be
    d2 = d // 2

    def body(p_ref, qlo_ref, qhi_ref, r_ref, op_ref, w1p_ref, w1o_ref,
             b1_ref, w2_ref, b2_ref, wa1f_ref, wq0_ref, wq1_ref, ba1_ref,
             wa2_ref, ba2_ref, lo_ref, hi_ref, ex_ref):
        opc = (jnp.dot(op_ref[...], w1o_ref[...],
                       preferred_element_type=jnp.float32) + b1_ref[...])
        r = r_ref[0, 0, :]
        oh = (r[:, None] == lax.broadcasted_iota(jnp.int32, (be, 8), 1)
              ).astype(jnp.float32)
        hid = jnp.maximum(
            jnp.dot(p_ref[...], w1p_ref[...], preferred_element_type=jnp.float32)
            + jnp.dot(oh, opc, preferred_element_type=jnp.float32), 0.0)
        f = jnp.dot(hid, w2_ref[...], preferred_element_type=jnp.float32) + b2_ref[...]
        ha = jnp.maximum(
            jnp.dot(f, wa1f_ref[...], preferred_element_type=jnp.float32)
            + jnp.dot(qlo_ref[...], wq0_ref[...],
                      preferred_element_type=jnp.float32)
            + jnp.dot(qhi_ref[...], wq1_ref[...],
                      preferred_element_type=jnp.float32)
            + ba1_ref[...], 0.0)
        mu = jnp.dot(ha, wa2_ref[...], preferred_element_type=jnp.float32) + ba2_ref[...]
        ex = jnp.exp(mu)
        wf = f * ex
        lo_ref[...] = wf[:, :d2]
        hi_ref[...] = wf[:, d2:]
        ex_ref[0, 0, :] = ex[:, 0]

    return pl.pallas_call(
        body,
        grid=(grid,),
        in_specs=[
            pl.BlockSpec((be, d), lambda i: (i, 0)),
            pl.BlockSpec((be, d2), lambda i: (i, 0)),
            pl.BlockSpec((be, d2), lambda i: (i, 0)),
            pl.BlockSpec((1, 1, be), lambda i: (i, 0, 0)),
            pl.BlockSpec((8, d), lambda i: (0, 0)),
            pl.BlockSpec((d, h), lambda i: (0, 0)),
            pl.BlockSpec((d, h), lambda i: (0, 0)),
            pl.BlockSpec((1, h), lambda i: (0, 0)),
            pl.BlockSpec((h, d), lambda i: (0, 0)),
            pl.BlockSpec((1, d), lambda i: (0, 0)),
            pl.BlockSpec((d, h), lambda i: (0, 0)),
            pl.BlockSpec((d2, h), lambda i: (0, 0)),
            pl.BlockSpec((d2, h), lambda i: (0, 0)),
            pl.BlockSpec((1, h), lambda i: (0, 0)),
            pl.BlockSpec((h, 1), lambda i: (0, 0)),
            pl.BlockSpec((1, 1), lambda i: (0, 0)),
        ],
        out_specs=[
            pl.BlockSpec((be, d2), lambda i: (i, 0)),
            pl.BlockSpec((be, d2), lambda i: (i, 0)),
            pl.BlockSpec((1, 1, be), lambda i: (i, 0, 0)),
        ],
        out_shape=[
            jax.ShapeDtypeStruct((e_rows, d2), jnp.float32),
            jax.ShapeDtypeStruct((e_rows, d2), jnp.float32),
            jax.ShapeDtypeStruct((e_rows // be, 1, be), jnp.float32),
        ],
    )(p_t, qj_lo, qj_hi, rat3, op_pad, w1p_t, w1o_t, b1, w2_t, b2,
      wa1f_t, wa1q_lo, wa1q_hi, ba1, wa2_t, ba2)


def _tc_out(sums_lo, sums_hi, denom, counts, wagg_t, bias):
    b_rows, d2 = sums_lo.shape
    d = 2 * d2
    blk = 512
    grid = b_rows // blk
    den2 = denom.reshape(grid, 1, blk)
    cnt2 = counts.reshape(grid, 1, blk)

    def body(lo_ref, hi_ref, den_ref, cnt_ref, wagg_ref, b_ref, z_ref):
        denom_col = den_ref[0, 0, :][:, None]
        counts_col = cnt_ref[0, 0, :][:, None]
        sums = jnp.concatenate([lo_ref[...], hi_ref[...]], axis=1)
        w = sums / jnp.maximum(denom_col, 1e-12)
        z = jnp.maximum(
            jnp.dot(w, wagg_ref[...], preferred_element_type=jnp.float32)
            + b_ref[...], 0.0)
        z_ref[...] = jnp.where(counts_col > 0, z, 0.0)

    return pl.pallas_call(
        body,
        grid=(grid,),
        in_specs=[
            pl.BlockSpec((blk, d2), lambda i: (i, 0)),
            pl.BlockSpec((blk, d2), lambda i: (i, 0)),
            pl.BlockSpec((1, 1, blk), lambda i: (i, 0, 0)),
            pl.BlockSpec((1, 1, blk), lambda i: (i, 0, 0)),
            pl.BlockSpec((d, d), lambda i: (0, 0)),
            pl.BlockSpec((1, d), lambda i: (0, 0)),
        ],
        out_specs=pl.BlockSpec((blk, d), lambda i: (i, 0)),
        out_shape=jax.ShapeDtypeStruct((b_rows, d), jnp.float32),
    )(sums_lo, sums_hi, den2, cnt2, wagg_t, bias)


def kernel(item_emb_qj, user_emb_p, opinion_emb_e, item_idx, edge_user,
           edge_dst, edge_rating, W1, b1, W2, b2, Wa1, ba1, Wa2, ba2,
           W_agg, b_lin, b_agg):
    d = item_emb_qj.shape[1]
    e_rows = edge_user.shape[0]
    b_rows = item_idx.shape[0]
    h = W1.shape[0]

    w1p_t = W1[:, :d].T
    w1o_t = W1[:, d:].T
    wa1f_t = Wa1[:, :d].T
    wa1q_full = Wa1[:, d:].T
    wa1q_lo = wa1q_full[:d // 2, :]
    wa1q_hi = wa1q_full[d // 2:, :]
    w2_t = W2.T
    wa2_t = Wa2.T
    b1r = b1.reshape(1, h)
    b2r = b2.reshape(1, d)
    ba1r = ba1.reshape(1, h)
    ba2r = ba2.reshape(1, 1)
    bias = (b_lin + b_agg).reshape(1, d)
    op_pad = jnp.concatenate(
        [opinion_emb_e, jnp.zeros((8 - opinion_emb_e.shape[0], d),
                                  opinion_emb_e.dtype)], axis=0)
    eu = edge_user.astype(jnp.int32)
    ed = edge_dst.astype(jnp.int32)
    ii = item_idx.astype(jnp.int32)
    be = 1024
    rat3 = edge_rating.astype(jnp.int32).reshape(e_rows // be, 1, be)
    item2 = item_emb_qj.reshape(-1, d // 2)

    p_t, qj_lo, qj_hi = _sc_gather_edges(user_emb_p, eu, item2, ii, ed)
    wf_lo, wf_hi, ex2 = _tc_main(p_t, qj_lo, qj_hi, rat3, op_pad, w1p_t,
                                 w1o_t, b1r, w2_t, b2r, wa1f_t, wa1q_lo,
                                 wa1q_hi, ba1r, wa2_t, ba2r)
    dst2 = ed.reshape(e_rows // CH, CH)
    sums_lo, sums_hi, denom, counts = _sc_segment_sums(
        wf_lo, wf_hi, ex2, dst2, b_rows)
    return _tc_out(sums_lo, sums_hi, denom, counts, W_agg.T, bias)

# --- scband reference (transcript-rebuilt; emitter-appended) ---
"""Pipeline reference for scband-user-aggregation-46076409152414 (READ-ONLY COPY).

The authoritative reference and input builder live on the scoring server;
editing this copy changes nothing except your own understanding.
"""

import jax, jax.numpy as jnp
import numpy as np

D = 256
H = 256
N_ITEMS = 50000
N_USERS = 50000
B = 8192
E = 262144
N_RATINGS = 5


def setup_inputs(seed: int = 0) -> dict:
    key = jax.random.key(seed)
    ks = jax.random.split(key, 16)
    s = 0.05
    inp = {}
    inp["item_emb_qj"] = jax.random.normal(ks[0], (N_ITEMS, D), dtype=jnp.float32)
    inp["user_emb_p"] = jax.random.normal(ks[1], (N_USERS, D), dtype=jnp.float32)
    inp["opinion_emb_e"] = jax.random.normal(ks[2], (N_RATINGS, D), dtype=jnp.float32)
    inp["item_idx"] = jax.random.randint(ks[3], (B,), 0, N_ITEMS, dtype=jnp.int64 if jax.config.read('jax_enable_x64') else jnp.int32)
    inp["edge_user"] = jax.random.randint(ks[4], (E,), 0, N_USERS)
    inp["edge_dst"] = jnp.sort(jax.random.randint(ks[5], (E,), 0, B))
    inp["edge_rating"] = jax.random.randint(ks[6], (E,), 0, N_RATINGS)
    # g_u MLP: Linear(2D, H) -> ReLU -> Linear(H, D)
    inp["W1"] = jax.random.normal(ks[7], (H, 2 * D), dtype=jnp.float32) * s
    inp["b1"] = jnp.zeros((H,), dtype=jnp.float32)
    inp["W2"] = jax.random.normal(ks[8], (D, H), dtype=jnp.float32) * s
    inp["b2"] = jnp.zeros((D,), dtype=jnp.float32)
    # attention_net: Linear(2D, H) -> ReLU -> Linear(H, 1)
    inp["Wa1"] = jax.random.normal(ks[9], (H, 2 * D), dtype=jnp.float32) * s
    inp["ba1"] = jnp.zeros((H,), dtype=jnp.float32)
    inp["Wa2"] = jax.random.normal(ks[10], (1, H), dtype=jnp.float32) * s
    inp["ba2"] = jnp.zeros((1,), dtype=jnp.float32)
    # W_agg Linear(D, D) with std 0.1 init, plus extra b_agg parameter
    inp["W_agg"] = jax.random.normal(ks[11], (D, D), dtype=jnp.float32) * 0.1
    inp["b_lin"] = jnp.zeros((D,), dtype=jnp.float32)
    inp["b_agg"] = jnp.zeros((D,), dtype=jnp.float32)
    return inp


def reference(item_emb_qj, user_emb_p, opinion_emb_e, item_idx, edge_user, edge_dst, edge_rating,
              W1, b1, W2, b2, Wa1, ba1, Wa2, ba2, W_agg, b_lin, b_agg):
    # Edge-list formulation of the per-item python loop: edge e connects
    # user edge_user[e] to batched item slot edge_dst[e] with rating edge_rating[e].
    p_t = user_emb_p[edge_user]                      # [E, D] gather
    e_r = opinion_emb_e[edge_rating]                 # [E, D] gather
    cat1 = jnp.concatenate([p_t, e_r], axis=1)       # [E, 2D]
    h = jax.nn.relu(cat1 @ W1.T + b1)                # g_u layer 1
    f_jt = h @ W2.T + b2                             # [E, D]
    qj = item_emb_qj[item_idx][edge_dst]             # [E, D] double gather
    cat2 = jnp.concatenate([f_jt, qj], axis=1)       # [E, 2D]
    ha = jax.nn.relu(cat2 @ Wa1.T + ba1)
    mu_star = (ha @ Wa2.T + ba2)[:, 0]               # [E]
    # segment softmax over edges grouped by destination item
    seg_max = jax.ops.segment_max(mu_star, edge_dst, num_segments=B)
    seg_max = jnp.where(jnp.isfinite(seg_max), seg_max, 0.0)  # empty segments
    ex = jnp.exp(mu_star - seg_max[edge_dst])
    denom = jax.ops.segment_sum(ex, edge_dst, num_segments=B)
    mu_jt = ex / jnp.maximum(denom[edge_dst], 1e-12)
    sum_weighted_f = jax.ops.segment_sum(mu_jt[:, None] * f_jt, edge_dst, num_segments=B)  # [B, D]
    z = jax.nn.relu(sum_weighted_f @ W_agg.T + b_lin + b_agg)
    # items with no interacting users produce zeros (matches the `if not users_t` branch)
    counts = jax.ops.segment_sum(jnp.ones((E,), dtype=jnp.float32), edge_dst, num_segments=B)
    z = jnp.where(counts[:, None] > 0, z, 0.0)
    return z

if __name__ == "__main__":
    import jax
    _d = setup_inputs()
    print(jax.jit(kernel)(*tuple(_d.values())))

</pallas_src>

<mosaic_0001>
#map = affine_map<(d0, d1) -> (0, 0)>
#map1 = affine_map<(d0, d1) -> (0)>
module attributes {stable_mosaic.version = 14 : i64} {
  func.func @body(%arg0: i32, %arg1: i32, %arg2: memref<50000x256xf32, #tpu.memory_space<hbm>>, %arg3: memref<262144xi32, #tpu.memory_space<hbm>>, %arg4: memref<100000x128xf32, #tpu.memory_space<hbm>>, %arg5: memref<8192xi32, #tpu.memory_space<hbm>>, %arg6: memref<262144xi32, #tpu.memory_space<hbm>>, %arg7: memref<262144x256xf32, #tpu.memory_space<hbm>>, %arg8: memref<262144x128xf32, #tpu.memory_space<hbm>>, %arg9: memref<262144x128xf32, #tpu.memory_space<hbm>>, %arg10: memref<128xi32, #tpu.memory_space<vmem>>, %arg11: memref<128xi32, #tpu.memory_space<vmem>>, %arg12: memref<128xi32, #tpu.memory_space<vmem>>, %arg13: memref<128x256xf32, #tpu.memory_space<vmem>>, %arg14: memref<128x128xf32, #tpu.memory_space<vmem>>, %arg15: memref<!tpu.dma_semaphore, #tpu.memory_space<semaphore_mem>>, %arg16: memref<!tpu.dma_semaphore, #tpu.memory_space<semaphore_mem>>, %arg17: memref<8192x128xf32, #tpu.memory_space<vmem_shared>>) attributes {dimension_semantics = [#tpu.dimension_semantics<core_parallel>, #tpu.dimension_semantics<subcore_parallel>], iteration_bounds = array<i64: 2, 16>, scalar_prefetch = 0 : i64, scratch_operands = 8 : i64, tpu.core_type = #tpu.core_type<sc_vector_subcore>, window_params = [{transform_indices = #map}, {transform_indices = #map1}, {transform_indices = #map}, {transform_indices = #map1}, {transform_indices = #map1}, {transform_indices = #map}, {transform_indices = #map}, {transform_indices = #map}]} {
    %mul3A = arith.constant 2 : i32
    %mul3A_0 = arith.muli %arg1, %mul3A : i32
    %add3A = arith.addi %mul3A_0, %arg0 : i32
    %scan3A = arith.constant 0 : i32
    %scan3A_1 = arith.constant 0 : i32
    %scan3A_2 = arith.constant 4 : i32
    %scan3A_3 = arith.addi %scan3A_1, %scan3A_2 : i32
    %scan3A_4 = arith.constant 1 : i32
    scf.for %scan3A_12 = %scan3A_1 to %scan3A_3 step %scan3A_4  : i32 {
      %mul3A_13 = arith.constant 512 : i32
      %mul3A_14 = arith.muli %arg1, %mul3A_13 : i32
      %mul3A_15 = arith.constant 128 : i32
      %mul3A_16 = arith.muli %scan3A_12, %mul3A_15 : i32
      %add3A_17 = arith.addi %mul3A_14, %mul3A_16 : i32
      "tpu.region"() ({
        %run_scoped3A = tpu.sem_alloc : memref<!tpu.dma_semaphore, #tpu.memory_space<semaphore_mem>>
        %dma_start3A_116 = tpu.memref_slice %arg5[%add3A_17] : memref<8192xi32, #tpu.memory_space<hbm>> -> memref<128xi32, #tpu.memory_space<hbm>>
        %dma_start3A_117 = tpu.memref_slice %arg5[%add3A_17] : memref<8192xi32, #tpu.memory_space<hbm>> -> memref<128xi32, #tpu.memory_space<hbm>>
        tpu.enqueue_dma source(%dma_start3A_117 : memref<128xi32, #tpu.memory_space<hbm>>) target(%arg10 : memref<128xi32, #tpu.memory_space<vmem>>) target_semaphore(%run_scoped3A : memref<!tpu.dma_semaphore, #tpu.memory_space<semaphore_mem>>)
        %dma_wait3A_118 = tpu.memref_slice %arg5[%add3A_17] : memref<8192xi32, #tpu.memory_space<hbm>> -> memref<128xi32, #tpu.memory_space<hbm>>
        %dma_wait3A_119 = tpu.memref_slice %arg5[%add3A_17] : memref<8192xi32, #tpu.memory_space<hbm>> -> memref<128xi32, #tpu.memory_space<hbm>>
        tpu.wait_dma2 semaphore(%run_scoped3A : memref<!tpu.dma_semaphore, #tpu.memory_space<semaphore_mem>>) src(%dma_wait3A_119 : memref<128xi32, #tpu.memory_space<hbm>>) dst(%arg10 : memref<128xi32, #tpu.memory_space<vmem>>)
        tpu.yield
      }) : () -> ()
      %get3A = arith.constant 0 : index
      %get3A_18 = tpu.vector_load %arg10[%get3A] {strides = array<i32>} : memref<128xi32, #tpu.memory_space<vmem>>, vector<16xi32>,
      %get3A_19 = vector.shape_cast %get3A_18 : vector<16xi32> to vector<16xi32>
      %mul3A_20 = arith.constant 2 : i32
      %mul3A_21 = vector.broadcast %mul3A_20 : i32 to vector<16xi32>
      %mul3A_22 = arith.muli %get3A_19, %mul3A_21 : vector<16xi32>
      %add3A_23 = vector.broadcast %arg0 : i32 to vector<16xi32>
      %add3A_24 = arith.addi %mul3A_22, %add3A_23 : vector<16xi32>
      %swap3A = arith.constant 0 : index
      %swap3A_25 = tpu.vector_load %arg11[%swap3A] {strides = array<i32>} : memref<128xi32, #tpu.memory_space<vmem>>, vector<16xi32>,
      %swap3A_26 = vector.shape_cast %swap3A_25 : vector<16xi32> to vector<16xi32>
      %swap3A_27 = vector.shape_cast %add3A_24 : vector<16xi32> to vector<16xi32>
      tpu.vector_store %arg11[%swap3A], %swap3A_27 {strides = array<i32>} : memref<128xi32, #tpu.memory_space<vmem>>, vector<16xi32>,
      %get3A_28 = arith.constant 16 : index
      %get3A_29 = tpu.vector_load %arg10[%get3A_28] {strides = array<i32>} : memref<128xi32, #tpu.memory_space<vmem>>, vector<16xi32>,
      %get3A_30 = vector.shape_cast %get3A_29 : vector<16xi32> to vector<16xi32>
      %mul3A_31 = arith.constant 2 : i32
      %mul3A_32 = vector.broadcast %mul3A_31 : i32 to vector<16xi32>
      %mul3A_33 = arith.muli %get3A_30, %mul3A_32 : vector<16xi32>
      %add3A_34 = vector.broadcast %arg0 : i32 to vector<16xi32>
      %add3A_35 = arith.addi %mul3A_33, %add3A_34 : vector<16xi32>
      %swap3A_36 = arith.constant 16 : index
      %swap3A_37 = tpu.vector_load %arg11[%swap3A_36] {strides = array<i32>} : memref<128xi32, #tpu.memory_space<vmem>>, vector<16xi32>,
      %swap3A_38 = vector.shape_cast %swap3A_37 : vector<16xi32> to vector<16xi32>
      %swap3A_39 = vector.shape_cast %add3A_35 : vector<16xi32> to vector<16xi32>
      tpu.vector_store %arg11[%swap3A_36], %swap3A_39 {strides = array<i32>} : memref<128xi32, #tpu.memory_space<vmem>>, vector<16xi32>,
      %get3A_40 = arith.constant 32 : index
      %get3A_41 = tpu.vector_load %arg10[%get3A_40] {strides = array<i32>} : memref<128xi32, #tpu.memory_space<vmem>>, vector<16xi32>,
      %get3A_42 = vector.shape_cast %get3A_41 : vector<16xi32> to vector<16xi32>
      %mul3A_43 = arith.constant 2 : i32
      %mul3A_44 = vector.broadcast %mul3A_43 : i32 to vector<16xi32>
      %mul3A_45 = arith.muli %get3A_42, %mul3A_44 : vector<16xi32>
      %add3A_46 = vector.broadcast %arg0 : i32 to vector<16xi32>
      %add3A_47 = arith.addi %mul3A_45, %add3A_46 : vector<16xi32>
      %swap3A_48 = arith.constant 32 : index
      %swap3A_49 = tpu.vector_load %arg11[%swap3A_48] {strides = array<i32>} : memref<128xi32, #tpu.memory_space<vmem>>, vector<16xi32>,
      %swap3A_50 = vector.shape_cast %swap3A_49 : vector<16xi32> to vector<16xi32>
      %swap3A_51 = vector.shape_cast %add3A_47 : vector<16xi32> to vector<16xi32>
      tpu.vector_store %arg11[%swap3A_48], %swap3A_51 {strides = array<i32>} : memref<128xi32, #tpu.memory_space<vmem>>, vector<16xi32>,
      %get3A_52 = arith.constant 48 : index
      %get3A_53 = tpu.vector_load %arg10[%get3A_52] {strides = array<i32>} : memref<128xi32, #tpu.memory_space<vmem>>, vector<16xi32>,
      %get3A_54 = vector.shape_cast %get3A_53 : vector<16xi32> to vector<16xi32>
      %mul3A_55 = arith.constant 2 : i32
      %mul3A_56 = vector.broadcast %mul3A_55 : i32 to vector<16xi32>
      %mul3A_57 = arith.muli %get3A_54, %mul3A_56 : vector<16xi32>
      %add3A_58 = vector.broadcast %arg0 : i32 to vector<16xi32>
      %add3A_59 = arith.addi %mul3A_57, %add3A_58 : vector<16xi32>
      %swap3A_60 = arith.constant 48 : index
      %swap3A_61 = tpu.vector_load %arg11[%swap3A_60] {strides = array<i32>} : memref<128xi32, #tpu.memory_space<vmem>>, vector<16xi32>,
      %swap3A_62 = vector.shape_cast %swap3A_61 : vector<16xi32> to vector<16xi32>
      %swap3A_63 = vector.shape_cast %add3A_59 : vector<16xi32> to vector<16xi32>
      tpu.vector_store %arg11[%swap3A_60], %swap3A_63 {strides = array<i32>} : memref<128xi32, #tpu.memory_space<vmem>>, vector<16xi32>,
      %get3A_64 = arith.constant 64 : index
      %get3A_65 = tpu.vector_load %arg10[%get3A_64] {strides = array<i32>} : memref<128xi32, #tpu.memory_space<vmem>>, vector<16xi32>,
      %get3A_66 = vector.shape_cast %get3A_65 : vector<16xi32> to vector<16xi32>
      %mul3A_67 = arith.constant 2 : i32
      %mul3A_68 = vector.broadcast %mul3A_67 : i32 to vector<16xi32>
      %mul3A_69 = arith.muli %get3A_66, %mul3A_68 : vector<16xi32>
      %add3A_70 = vector.broadcast %arg0 : i32 to vector<16xi32>
      %add3A_71 = arith.addi %mul3A_69, %add3A_70 : vector<16xi32>
      %swap3A_72 = arith.constant 64 : index
      %swap3A_73 = tpu.vector_load %arg11[%swap3A_72] {strides = array<i32>} : memref<128xi32, #tpu.memory_space<vmem>>, vector<16xi32>,
      %swap3A_74 = vector.shape_cast %swap3A_73 : vector<16xi32> to vector<16xi32>
      %swap3A_75 = vector.shape_cast %add3A_71 : vector<16xi32> to vector<16xi32>
      tpu.vector_store %arg11[%swap3A_72], %swap3A_75 {strides = array<i32>} : memref<128xi32, #tpu.memory_space<vmem>>, vector<16xi32>,
      %get3A_76 = arith.constant 80 : index
      %get3A_77 = tpu.vector_load %arg10[%get3A_76] {strides = array<i32>} : memref<128xi32, #tpu.memory_space<vmem>>, vector<16xi32>,
      %get3A_78 = vector.shape_cast %get3A_77 : vector<16xi32> to vector<16xi32>
      %mul3A_79 = arith.constant 2 : i32
      %mul3A_80 = vector.broadcast %mul3A_79 : i32 to vector<16xi32>
      %mul3A_81 = arith.muli %get3A_78, %mul3A_80 : vector<16xi32>
      %add3A_82 = vector.broadcast %arg0 : i32 to vector<16xi32>
      %add3A_83 = arith.addi %mul3A_81, %add3A_82 : vector<16xi32>
      %swap3A_84 = arith.constant 80 : index
      %swap3A_85 = tpu.vector_load %arg11[%swap3A_84] {strides = array<i32>} : memref<128xi32, #tpu.memory_space<vmem>>, vector<16xi32>,
      %swap3A_86 = vector.shape_cast %swap3A_85 : vector<16xi32> to vector<16xi32>
      %swap3A_87 = vector.shape_cast %add3A_83 : vector<16xi32> to vector<16xi32>
      tpu.vector_store %arg11[%swap3A_84], %swap3A_87 {strides = array<i32>} : memref<128xi32, #tpu.memory_space<vmem>>, vector<16xi32>,
      %get3A_88 = arith.constant 96 : index
      %get3A_89 = tpu.vector_load %arg10[%get3A_88] {strides = array<i32>} : memref<128xi32, #tpu.memory_space<vmem>>, vector<16xi32>,
      %get3A_90 = vector.shape_cast %get3A_89 : vector<16xi32> to vector<16xi32>
      %mul3A_91 = arith.constant 2 : i32
      %mul3A_92 = vector.broadcast %mul3A_91 : i32 to vector<16xi32>
      %mul3A_93 = arith.muli %get3A_90, %mul3A_92 : vector<16xi32>
      %add3A_94 = vector.broadcast %arg0 : i32 to vector<16xi32>
      %add3A_95 = arith.addi %mul3A_93, %add3A_94 : vector<16xi32>
      %swap3A_96 = arith.constant 96 : index
      %swap3A_97 = tpu.vector_load %arg11[%swap3A_96] {strides = array<i32>} : memref<128xi32, #tpu.memory_space<vmem>>, vector<16xi32>,
      %swap3A_98 = vector.shape_cast %swap3A_97 : vector<16xi32> to vector<16xi32>
      %swap3A_99 = vector.shape_cast %add3A_95 : vector<16xi32> to vector<16xi32>
      tpu.vector_store %arg11[%swap3A_96], %swap3A_99 {strides = array<i32>} : memref<128xi32, #tpu.memory_space<vmem>>, vector<16xi32>,
      %get3A_100 = arith.constant 112 : index
      %get3A_101 = tpu.vector_load %arg10[%get3A_100] {strides = array<i32>} : memref<128xi32, #tpu.memory_space<vmem>>, vector<16xi32>,
      %get3A_102 = vector.shape_cast %get3A_101 : vector<16xi32> to vector<16xi32>
      %mul3A_103 = arith.constant 2 : i32
      %mul3A_104 = vector.broadcast %mul3A_103 : i32 to vector<16xi32>
      %mul3A_105 = arith.muli %get3A_102, %mul3A_104 : vector<16xi32>
      %add3A_106 = vector.broadcast %arg0 : i32 to vector<16xi32>
      %add3A_107 = arith.addi %mul3A_105, %add3A_106 : vector<16xi32>
      %swap3A_108 = arith.constant 112 : index
      %swap3A_109 = tpu.vector_load %arg11[%swap3A_108] {strides = array<i32>} : memref<128xi32, #tpu.memory_space<vmem>>, vector<16xi32>,
      %swap3A_110 = vector.shape_cast %swap3A_109 : vector<16xi32> to vector<16xi32>
      %swap3A_111 = vector.shape_cast %add3A_107 : vector<16xi32> to vector<16xi32>
      tpu.vector_store %arg11[%swap3A_108], %swap3A_111 {strides = array<i32>} : memref<128xi32, #tpu.memory_space<vmem>>, vector<16xi32>,
      %dma_start3A = arith.constant 0 : i32
      %dma_start3A_112 = arith.constant 0 : i32
      %dma_start3A_113 = tpu.memref_slice %arg4[%dma_start3A, %dma_start3A_112] : memref<100000x128xf32, #tpu.memory_space<hbm>> -> memref<100000x128xf32, #tpu.memory_space<hbm>>
      tpu.enqueue_indirect_dma source(%dma_start3A_113 : memref<100000x128xf32, #tpu.memory_space<hbm>>) target(%arg14 : memref<128x128xf32, #tpu.memory_space<vmem>>) offsets(%arg11 : memref<128xi32, #tpu.memory_space<vmem>>) semaphore(%arg15 : memref<!tpu.dma_semaphore, #tpu.memory_space<semaphore_mem>>)
      %dma_wait3A = arith.constant 0 : i32
      %dma_wait3A_114 = arith.constant 0 : i32
      %dma_wait3A_115 = tpu.memref_slice %arg4[%dma_wait3A, %dma_wait3A_114] : memref<100000x128xf32, #tpu.memory_space<hbm>> -> memref<100000x128xf32, #tpu.memory_space<hbm>>
      tpu.wait_indirect_dma semaphore(%arg15 : memref<!tpu.dma_semaphore, #tpu.memory_space<semaphore_mem>>) src(%dma_wait3A_115 : memref<100000x128xf32, #tpu.memory_space<hbm>>) dst(%arg14 : memref<128x128xf32, #tpu.memory_space<vmem>>)
      "tpu.region"() ({
        %run_scoped3A = tpu.sem_alloc : memref<!tpu.dma_semaphore, #tpu.memory_space<semaphore_mem>>
        %dma_start3A_116 = arith.constant 0 : i32
        %dma_start3A_117 = tpu.memref_slice %arg17[%add3A_17, %dma_start3A_116] : memref<8192x128xf32, #tpu.memory_space<vmem_shared>> -> memref<128x128xf32, #tpu.memory_space<vmem_shared>>
        %dma_start3A_118 = arith.constant 0 : i32
        %dma_start3A_119 = tpu.memref_slice %arg17[%add3A_17, %dma_start3A_118] : memref<8192x128xf32, #tpu.memory_space<vmem_shared>> -> memref<128x128xf32, #tpu.memory_space<vmem_shared>>
        tpu.enqueue_dma source(%arg14 : memref<128x128xf32, #tpu.memory_space<vmem>>) target(%dma_start3A_119 : memref<128x128xf32, #tpu.memory_space<vmem_shared>>) target_semaphore(%run_scoped3A : memref<!tpu.dma_semaphore, #tpu.memory_space<semaphore_mem>>)
        %dma_wait3A_120 = arith.constant 0 : i32
        %dma_wait3A_121 = tpu.memref_slice %arg17[%add3A_17, %dma_wait3A_120] : memref<8192x128xf32, #tpu.memory_space<vmem_shared>> -> memref<128x128xf32, #tpu.memory_space<vmem_shared>>
        %dma_wait3A_122 = arith.constant 0 : i32
        %dma_wait3A_123 = tpu.memref_slice %arg17[%add3A_17, %dma_wait3A_122] : memref<8192x128xf32, #tpu.memory_space<vmem_shared>> -> memref<128x128xf32, #tpu.memory_space<vmem_shared>>
        tpu.wait_dma2 semaphore(%run_scoped3A : memref<!tpu.dma_semaphore, #tpu.memory_space<semaphore_mem>>) src(%arg14 : memref<128x128xf32, #tpu.memory_space<vmem>>) dst(%dma_wait3A_123 : memref<128x128xf32, #tpu.memory_space<vmem_shared>>)
        tpu.yield
      }) : () -> ()
    }
    %scan3A_5 = arith.constant 4 : i32
    %barrier3A = arith.constant 0 : index
    tpu.barrier barrier_id(%barrier3A)
    %scan3A_6 = arith.constant 0 : i32
    %scan3A_7 = arith.constant 0 : i32
    %scan3A_8 = arith.constant 128 : i32
    %scan3A_9 = arith.addi %scan3A_7, %scan3A_8 : i32
    %scan3A_10 = arith.constant 1 : i32
    scf.for %scan3A_12 = %scan3A_7 to %scan3A_9 step %scan3A_10  : i32 {
      %mul3A_13 = arith.constant 16384 : i32
      %mul3A_14 = arith.muli %arg1, %mul3A_13 : i32
      %mul3A_15 = arith.constant 128 : i32
      %mul3A_16 = arith.muli %scan3A_12, %mul3A_15 : i32
      %add3A_17 = arith.addi %mul3A_14, %mul3A_16 : i32
      "tpu.region"() ({
        %run_scoped3A = tpu.sem_alloc : memref<!tpu.dma_semaphore, #tpu.memory_space<semaphore_mem>>
        %dma_start3A_33 = tpu.memref_slice %arg6[%add3A_17] : memref<262144xi32, #tpu.memory_space<hbm>> -> memref<128xi32, #tpu.memory_space<hbm>>
        %dma_start3A_34 = tpu.memref_slice %arg6[%add3A_17] : memref<262144xi32, #tpu.memory_space<hbm>> -> memref<128xi32, #tpu.memory_space<hbm>>
        tpu.enqueue_dma source(%dma_start3A_34 : memref<128xi32, #tpu.memory_space<hbm>>) target(%arg12 : memref<128xi32, #tpu.memory_space<vmem>>) target_semaphore(%run_scoped3A : memref<!tpu.dma_semaphore, #tpu.memory_space<semaphore_mem>>)
        %dma_wait3A_35 = tpu.memref_slice %arg6[%add3A_17] : memref<262144xi32, #tpu.memory_space<hbm>> -> memref<128xi32, #tpu.memory_space<hbm>>
        %dma_wait3A_36 = tpu.memref_slice %arg6[%add3A_17] : memref<262144xi32, #tpu.memory_space<hbm>> -> memref<128xi32, #tpu.memory_space<hbm>>
        tpu.wait_dma2 semaphore(%run_scoped3A : memref<!tpu.dma_semaphore, #tpu.memory_space<semaphore_mem>>) src(%dma_wait3A_36 : memref<128xi32, #tpu.memory_space<hbm>>) dst(%arg12 : memref<128xi32, #tpu.memory_space<vmem>>)
        tpu.yield
      }) : () -> ()
      %dma_start3A = arith.constant 0 : i32
      %dma_start3A_18 = arith.constant 0 : i32
      %dma_start3A_19 = tpu.memref_slice %arg17[%dma_start3A, %dma_start3A_18] : memref<8192x128xf32, #tpu.memory_space<vmem_shared>> -> memref<8192x128xf32, #tpu.memory_space<vmem_shared>>
      tpu.enqueue_indirect_dma source(%dma_start3A_19 : memref<8192x128xf32, #tpu.memory_space<vmem_shared>>) target(%arg14 : memref<128x128xf32, #tpu.memory_space<vmem>>) offsets(%arg12 : memref<128xi32, #tpu.memory_space<vmem>>) semaphore(%arg16 : memref<!tpu.dma_semaphore, #tpu.memory_space<semaphore_mem>>)
      %lt3A = arith.constant 64 : i32
      %lt3A_20 = arith.cmpi slt, %scan3A_12, %lt3A : i32
      %convert_element_type3A = arith.extui %lt3A_20 : i1 to i32
      %cond3A = arith.constant 0 : i32
      %cond3A_21 = arith.cmpi ne, %convert_element_type3A, %cond3A : i32
      scf.if %cond3A_21 {
        %mul3A_33 = arith.constant 8192 : i32
        %mul3A_34 = arith.muli %add3A, %mul3A_33 : i32
        %mul3A_35 = arith.constant 128 : i32
        %mul3A_36 = arith.muli %scan3A_12, %mul3A_35 : i32
        %add3A_37 = arith.addi %mul3A_34, %mul3A_36 : i32
        "tpu.region"() ({
          %run_scoped3A = tpu.sem_alloc : memref<!tpu.dma_semaphore, #tpu.memory_space<semaphore_mem>>
          %dma_start3A_44 = tpu.memref_slice %arg3[%add3A_37] : memref<262144xi32, #tpu.memory_space<hbm>> -> memref<128xi32, #tpu.memory_space<hbm>>
          %dma_start3A_45 = tpu.memref_slice %arg3[%add3A_37] : memref<262144xi32, #tpu.memory_space<hbm>> -> memref<128xi32, #tpu.memory_space<hbm>>
          tpu.enqueue_dma source(%dma_start3A_45 : memref<128xi32, #tpu.memory_space<hbm>>) target(%arg10 : memref<128xi32, #tpu.memory_space<vmem>>) target_semaphore(%run_scoped3A : memref<!tpu.dma_semaphore, #tpu.memory_space<semaphore_mem>>)
          %dma_wait3A_46 = tpu.memref_slice %arg3[%add3A_37] : memref<262144xi32, #tpu.memory_space<hbm>> -> memref<128xi32, #tpu.memory_space<hbm>>
          %dma_wait3A_47 = tpu.memref_slice %arg3[%add3A_37] : memref<262144xi32, #tpu.memory_space<hbm>> -> memref<128xi32, #tpu.memory_space<hbm>>
          tpu.wait_dma2 semaphore(%run_scoped3A : memref<!tpu.dma_semaphore, #tpu.memory_space<semaphore_mem>>) src(%dma_wait3A_47 : memref<128xi32, #tpu.memory_space<hbm>>) dst(%arg10 : memref<128xi32, #tpu.memory_space<vmem>>)
          tpu.yield
        }) : () -> ()
        %dma_start3A_38 = arith.constant 0 : i32
        %dma_start3A_39 = arith.constant 0 : i32
        %dma_start3A_40 = tpu.memref_slice %arg2[%dma_start3A_38, %dma_start3A_39] : memref<50000x256xf32, #tpu.memory_space<hbm>> -> memref<50000x256xf32, #tpu.memory_space<hbm>>
        tpu.enqueue_indirect_dma source(%dma_start3A_40 : memref<50000x256xf32, #tpu.memory_space<hbm>>) target(%arg13 : memref<128x256xf32, #tpu.memory_space<vmem>>) offsets(%arg10 : memref<128xi32, #tpu.memory_space<vmem>>) semaphore(%arg15 : memref<!tpu.dma_semaphore, #tpu.memory_space<semaphore_mem>>)
        %dma_wait3A_41 = arith.constant 0 : i32
        %dma_wait3A_42 = arith.constant 0 : i32
        %dma_wait3A_43 = tpu.memref_slice %arg2[%dma_wait3A_41, %dma_wait3A_42] : memref<50000x256xf32, #tpu.memory_space<hbm>> -> memref<50000x256xf32, #tpu.memory_space<hbm>>
        tpu.wait_indirect_dma semaphore(%arg15 : memref<!tpu.dma_semaphore, #tpu.memory_space<semaphore_mem>>) src(%dma_wait3A_43 : memref<50000x256xf32, #tpu.memory_space<hbm>>) dst(%arg13 : memref<128x256xf32, #tpu.memory_space<vmem>>)
        "tpu.region"() ({
          %run_scoped3A = tpu.sem_alloc : memref<!tpu.dma_semaphore, #tpu.memory_space<semaphore_mem>>
          %dma_start3A_44 = arith.constant 0 : i32
          %dma_start3A_45 = tpu.memref_slice %arg7[%add3A_37, %dma_start3A_44] : memref<262144x256xf32, #tpu.memory_space<hbm>> -> memref<128x256xf32, #tpu.memory_space<hbm>>
          %dma_start3A_46 = arith.constant 0 : i32
          %dma_start3A_47 = tpu.memref_slice %arg7[%add3A_37, %dma_start3A_46] : memref<262144x256xf32, #tpu.memory_space<hbm>> -> memref<128x256xf32, #tpu.memory_space<hbm>>
          tpu.enqueue_dma source(%arg13 : memref<128x256xf32, #tpu.memory_space<vmem>>) target(%dma_start3A_47 : memref<128x256xf32, #tpu.memory_space<hbm>>) target_semaphore(%run_scoped3A : memref<!tpu.dma_semaphore, #tpu.memory_space<semaphore_mem>>)
          %dma_wait3A_48 = arith.constant 0 : i32
          %dma_wait3A_49 = tpu.memref_slice %arg7[%add3A_37, %dma_wait3A_48] : memref<262144x256xf32, #tpu.memory_space<hbm>> -> memref<128x256xf32, #tpu.memory_space<hbm>>
          %dma_wait3A_50 = arith.constant 0 : i32
          %dma_wait3A_51 = tpu.memref_slice %arg7[%add3A_37, %dma_wait3A_50] : memref<262144x256xf32, #tpu.memory_space<hbm>> -> memref<128x256xf32, #tpu.memory_space<hbm>>
          tpu.wait_dma2 semaphore(%run_scoped3A : memref<!tpu.dma_semaphore, #tpu.memory_space<semaphore_mem>>) src(%arg13 : memref<128x256xf32, #tpu.memory_space<vmem>>) dst(%dma_wait3A_51 : memref<128x256xf32, #tpu.memory_space<hbm>>)
          tpu.yield
        }) : () -> ()
      } else {
      }
      %dma_wait3A = arith.constant 0 : i32
      %dma_wait3A_22 = arith.constant 0 : i32
      %dma_wait3A_23 = tpu.memref_slice %arg17[%dma_wait3A, %dma_wait3A_22] : memref<8192x128xf32, #tpu.memory_space<vmem_shared>> -> memref<8192x128xf32, #tpu.memory_space<vmem_shared>>
      tpu.wait_indirect_dma semaphore(%arg16 : memref<!tpu.dma_semaphore, #tpu.memory_space<semaphore_mem>>) src(%dma_wait3A_23 : memref<8192x128xf32, #tpu.memory_space<vmem_shared>>) dst(%arg14 : memref<128x128xf32, #tpu.memory_space<vmem>>)
      %eq3A = arith.constant 0 : i32
      %eq3A_24 = arith.cmpi eq, %arg0, %eq3A : i32
      %convert_element_type3A_25 = arith.extui %eq3A_24 : i1 to i32
      %cond3A_26 = arith.constant 0 : i32
      %cond3A_27 = arith.cmpi ne, %convert_element_type3A_25, %cond3A_26 : i32
      scf.if %cond3A_27 {
        "tpu.region"() ({
          %run_scoped3A = tpu.sem_alloc : memref<!tpu.dma_semaphore, #tpu.memory_space<semaphore_mem>>
          %dma_start3A_33 = arith.constant 0 : i32
          %dma_start3A_34 = tpu.memref_slice %arg8[%add3A_17, %dma_start3A_33] : memref<262144x128xf32, #tpu.memory_space<hbm>> -> memref<128x128xf32, #tpu.memory_space<hbm>>
          %dma_start3A_35 = arith.constant 0 : i32
          %dma_start3A_36 = tpu.memref_slice %arg8[%add3A_17, %dma_start3A_35] : memref<262144x128xf32, #tpu.memory_space<hbm>> -> memref<128x128xf32, #tpu.memory_space<hbm>>
          tpu.enqueue_dma source(%arg14 : memref<128x128xf32, #tpu.memory_space<vmem>>) target(%dma_start3A_36 : memref<128x128xf32, #tpu.memory_space<hbm>>) target_semaphore(%run_scoped3A : memref<!tpu.dma_semaphore, #tpu.memory_space<semaphore_mem>>)
          %dma_wait3A_37 = arith.constant 0 : i32
          %dma_wait3A_38 = tpu.memref_slice %arg8[%add3A_17, %dma_wait3A_37] : memref<262144x128xf32, #tpu.memory_space<hbm>> -> memref<128x128xf32, #tpu.memory_space<hbm>>
          %dma_wait3A_39 = arith.constant 0 : i32
          %dma_wait3A_40 = tpu.memref_slice %arg8[%add3A_17, %dma_wait3A_39] : memref<262144x128xf32, #tpu.memory_space<hbm>> -> memref<128x128xf32, #tpu.memory_space<hbm>>
          tpu.wait_dma2 semaphore(%run_scoped3A : memref<!tpu.dma_semaphore, #tpu.memory_space<semaphore_mem>>) src(%arg14 : memref<128x128xf32, #tpu.memory_space<vmem>>) dst(%dma_wait3A_40 : memref<128x128xf32, #tpu.memory_space<hbm>>)
          tpu.yield
        }) : () -> ()
      } else {
      }
      %eq3A_28 = arith.constant 1 : i32
      %eq3A_29 = arith.cmpi eq, %arg0, %eq3A_28 : i32
      %convert_element_type3A_30 = arith.extui %eq3A_29 : i1 to i32
      %cond3A_31 = arith.constant 0 : i32
      %cond3A_32 = arith.cmpi ne, %convert_element_type3A_30, %cond3A_31 : i32
      scf.if %cond3A_32 {
        "tpu.region"() ({
          %run_scoped3A = tpu.sem_alloc : memref<!tpu.dma_semaphore, #tpu.memory_space<semaphore_mem>>
          %dma_start3A_33 = arith.constant 0 : i32
          %dma_start3A_34 = tpu.memref_slice %arg9[%add3A_17, %dma_start3A_33] : memref<262144x128xf32, #tpu.memory_space<hbm>> -> memref<128x128xf32, #tpu.memory_space<hbm>>
          %dma_start3A_35 = arith.constant 0 : i32
          %dma_start3A_36 = tpu.memref_slice %arg9[%add3A_17, %dma_start3A_35] : memref<262144x128xf32, #tpu.memory_space<hbm>> -> memref<128x128xf32, #tpu.memory_space<hbm>>
          tpu.enqueue_dma source(%arg14 : memref<128x128xf32, #tpu.memory_space<vmem>>) target(%dma_start3A_36 : memref<128x128xf32, #tpu.memory_space<hbm>>) target_semaphore(%run_scoped3A : memref<!tpu.dma_semaphore, #tpu.memory_space<semaphore_mem>>)
          %dma_wait3A_37 = arith.constant 0 : i32
          %dma_wait3A_38 = tpu.memref_slice %arg9[%add3A_17, %dma_wait3A_37] : memref<262144x128xf32, #tpu.memory_space<hbm>> -> memref<128x128xf32, #tpu.memory_space<hbm>>
          %dma_wait3A_39 = arith.constant 0 : i32
          %dma_wait3A_40 = tpu.memref_slice %arg9[%add3A_17, %dma_wait3A_39] : memref<262144x128xf32, #tpu.memory_space<hbm>> -> memref<128x128xf32, #tpu.memory_space<hbm>>
          tpu.wait_dma2 semaphore(%run_scoped3A : memref<!tpu.dma_semaphore, #tpu.memory_space<semaphore_mem>>) src(%arg14 : memref<128x128xf32, #tpu.memory_space<vmem>>) dst(%dma_wait3A_40 : memref<128x128xf32, #tpu.memory_space<hbm>>)
          tpu.yield
        }) : () -> ()
      } else {
      }
    }
    %scan3A_11 = arith.constant 128 : i32
    return
  }
}

#map = affine_map<(d0, d1) -> (0, 0)>
#map1 = affine_map<(d0, d1) -> (0, 0, 0)>
#map2 = affine_map<(d0, d1) -> (0)>
module attributes {stable_mosaic.version = 14 : i64} {
  func.func @body(%arg0: i32, %arg1: i32, %arg2: memref<262144x128xf32, #tpu.memory_space<hbm>>, %arg3: memref<262144x128xf32, #tpu.memory_space<hbm>>, %arg4: memref<256x1x1024xf32, #tpu.memory_space<hbm>>, %arg5: memref<2048x128xi32, #tpu.memory_space<hbm>>, %arg6: memref<8192x128xf32, #tpu.memory_space<hbm>>, %arg7: memref<8192x128xf32, #tpu.memory_space<hbm>>, %arg8: memref<8192xf32, #tpu.memory_space<hbm>>, %arg9: memref<8192xf32, #tpu.memory_space<hbm>>, %arg10: memref<8x128xi32, #tpu.memory_space<vmem>>, %arg11: memref<1024xf32, #tpu.memory_space<vmem>>, %arg12: memref<128xf32, #tpu.memory_space<vmem>>, %arg13: memref<512xf32, #tpu.memory_space<vmem>>, %arg14: memref<128x128xf32, #tpu.memory_space<vmem>>, %arg15: memref<128x128xf32, #tpu.memory_space<vmem>>, %arg16: memref<!tpu.dma_semaphore, #tpu.memory_space<semaphore_mem>>, %arg17: memref<!tpu.dma_semaphore, #tpu.memory_space<semaphore_mem>>, %arg18: memref<8192x128xf32, #tpu.memory_space<vmem_shared>>, %arg19: memref<8192xf32, #tpu.memory_space<vmem_shared>>) attributes {dimension_semantics = [#tpu.dimension_semantics<core_parallel>, #tpu.dimension_semantics<subcore_parallel>], iteration_bounds = array<i64: 2, 16>, scalar_prefetch = 0 : i64, scratch_operands = 10 : i64, tpu.core_type = #tpu.core_type<sc_vector_subcore>, window_params = [{transform_indices = #map}, {transform_indices = #map}, {transform_indices = #map1}, {transform_indices = #map}, {transform_indices = #map}, {transform_indices = #map}, {transform_indices = #map2}, {transform_indices = #map2}]} {
    %scan3A = arith.constant 0 : i32
    %scan3A_0 = arith.constant 0 : i32
    %scan3A_1 = arith.constant 1024 : i32
    %scan3A_2 = arith.addi %scan3A_0, %scan3A_1 : i32
    %scan3A_3 = arith.constant 1 : i32
    scf.for %scan3A_91 = %scan3A_0 to %scan3A_2 step %scan3A_3  : i32 {
      %broadcast_in_dim3A_92 = arith.constant 0.000000e+00 : f32
      %broadcast_in_dim3A_93 = vector.broadcast %broadcast_in_dim3A_92 : f32 to vector<16xf32>
      %jit3A = arith.constant 8 : i32
      %div3A = arith.divsi %scan3A_91, %jit3A : i32
      %sign3A = arith.constant 0 : i32
      %sign3A_94 = arith.cmpi sgt, %scan3A_91, %sign3A : i32
      %sign3A_95 = arith.extui %sign3A_94 : i1 to i32
      %sign3A_96 = arith.constant 0 : i32
      %sign3A_97 = arith.cmpi slt, %scan3A_91, %sign3A_96 : i32
      %sign3A_98 = arith.extui %sign3A_97 : i1 to i32
      %sign3A_99 = arith.subi %sign3A_95, %sign3A_98 : i32
      %sign3A_100 = arith.constant 0 : i32
      %sign3A_101 = arith.cmpi sgt, %jit3A, %sign3A_100 : i32
      %sign3A_102 = arith.extui %sign3A_101 : i1 to i32
      %sign3A_103 = arith.constant 0 : i32
      %sign3A_104 = arith.cmpi slt, %jit3A, %sign3A_103 : i32
      %sign3A_105 = arith.extui %sign3A_104 : i1 to i32
      %sign3A_106 = arith.subi %sign3A_102, %sign3A_105 : i32
      %ne3A = arith.cmpi ne, %sign3A_99, %sign3A_106 : i32
      %rem3A = arith.remsi %scan3A_91, %jit3A : i32
      %ne3A_107 = arith.constant 0 : i32
      %ne3A_108 = arith.cmpi ne, %rem3A, %ne3A_107 : i32
      %and3A = arith.andi %ne3A, %ne3A_108 : i1
      %sub3A = arith.constant 1 : i32
      %sub3A_109 = arith.subi %div3A, %sub3A : i32
      %select_n3A = arith.select %and3A, %sub3A_109, %div3A : i32
      %jit3A_110 = arith.constant 8 : i32
      %eq3A_111 = arith.constant 0 : i32
      %eq3A_112 = arith.cmpi eq, %jit3A_110, %eq3A_111 : i32
      %jit3A_113 = arith.constant 1 : i32
      %select_n3A_114 = arith.select %eq3A_112, %jit3A_113, %jit3A_110 : i32
      %rem3A_115 = arith.remsi %scan3A_91, %select_n3A_114 : i32
      %ne3A_116 = arith.constant 0 : i32
      %ne3A_117 = arith.cmpi ne, %rem3A_115, %ne3A_116 : i32
      %lt3A = arith.constant 0 : i32
      %lt3A_118 = arith.cmpi slt, %rem3A_115, %lt3A : i32
      %lt3A_119 = arith.constant 0 : i32
      %lt3A_120 = arith.cmpi slt, %select_n3A_114, %lt3A_119 : i32
      %ne3A_121 = arith.xori %lt3A_118, %lt3A_120 : i1
      %and3A_122 = arith.andi %ne3A_121, %ne3A_117 : i1
      %add3A_123 = arith.addi %rem3A_115, %select_n3A_114 : i32
      %select_n3A_124 = arith.select %and3A_122, %add3A_123, %rem3A_115 : i32
      %mul3A_125 = arith.constant 16 : i32
      %mul3A_126 = arith.muli %select_n3A_124, %mul3A_125 : i32
      %swap3A_127 = arith.index_cast %select_n3A : i32 to index
      %swap3A_128 = arith.index_cast %mul3A_126 : i32 to index
      %swap3A_129 = tpu.vector_load %arg14[%swap3A_127, %swap3A_128] {strides = array<i32>} : memref<128x128xf32, #tpu.memory_space<vmem>>, vector<1x16xf32>,
      %swap3A_130 = vector.shape_cast %swap3A_129 : vector<1x16xf32> to vector<16xf32>
      %swap3A_131 = vector.shape_cast %broadcast_in_dim3A_93 : vector<16xf32> to vector<1x16xf32>
      tpu.vector_store %arg14[%swap3A_127, %swap3A_128], %swap3A_131 {strides = array<i32>} : memref<128x128xf32, #tpu.memory_space<vmem>>, vector<1x16xf32>,
    }
    %scan3A_4 = arith.constant 1024 : i32
    %scan3A_5 = arith.constant 0 : i32
    %scan3A_6 = arith.constant 0 : i32
    %scan3A_7 = arith.constant 32 : i32
    %scan3A_8 = arith.addi %scan3A_6, %scan3A_7 : i32
    %scan3A_9 = arith.constant 1 : i32
    scf.for %scan3A_91 = %scan3A_6 to %scan3A_8 step %scan3A_9  : i32 {
      %broadcast_in_dim3A_92 = arith.constant 0.000000e+00 : f32
      %broadcast_in_dim3A_93 = vector.broadcast %broadcast_in_dim3A_92 : f32 to vector<16xf32>
      %mul3A_94 = arith.constant 16 : i32
      %mul3A_95 = arith.muli %scan3A_91, %mul3A_94 : i32
      %swap3A_96 = arith.index_cast %mul3A_95 : i32 to index
      %swap3A_97 = tpu.vector_load %arg13[%swap3A_96] {strides = array<i32>} : memref<512xf32, #tpu.memory_space<vmem>>, vector<16xf32>,
      %swap3A_98 = vector.shape_cast %swap3A_97 : vector<16xf32> to vector<16xf32>
      %swap3A_99 = vector.shape_cast %broadcast_in_dim3A_93 : vector<16xf32> to vector<16xf32>
      tpu.vector_store %arg13[%swap3A_96], %swap3A_99 {strides = array<i32>} : memref<512xf32, #tpu.memory_space<vmem>>, vector<16xf32>,
    }
    %scan3A_10 = arith.constant 32 : i32
    %broadcast_in_dim3A = arith.constant 1.000000e+00 : f32
    %broadcast_in_dim3A_11 = vector.broadcast %broadcast_in_dim3A : f32 to vector<16xf32>
    %swap3A = arith.constant 0 : index
    %swap3A_12 = tpu.vector_load %arg12[%swap3A] {strides = array<i32>} : memref<128xf32, #tpu.memory_space<vmem>>, vector<16xf32>,
    %swap3A_13 = vector.shape_cast %swap3A_12 : vector<16xf32> to vector<16xf32>
    %swap3A_14 = vector.shape_cast %broadcast_in_dim3A_11 : vector<16xf32> to vector<16xf32>
    tpu.vector_store %arg12[%swap3A], %swap3A_14 {strides = array<i32>} : memref<128xf32, #tpu.memory_space<vmem>>, vector<16xf32>,
    %broadcast_in_dim3A_15 = arith.constant 1.000000e+00 : f32
    %broadcast_in_dim3A_16 = vector.broadcast %broadcast_in_dim3A_15 : f32 to vector<16xf32>
    %swap3A_17 = arith.constant 16 : index
    %swap3A_18 = tpu.vector_load %arg12[%swap3A_17] {strides = array<i32>} : memref<128xf32, #tpu.memory_space<vmem>>, vector<16xf32>,
    %swap3A_19 = vector.shape_cast %swap3A_18 : vector<16xf32> to vector<16xf32>
    %swap3A_20 = vector.shape_cast %broadcast_in_dim3A_16 : vector<16xf32> to vector<16xf32>
    tpu.vector_store %arg12[%swap3A_17], %swap3A_20 {strides = array<i32>} : memref<128xf32, #tpu.memory_space<vmem>>, vector<16xf32>,
    %broadcast_in_dim3A_21 = arith.constant 1.000000e+00 : f32
    %broadcast_in_dim3A_22 = vector.broadcast %broadcast_in_dim3A_21 : f32 to vector<16xf32>
    %swap3A_23 = arith.constant 32 : index
    %swap3A_24 = tpu.vector_load %arg12[%swap3A_23] {strides = array<i32>} : memref<128xf32, #tpu.memory_space<vmem>>, vector<16xf32>,
    %swap3A_25 = vector.shape_cast %swap3A_24 : vector<16xf32> to vector<16xf32>
    %swap3A_26 = vector.shape_cast %broadcast_in_dim3A_22 : vector<16xf32> to vector<16xf32>
    tpu.vector_store %arg12[%swap3A_23], %swap3A_26 {strides = array<i32>} : memref<128xf32, #tpu.memory_space<vmem>>, vector<16xf32>,
    %broadcast_in_dim3A_27 = arith.constant 1.000000e+00 : f32
    %broadcast_in_dim3A_28 = vector.broadcast %broadcast_in_dim3A_27 : f32 to vector<16xf32>
    %swap3A_29 = arith.constant 48 : index
    %swap3A_30 = tpu.vector_load %arg12[%swap3A_29] {strides = array<i32>} : memref<128xf32, #tpu.memory_space<vmem>>, vector<16xf32>,
    %swap3A_31 = vector.shape_cast %swap3A_30 : vector<16xf32> to vector<16xf32>
    %swap3A_32 = vector.shape_cast %broadcast_in_dim3A_28 : vector<16xf32> to vector<16xf32>
    tpu.vector_store %arg12[%swap3A_29], %swap3A_32 {strides = array<i32>} : memref<128xf32, #tpu.memory_space<vmem>>, vector<16xf32>,
    %broadcast_in_dim3A_33 = arith.constant 1.000000e+00 : f32
    %broadcast_in_dim3A_34 = vector.broadcast %broadcast_in_dim3A_33 : f32 to vector<16xf32>
    %swap3A_35 = arith.constant 64 : index
    %swap3A_36 = tpu.vector_load %arg12[%swap3A_35] {strides = array<i32>} : memref<128xf32, #tpu.memory_space<vmem>>, vector<16xf32>,
    %swap3A_37 = vector.shape_cast %swap3A_36 : vector<16xf32> to vector<16xf32>
    %swap3A_38 = vector.shape_cast %broadcast_in_dim3A_34 : vector<16xf32> to vector<16xf32>
    tpu.vector_store %arg12[%swap3A_35], %swap3A_38 {strides = array<i32>} : memref<128xf32, #tpu.memory_space<vmem>>, vector<16xf32>,
    %broadcast_in_dim3A_39 = arith.constant 1.000000e+00 : f32
    %broadcast_in_dim3A_40 = vector.broadcast %broadcast_in_dim3A_39 : f32 to vector<16xf32>
    %swap3A_41 = arith.constant 80 : index
    %swap3A_42 = tpu.vector_load %arg12[%swap3A_41] {strides = array<i32>} : memref<128xf32, #tpu.memory_space<vmem>>, vector<16xf32>,
    %swap3A_43 = vector.shape_cast %swap3A_42 : vector<16xf32> to vector<16xf32>
    %swap3A_44 = vector.shape_cast %broadcast_in_dim3A_40 : vector<16xf32> to vector<16xf32>
    tpu.vector_store %arg12[%swap3A_41], %swap3A_44 {strides = array<i32>} : memref<128xf32, #tpu.memory_space<vmem>>, vector<16xf32>,
    %broadcast_in_dim3A_45 = arith.constant 1.000000e+00 : f32
    %broadcast_in_dim3A_46 = vector.broadcast %broadcast_in_dim3A_45 : f32 to vector<16xf32>
    %swap3A_47 = arith.constant 96 : index
    %swap3A_48 = tpu.vector_load %arg12[%swap3A_47] {strides = array<i32>} : memref<128xf32, #tpu.memory_space<vmem>>, vector<16xf32>,
    %swap3A_49 = vector.shape_cast %swap3A_48 : vector<16xf32> to vector<16xf32>
    %swap3A_50 = vector.shape_cast %broadcast_in_dim3A_46 : vector<16xf32> to vector<16xf32>
    tpu.vector_store %arg12[%swap3A_47], %swap3A_50 {strides = array<i32>} : memref<128xf32, #tpu.memory_space<vmem>>, vector<16xf32>,
    %broadcast_in_dim3A_51 = arith.constant 1.000000e+00 : f32
    %broadcast_in_dim3A_52 = vector.broadcast %broadcast_in_dim3A_51 : f32 to vector<16xf32>
    %swap3A_53 = arith.constant 112 : index
    %swap3A_54 = tpu.vector_load %arg12[%swap3A_53] {strides = array<i32>} : memref<128xf32, #tpu.memory_space<vmem>>, vector<16xf32>,
    %swap3A_55 = vector.shape_cast %swap3A_54 : vector<16xf32> to vector<16xf32>
    %swap3A_56 = vector.shape_cast %broadcast_in_dim3A_52 : vector<16xf32> to vector<16xf32>
    tpu.vector_store %arg12[%swap3A_53], %swap3A_56 {strides = array<i32>} : memref<128xf32, #tpu.memory_space<vmem>>, vector<16xf32>,
    %mul3A = arith.constant 512 : i32
    %mul3A_57 = arith.muli %arg1, %mul3A : i32
    %add3A = arith.constant 0 : i32
    %add3A_58 = arith.addi %mul3A_57, %add3A : i32
    "tpu.region"() ({
      %run_scoped3A = tpu.sem_alloc : memref<!tpu.dma_semaphore, #tpu.memory_space<semaphore_mem>>
      %dma_start3A = arith.constant 0 : i32
      %dma_start3A_91 = tpu.memref_slice %arg18[%add3A_58, %dma_start3A] : memref<8192x128xf32, #tpu.memory_space<vmem_shared>> -> memref<128x128xf32, #tpu.memory_space<vmem_shared>>
      %dma_start3A_92 = arith.constant 0 : i32
      %dma_start3A_93 = tpu.memref_slice %arg18[%add3A_58, %dma_start3A_92] : memref<8192x128xf32, #tpu.memory_space<vmem_shared>> -> memref<128x128xf32, #tpu.memory_space<vmem_shared>>
      tpu.enqueue_dma source(%arg14 : memref<128x128xf32, #tpu.memory_space<vmem>>) target(%dma_start3A_93 : memref<128x128xf32, #tpu.memory_space<vmem_shared>>) target_semaphore(%run_scoped3A : memref<!tpu.dma_semaphore, #tpu.memory_space<semaphore_mem>>)
      %dma_wait3A = arith.constant 0 : i32
      %dma_wait3A_94 = tpu.memref_slice %arg18[%add3A_58, %dma_wait3A] : memref<8192x128xf32, #tpu.memory_space<vmem_shared>> -> memref<128x128xf32, #tpu.memory_space<vmem_shared>>
      %dma_wait3A_95 = arith.constant 0 : i32
      %dma_wait3A_96 = tpu.memref_slice %arg18[%add3A_58, %dma_wait3A_95] : memref<8192x128xf32, #tpu.memory_space<vmem_shared>> -> memref<128x128xf32, #tpu.memory_space<vmem_shared>>
      tpu.wait_dma2 semaphore(%run_scoped3A : memref<!tpu.dma_semaphore, #tpu.memory_space<semaphore_mem>>) src(%arg14 : memref<128x128xf32, #tpu.memory_space<vmem>>) dst(%dma_wait3A_96 : memref<128x128xf32, #tpu.memory_space<vmem_shared>>)
      tpu.yield
    }) : () -> ()
    %mul3A_59 = arith.constant 512 : i32
    %mul3A_60 = arith.muli %arg1, %mul3A_59 : i32
    %add3A_61 = arith.constant 128 : i32
    %add3A_62 = arith.addi %mul3A_60, %add3A_61 : i32
    "tpu.region"() ({
      %run_scoped3A = tpu.sem_alloc : memref<!tpu.dma_semaphore, #tpu.memory_space<semaphore_mem>>
      %dma_start3A = arith.constant 0 : i32
      %dma_start3A_91 = tpu.memref_slice %arg18[%add3A_62, %dma_start3A] : memref<8192x128xf32, #tpu.memory_space<vmem_shared>> -> memref<128x128xf32, #tpu.memory_space<vmem_shared>>
      %dma_start3A_92 = arith.constant 0 : i32
      %dma_start3A_93 = tpu.memref_slice %arg18[%add3A_62, %dma_start3A_92] : memref<8192x128xf32, #tpu.memory_space<vmem_shared>> -> memref<128x128xf32, #tpu.memory_space<vmem_shared>>
      tpu.enqueue_dma source(%arg14 : memref<128x128xf32, #tpu.memory_space<vmem>>) target(%dma_start3A_93 : memref<128x128xf32, #tpu.memory_space<vmem_shared>>) target_semaphore(%run_scoped3A : memref<!tpu.dma_semaphore, #tpu.memory_space<semaphore_mem>>)
      %dma_wait3A = arith.constant 0 : i32
      %dma_wait3A_94 = tpu.memref_slice %arg18[%add3A_62, %dma_wait3A] : memref<8192x128xf32, #tpu.memory_space<vmem_shared>> -> memref<128x128xf32, #tpu.memory_space<vmem_shared>>
      %dma_wait3A_95 = arith.constant 0 : i32
      %dma_wait3A_96 = tpu.memref_slice %arg18[%add3A_62, %dma_wait3A_95] : memref<8192x128xf32, #tpu.memory_space<vmem_shared>> -> memref<128x128xf32, #tpu.memory_space<vmem_shared>>
      tpu.wait_dma2 semaphore(%run_scoped3A : memref<!tpu.dma_semaphore, #tpu.memory_space<semaphore_mem>>) src(%arg14 : memref<128x128xf32, #tpu.memory_space<vmem>>) dst(%dma_wait3A_96 : memref<128x128xf32, #tpu.memory_space<vmem_shared>>)
      tpu.yield
    }) : () -> ()
    %mul3A_63 = arith.constant 512 : i32
    %mul3A_64 = arith.muli %arg1, %mul3A_63 : i32
    %add3A_65 = arith.constant 256 : i32
    %add3A_66 = arith.addi %mul3A_64, %add3A_65 : i32
    "tpu.region"() ({
      %run_scoped3A = tpu.sem_alloc : memref<!tpu.dma_semaphore, #tpu.memory_space<semaphore_mem>>
      %dma_start3A = arith.constant 0 : i32
      %dma_start3A_91 = tpu.memref_slice %arg18[%add3A_66, %dma_start3A] : memref<8192x128xf32, #tpu.memory_space<vmem_shared>> -> memref<128x128xf32, #tpu.memory_space<vmem_shared>>
      %dma_start3A_92 = arith.constant 0 : i32
      %dma_start3A_93 = tpu.memref_slice %arg18[%add3A_66, %dma_start3A_92] : memref<8192x128xf32, #tpu.memory_space<vmem_shared>> -> memref<128x128xf32, #tpu.memory_space<vmem_shared>>
      tpu.enqueue_dma source(%arg14 : memref<128x128xf32, #tpu.memory_space<vmem>>) target(%dma_start3A_93 : memref<128x128xf32, #tpu.memory_space<vmem_shared>>) target_semaphore(%run_scoped3A : memref<!tpu.dma_semaphore, #tpu.memory_space<semaphore_mem>>)
      %dma_wait3A = arith.constant 0 : i32
      %dma_wait3A_94 = tpu.memref_slice %arg18[%add3A_66, %dma_wait3A] : memref<8192x128xf32, #tpu.memory_space<vmem_shared>> -> memref<128x128xf32, #tpu.memory_space<vmem_shared>>
      %dma_wait3A_95 = arith.constant 0 : i32
      %dma_wait3A_96 = tpu.memref_slice %arg18[%add3A_66, %dma_wait3A_95] : memref<8192x128xf32, #tpu.memory_space<vmem_shared>> -> memref<128x128xf32, #tpu.memory_space<vmem_shared>>
      tpu.wait_dma2 semaphore(%run_scoped3A : memref<!tpu.dma_semaphore, #tpu.memory_space<semaphore_mem>>) src(%arg14 : memref<128x128xf32, #tpu.memory_space<vmem>>) dst(%dma_wait3A_96 : memref<128x128xf32, #tpu.memory_space<vmem_shared>>)
      tpu.yield
    }) : () -> ()
    %mul3A_67 = arith.constant 512 : i32
    %mul3A_68 = arith.muli %arg1, %mul3A_67 : i32
    %add3A_69 = arith.constant 384 : i32
    %add3A_70 = arith.addi %mul3A_68, %add3A_69 : i32
    "tpu.region"() ({
      %run_scoped3A = tpu.sem_alloc : memref<!tpu.dma_semaphore, #tpu.memory_space<semaphore_mem>>
      %dma_start3A = arith.constant 0 : i32
      %dma_start3A_91 = tpu.memref_slice %arg18[%add3A_70, %dma_start3A] : memref<8192x128xf32, #tpu.memory_space<vmem_shared>> -> memref<128x128xf32, #tpu.memory_space<vmem_shared>>
      %dma_start3A_92 = arith.constant 0 : i32
      %dma_start3A_93 = tpu.memref_slice %arg18[%add3A_70, %dma_start3A_92] : memref<8192x128xf32, #tpu.memory_space<vmem_shared>> -> memref<128x128xf32, #tpu.memory_space<vmem_shared>>
      tpu.enqueue_dma source(%arg14 : memref<128x128xf32, #tpu.memory_space<vmem>>) target(%dma_start3A_93 : memref<128x128xf32, #tpu.memory_space<vmem_shared>>) target_semaphore(%run_scoped3A : memref<!tpu.dma_semaphore, #tpu.memory_space<semaphore_mem>>)
      %dma_wait3A = arith.constant 0 : i32
      %dma_wait3A_94 = tpu.memref_slice %arg18[%add3A_70, %dma_wait3A] : memref<8192x128xf32, #tpu.memory_space<vmem_shared>> -> memref<128x128xf32, #tpu.memory_space<vmem_shared>>
      %dma_wait3A_95 = arith.constant 0 : i32
      %dma_wait3A_96 = tpu.memref_slice %arg18[%add3A_70, %dma_wait3A_95] : memref<8192x128xf32, #tpu.memory_space<vmem_shared>> -> memref<128x128xf32, #tpu.memory_space<vmem_shared>>
      tpu.wait_dma2 semaphore(%run_scoped3A : memref<!tpu.dma_semaphore, #tpu.memory_space<semaphore_mem>>) src(%arg14 : memref<128x128xf32, #tpu.memory_space<vmem>>) dst(%dma_wait3A_96 : memref<128x128xf32, #tpu.memory_space<vmem_shared>>)
      tpu.yield
    }) : () -> ()
    %mul3A_71 = arith.constant 512 : i32
    %mul3A_72 = arith.muli %arg1, %mul3A_71 : i32
    "tpu.region"() ({
      %run_scoped3A = tpu.sem_alloc : memref<!tpu.dma_semaphore, #tpu.memory_space<semaphore_mem>>
      %dma_start3A = tpu.memref_slice %arg19[%mul3A_72] : memref<8192xf32, #tpu.memory_space<vmem_shared>> -> memref<512xf32, #tpu.memory_space<vmem_shared>>
      %dma_start3A_91 = tpu.memref_slice %arg19[%mul3A_72] : memref<8192xf32, #tpu.memory_space<vmem_shared>> -> memref<512xf32, #tpu.memory_space<vmem_shared>>
      tpu.enqueue_dma source(%arg13 : memref<512xf32, #tpu.memory_space<vmem>>) target(%dma_start3A_91 : memref<512xf32, #tpu.memory_space<vmem_shared>>) target_semaphore(%run_scoped3A : memref<!tpu.dma_semaphore, #tpu.memory_space<semaphore_mem>>)
      %dma_wait3A = tpu.memref_slice %arg19[%mul3A_72] : memref<8192xf32, #tpu.memory_space<vmem_shared>> -> memref<512xf32, #tpu.memory_space<vmem_shared>>
      %dma_wait3A_92 = tpu.memref_slice %arg19[%mul3A_72] : memref<8192xf32, #tpu.memory_space<vmem_shared>> -> memref<512xf32, #tpu.memory_space<vmem_shared>>
      tpu.wait_dma2 semaphore(%run_scoped3A : memref<!tpu.dma_semaphore, #tpu.memory_space<semaphore_mem>>) src(%arg13 : memref<512xf32, #tpu.memory_space<vmem>>) dst(%dma_wait3A_92 : memref<512xf32, #tpu.memory_space<vmem_shared>>)
      tpu.yield
    }) : () -> ()
    %barrier3A = arith.constant 0 : index
    tpu.barrier barrier_id(%barrier3A)
    %eq3A = arith.constant 0 : i32
    %eq3A_73 = arith.cmpi eq, %arg0, %eq3A : i32
    %convert_element_type3A = arith.extui %eq3A_73 : i1 to i32
    %cond3A = arith.constant 0 : i32
    %cond3A_74 = arith.cmpi ne, %convert_element_type3A, %cond3A : i32
    scf.if %cond3A_74 {
      %scan3A_91 = arith.constant 0 : i32
      %scan3A_92 = arith.constant 0 : i32
      %scan3A_93 = arith.constant 16 : i32
      %scan3A_94 = arith.addi %scan3A_92, %scan3A_93 : i32
      %scan3A_95 = arith.constant 1 : i32
      scf.for %scan3A_97 = %scan3A_92 to %scan3A_94 step %scan3A_95  : i32 {
        %mul3A_98 = arith.constant 128 : i32
        %mul3A_99 = arith.muli %arg1, %mul3A_98 : i32
        %mul3A_100 = arith.constant 8 : i32
        %mul3A_101 = arith.muli %scan3A_97, %mul3A_100 : i32
        %add3A_102 = arith.addi %mul3A_99, %mul3A_101 : i32
        "tpu.region"() ({
          %run_scoped3A_303 = tpu.sem_alloc : memref<!tpu.dma_semaphore, #tpu.memory_space<semaphore_mem>>
          %dma_start3A_304 = arith.constant 0 : i32
          %dma_start3A_305 = tpu.memref_slice %arg5[%add3A_102, %dma_start3A_304] : memref<2048x128xi32, #tpu.memory_space<hbm>> -> memref<8x128xi32, #tpu.memory_space<hbm>>
          %dma_start3A_306 = arith.constant 0 : i32
          %dma_start3A_307 = tpu.memref_slice %arg5[%add3A_102, %dma_start3A_306] : memref<2048x128xi32, #tpu.memory_space<hbm>> -> memref<8x128xi32, #tpu.memory_space<hbm>>
          tpu.enqueue_dma source(%dma_start3A_307 : memref<8x128xi32, #tpu.memory_space<hbm>>) target(%arg10 : memref<8x128xi32, #tpu.memory_space<vmem>>) target_semaphore(%run_scoped3A_303 : memref<!tpu.dma_semaphore, #tpu.memory_space<semaphore_mem>>)
          %dma_wait3A_308 = arith.constant 0 : i32
          %dma_wait3A_309 = tpu.memref_slice %arg5[%add3A_102, %dma_wait3A_308] : memref<2048x128xi32, #tpu.memory_space<hbm>> -> memref<8x128xi32, #tpu.memory_space<hbm>>
          %dma_wait3A_310 = arith.constant 0 : i32
          %dma_wait3A_311 = tpu.memref_slice %arg5[%add3A_102, %dma_wait3A_310] : memref<2048x128xi32, #tpu.memory_space<hbm>> -> memref<8x128xi32, #tpu.memory_space<hbm>>
          tpu.wait_dma2 semaphore(%run_scoped3A_303 : memref<!tpu.dma_semaphore, #tpu.memory_space<semaphore_mem>>) src(%dma_wait3A_311 : memref<8x128xi32, #tpu.memory_space<hbm>>) dst(%arg10 : memref<8x128xi32, #tpu.memory_space<vmem>>)
          tpu.yield
        }) : () -> ()
        %eq3A_103 = arith.constant 0 : i32
        %eq3A_104 = arith.cmpi eq, %arg0, %eq3A_103 : i32
        %convert_element_type3A_105 = arith.extui %eq3A_104 : i1 to i32
        %cond3A_106 = arith.constant 0 : i32
        %cond3A_107 = arith.cmpi ne, %convert_element_type3A_105, %cond3A_106 : i32
        scf.if %cond3A_107 {
          %mul3A_303 = arith.constant 16 : i32
          %mul3A_304 = arith.muli %arg1, %mul3A_303 : i32
          %add3A_305 = arith.addi %mul3A_304, %scan3A_97 : i32
          %run_scoped3A_306 = arith.constant 0 : i32
          "tpu.region"() ({
            %run_scoped3A_307 = tpu.sem_alloc : memref<!tpu.dma_semaphore, #tpu.memory_space<semaphore_mem>>
            %dma_start3A_308 = arith.constant 0 : i32
            %dma_start3A_309 = tpu.memref_slice %arg4[%add3A_305, %run_scoped3A_306, %dma_start3A_308] : memref<256x1x1024xf32, #tpu.memory_space<hbm>> -> memref<1x1x1024xf32, #tpu.memory_space<hbm>>
            %dma_start3A_310 = tpu.memref_squeeze %dma_start3A_309 : memref<1x1x1024xf32, #tpu.memory_space<hbm>> -> memref<1024xf32, #tpu.memory_space<hbm>>
            %dma_start3A_311 = arith.constant 0 : i32
            %dma_start3A_312 = tpu.memref_slice %arg4[%add3A_305, %run_scoped3A_306, %dma_start3A_311] : memref<256x1x1024xf32, #tpu.memory_space<hbm>> -> memref<1x1x1024xf32, #tpu.memory_space<hbm>>
            %dma_start3A_313 = tpu.memref_squeeze %dma_start3A_312 : memref<1x1x1024xf32, #tpu.memory_space<hbm>> -> memref<1024xf32, #tpu.memory_space<hbm>>
            tpu.enqueue_dma source(%dma_start3A_313 : memref<1024xf32, #tpu.memory_space<hbm>>) target(%arg11 : memref<1024xf32, #tpu.memory_space<vmem>>) target_semaphore(%run_scoped3A_307 : memref<!tpu.dma_semaphore, #tpu.memory_space<semaphore_mem>>)
            %dma_wait3A_314 = arith.constant 0 : i32
            %dma_wait3A_315 = tpu.memref_slice %arg4[%add3A_305, %run_scoped3A_306, %dma_wait3A_314] : memref<256x1x1024xf32, #tpu.memory_space<hbm>> -> memref<1x1x1024xf32, #tpu.memory_space<hbm>>
            %dma_wait3A_316 = tpu.memref_squeeze %dma_wait3A_315 : memref<1x1x1024xf32, #tpu.memory_space<hbm>> -> memref<1024xf32, #tpu.memory_space<hbm>>
            %dma_wait3A_317 = arith.constant 0 : i32
            %dma_wait3A_318 = tpu.memref_slice %arg4[%add3A_305, %run_scoped3A_306, %dma_wait3A_317] : memref<256x1x1024xf32, #tpu.memory_space<hbm>> -> memref<1x1x1024xf32, #tpu.memory_space<hbm>>
            %dma_wait3A_319 = tpu.memref_squeeze %dma_wait3A_318 : memref<1x1x1024xf32, #tpu.memory_space<hbm>> -> memref<1024xf32, #tpu.memory_space<hbm>>
            tpu.wait_dma2 semaphore(%run_scoped3A_307 : memref<!tpu.dma_semaphore, #tpu.memory_space<semaphore_mem>>) src(%dma_wait3A_319 : memref<1024xf32, #tpu.memory_space<hbm>>) dst(%arg11 : memref<1024xf32, #tpu.memory_space<vmem>>)
            tpu.yield
          }) : () -> ()
        } else {
        }
        %add3A_108 = arith.constant 0 : i32
        %add3A_109 = arith.addi %add3A_102, %add3A_108 : i32
        %mul3A_110 = arith.constant 128 : i32
        %mul3A_111 = arith.muli %add3A_109, %mul3A_110 : i32
        %dma_start3A = arith.constant 0 : i32
        %dma_start3A_112 = tpu.memref_slice %arg2[%mul3A_111, %dma_start3A] : memref<262144x128xf32, #tpu.memory_space<hbm>> -> memref<128x128xf32, #tpu.memory_space<hbm>>
        %dma_start3A_113 = arith.constant 0 : i32
        %dma_start3A_114 = tpu.memref_slice %arg2[%mul3A_111, %dma_start3A_113] : memref<262144x128xf32, #tpu.memory_space<hbm>> -> memref<128x128xf32, #tpu.memory_space<hbm>>
        tpu.enqueue_dma source(%dma_start3A_114 : memref<128x128xf32, #tpu.memory_space<hbm>>) target(%arg14 : memref<128x128xf32, #tpu.memory_space<vmem>>) target_semaphore(%arg16 : memref<!tpu.dma_semaphore, #tpu.memory_space<semaphore_mem>>)
        %add3A_115 = arith.constant 128 : i32
        %add3A_116 = arith.addi %mul3A_111, %add3A_115 : i32
        %dma_start3A_117 = arith.constant 0 : i32
        %dma_start3A_118 = tpu.memref_slice %arg2[%add3A_116, %dma_start3A_117] : memref<262144x128xf32, #tpu.memory_space<hbm>> -> memref<128x128xf32, #tpu.memory_space<hbm>>
        %dma_start3A_119 = arith.constant 0 : i32
        %dma_start3A_120 = tpu.memref_slice %arg2[%add3A_116, %dma_start3A_119] : memref<262144x128xf32, #tpu.memory_space<hbm>> -> memref<128x128xf32, #tpu.memory_space<hbm>>
        tpu.enqueue_dma source(%dma_start3A_120 : memref<128x128xf32, #tpu.memory_space<hbm>>) target(%arg15 : memref<128x128xf32, #tpu.memory_space<vmem>>) target_semaphore(%arg17 : memref<!tpu.dma_semaphore, #tpu.memory_space<semaphore_mem>>)
        %dma_wait3A = arith.constant 0 : i32
        %dma_wait3A_121 = tpu.memref_slice %arg2[%mul3A_111, %dma_wait3A] : memref<262144x128xf32, #tpu.memory_space<hbm>> -> memref<128x128xf32, #tpu.memory_space<hbm>>
        %dma_wait3A_122 = arith.constant 0 : i32
        %dma_wait3A_123 = tpu.memref_slice %arg2[%mul3A_111, %dma_wait3A_122] : memref<262144x128xf32, #tpu.memory_space<hbm>> -> memref<128x128xf32, #tpu.memory_space<hbm>>
        tpu.wait_dma2 semaphore(%arg16 : memref<!tpu.dma_semaphore, #tpu.memory_space<semaphore_mem>>) src(%dma_wait3A_123 : memref<128x128xf32, #tpu.memory_space<hbm>>) dst(%arg14 : memref<128x128xf32, #tpu.memory_space<vmem>>)
        %run_scoped3A = arith.constant 0 : i32
        "tpu.region"() ({
          %run_scoped3A_303 = tpu.sem_alloc : memref<!tpu.dma_semaphore, #tpu.memory_space<semaphore_mem>>
          %dma_start3A_304 = arith.constant 0 : i32
          %dma_start3A_305 = tpu.memref_slice %arg10[%run_scoped3A, %dma_start3A_304] : memref<8x128xi32, #tpu.memory_space<vmem>> -> memref<1x128xi32, #tpu.memory_space<vmem>>
          %dma_start3A_306 = tpu.memref_squeeze %dma_start3A_305 : memref<1x128xi32, #tpu.memory_space<vmem>> -> memref<128xi32, #tpu.memory_space<vmem>>
          %dma_start3A_307 = arith.constant 0 : i32
          %dma_start3A_308 = arith.constant 0 : i32
          %dma_start3A_309 = tpu.memref_slice %arg18[%dma_start3A_307, %dma_start3A_308] : memref<8192x128xf32, #tpu.memory_space<vmem_shared>> -> memref<8192x128xf32, #tpu.memory_space<vmem_shared>>
          tpu.enqueue_indirect_dma source(%arg14 : memref<128x128xf32, #tpu.memory_space<vmem>>) target(%dma_start3A_309 : memref<8192x128xf32, #tpu.memory_space<vmem_shared>>) offsets(%dma_start3A_306 : memref<128xi32, #tpu.memory_space<vmem>>) semaphore(%run_scoped3A_303 : memref<!tpu.dma_semaphore, #tpu.memory_space<semaphore_mem>>) {add = true}
          %dma_wait3A_310 = arith.constant 0 : i32
          %dma_wait3A_311 = tpu.memref_slice %arg10[%run_scoped3A, %dma_wait3A_310] : memref<8x128xi32, #tpu.memory_space<vmem>> -> memref<1x128xi32, #tpu.memory_space<vmem>>
          %dma_wait3A_312 = tpu.memref_squeeze %dma_wait3A_311 : memref<1x128xi32, #tpu.memory_space<vmem>> -> memref<128xi32, #tpu.memory_space<vmem>>
          %dma_wait3A_313 = arith.constant 0 : i32
          %dma_wait3A_314 = arith.constant 0 : i32
          %dma_wait3A_315 = tpu.memref_slice %arg18[%dma_wait3A_313, %dma_wait3A_314] : memref<8192x128xf32, #tpu.memory_space<vmem_shared>> -> memref<8192x128xf32, #tpu.memory_space<vmem_shared>>
          tpu.wait_indirect_dma semaphore(%run_scoped3A_303 : memref<!tpu.dma_semaphore, #tpu.memory_space<semaphore_mem>>) src(%arg14 : memref<128x128xf32, #tpu.memory_space<vmem>>) dst(%dma_wait3A_315 : memref<8192x128xf32, #tpu.memory_space<vmem_shared>>)
          tpu.yield
        }) : () -> ()
        %eq3A_124 = arith.constant 0 : i32
        %eq3A_125 = arith.cmpi eq, %arg0, %eq3A_124 : i32
        %convert_element_type3A_126 = arith.extui %eq3A_125 : i1 to i32
        %cond3A_127 = arith.constant 0 : i32
        %cond3A_128 = arith.cmpi ne, %convert_element_type3A_126, %cond3A_127 : i32
        scf.if %cond3A_128 {
          %run_scoped3A_303 = arith.constant 0 : i32
          "tpu.region"() ({
            %run_scoped3A_304 = tpu.sem_alloc : memref<!tpu.dma_semaphore, #tpu.memory_space<semaphore_mem>>
            %dma_start3A_305 = arith.constant 0 : i32
            %dma_start3A_306 = tpu.memref_slice %arg11[%dma_start3A_305] : memref<1024xf32, #tpu.memory_space<vmem>> -> memref<128xf32, #tpu.memory_space<vmem>>
            %dma_start3A_307 = arith.constant 0 : i32
            %dma_start3A_308 = tpu.memref_slice %arg10[%run_scoped3A_303, %dma_start3A_307] : memref<8x128xi32, #tpu.memory_space<vmem>> -> memref<1x128xi32, #tpu.memory_space<vmem>>
            %dma_start3A_309 = tpu.memref_squeeze %dma_start3A_308 : memref<1x128xi32, #tpu.memory_space<vmem>> -> memref<128xi32, #tpu.memory_space<vmem>>
            %dma_start3A_310 = arith.constant 0 : i32
            %dma_start3A_311 = tpu.memref_slice %arg19[%dma_start3A_310] : memref<8192xf32, #tpu.memory_space<vmem_shared>> -> memref<8192xf32, #tpu.memory_space<vmem_shared>>
            tpu.enqueue_indirect_dma source(%dma_start3A_306 : memref<128xf32, #tpu.memory_space<vmem>>) target(%dma_start3A_311 : memref<8192xf32, #tpu.memory_space<vmem_shared>>) offsets(%dma_start3A_309 : memref<128xi32, #tpu.memory_space<vmem>>) semaphore(%run_scoped3A_304 : memref<!tpu.dma_semaphore, #tpu.memory_space<semaphore_mem>>) {add = true}
            %dma_wait3A_312 = arith.constant 0 : i32
            %dma_wait3A_313 = tpu.memref_slice %arg11[%dma_wait3A_312] : memref<1024xf32, #tpu.memory_space<vmem>> -> memref<128xf32, #tpu.memory_space<vmem>>
            %dma_wait3A_314 = arith.constant 0 : i32
            %dma_wait3A_315 = tpu.memref_slice %arg10[%run_scoped3A_303, %dma_wait3A_314] : memref<8x128xi32, #tpu.memory_space<vmem>> -> memref<1x128xi32, #tpu.memory_space<vmem>>
            %dma_wait3A_316 = tpu.memref_squeeze %dma_wait3A_315 : memref<1x128xi32, #tpu.memory_space<vmem>> -> memref<128xi32, #tpu.memory_space<vmem>>
            %dma_wait3A_317 = arith.constant 0 : i32
            %dma_wait3A_318 = tpu.memref_slice %arg19[%dma_wait3A_317] : memref<8192xf32, #tpu.memory_space<vmem_shared>> -> memref<8192xf32, #tpu.memory_space<vmem_shared>>
            tpu.wait_indirect_dma semaphore(%run_scoped3A_304 : memref<!tpu.dma_semaphore, #tpu.memory_space<semaphore_mem>>) src(%dma_wait3A_313 : memref<128xf32, #tpu.memory_space<vmem>>) dst(%dma_wait3A_318 : memref<8192xf32, #tpu.memory_space<vmem_shared>>)
            tpu.yield
          }) : () -> ()
        } else {
        }
        %eq3A_129 = arith.constant 1 : i32
        %eq3A_130 = arith.cmpi eq, %arg0, %eq3A_129 : i32
        %convert_element_type3A_131 = arith.extui %eq3A_130 : i1 to i32
        %cond3A_132 = arith.constant 0 : i32
        %cond3A_133 = arith.cmpi ne, %convert_element_type3A_131, %cond3A_132 : i32
        scf.if %cond3A_133 {
          %run_scoped3A_303 = arith.constant 0 : i32
          "tpu.region"() ({
            %run_scoped3A_304 = tpu.sem_alloc : memref<!tpu.dma_semaphore, #tpu.memory_space<semaphore_mem>>
            %dma_start3A_305 = arith.constant 0 : i32
            %dma_start3A_306 = tpu.memref_slice %arg10[%run_scoped3A_303, %dma_start3A_305] : memref<8x128xi32, #tpu.memory_space<vmem>> -> memref<1x128xi32, #tpu.memory_space<vmem>>
            %dma_start3A_307 = tpu.memref_squeeze %dma_start3A_306 : memref<1x128xi32, #tpu.memory_space<vmem>> -> memref<128xi32, #tpu.memory_space<vmem>>
            %dma_start3A_308 = arith.constant 0 : i32
            %dma_start3A_309 = tpu.memref_slice %arg19[%dma_start3A_308] : memref<8192xf32, #tpu.memory_space<vmem_shared>> -> memref<8192xf32, #tpu.memory_space<vmem_shared>>
            tpu.enqueue_indirect_dma source(%arg12 : memref<128xf32, #tpu.memory_space<vmem>>) target(%dma_start3A_309 : memref<8192xf32, #tpu.memory_space<vmem_shared>>) offsets(%dma_start3A_307 : memref<128xi32, #tpu.memory_space<vmem>>) semaphore(%run_scoped3A_304 : memref<!tpu.dma_semaphore, #tpu.memory_space<semaphore_mem>>) {add = true}
            %dma_wait3A_310 = arith.constant 0 : i32
            %dma_wait3A_311 = tpu.memref_slice %arg10[%run_scoped3A_303, %dma_wait3A_310] : memref<8x128xi32, #tpu.memory_space<vmem>> -> memref<1x128xi32, #tpu.memory_space<vmem>>
            %dma_wait3A_312 = tpu.memref_squeeze %dma_wait3A_311 : memref<1x128xi32, #tpu.memory_space<vmem>> -> memref<128xi32, #tpu.memory_space<vmem>>
            %dma_wait3A_313 = arith.constant 0 : i32
            %dma_wait3A_314 = tpu.memref_slice %arg19[%dma_wait3A_313] : memref<8192xf32, #tpu.memory_space<vmem_shared>> -> memref<8192xf32, #tpu.memory_space<vmem_shared>>
            tpu.wait_indirect_dma semaphore(%run_scoped3A_304 : memref<!tpu.dma_semaphore, #tpu.memory_space<semaphore_mem>>) src(%arg12 : memref<128xf32, #tpu.memory_space<vmem>>) dst(%dma_wait3A_314 : memref<8192xf32, #tpu.memory_space<vmem_shared>>)
            tpu.yield
          }) : () -> ()
        } else {
        }
        %add3A_134 = arith.constant 1 : i32
        %add3A_135 = arith.addi %add3A_102, %add3A_134 : i32
        %mul3A_136 = arith.constant 128 : i32
        %mul3A_137 = arith.muli %add3A_135, %mul3A_136 : i32
        %add3A_138 = arith.constant 128 : i32
        %add3A_139 = arith.addi %mul3A_137, %add3A_138 : i32
        %dma_start3A_140 = arith.constant 0 : i32
        %dma_start3A_141 = tpu.memref_slice %arg2[%add3A_139, %dma_start3A_140] : memref<262144x128xf32, #tpu.memory_space<hbm>> -> memref<128x128xf32, #tpu.memory_space<hbm>>
        %dma_start3A_142 = arith.constant 0 : i32
        %dma_start3A_143 = tpu.memref_slice %arg2[%add3A_139, %dma_start3A_142] : memref<262144x128xf32, #tpu.memory_space<hbm>> -> memref<128x128xf32, #tpu.memory_space<hbm>>
        tpu.enqueue_dma source(%dma_start3A_143 : memref<128x128xf32, #tpu.memory_space<hbm>>) target(%arg14 : memref<128x128xf32, #tpu.memory_space<vmem>>) target_semaphore(%arg16 : memref<!tpu.dma_semaphore, #tpu.memory_space<semaphore_mem>>)
        %dma_wait3A_144 = arith.constant 0 : i32
        %dma_wait3A_145 = tpu.memref_slice %arg2[%mul3A_137, %dma_wait3A_144] : memref<262144x128xf32, #tpu.memory_space<hbm>> -> memref<128x128xf32, #tpu.memory_space<hbm>>
        %dma_wait3A_146 = arith.constant 0 : i32
        %dma_wait3A_147 = tpu.memref_slice %arg2[%mul3A_137, %dma_wait3A_146] : memref<262144x128xf32, #tpu.memory_space<hbm>> -> memref<128x128xf32, #tpu.memory_space<hbm>>
        tpu.wait_dma2 semaphore(%arg17 : memref<!tpu.dma_semaphore, #tpu.memory_space<semaphore_mem>>) src(%dma_wait3A_147 : memref<128x128xf32, #tpu.memory_space<hbm>>) dst(%arg15 : memref<128x128xf32, #tpu.memory_space<vmem>>)
        %run_scoped3A_148 = arith.constant 1 : i32
        "tpu.region"() ({
          %run_scoped3A_303 = tpu.sem_alloc : memref<!tpu.dma_semaphore, #tpu.memory_space<semaphore_mem>>
          %dma_start3A_304 = arith.constant 0 : i32
          %dma_start3A_305 = tpu.memref_slice %arg10[%run_scoped3A_148, %dma_start3A_304] : memref<8x128xi32, #tpu.memory_space<vmem>> -> memref<1x128xi32, #tpu.memory_space<vmem>>
          %dma_start3A_306 = tpu.memref_squeeze %dma_start3A_305 : memref<1x128xi32, #tpu.memory_space<vmem>> -> memref<128xi32, #tpu.memory_space<vmem>>
          %dma_start3A_307 = arith.constant 0 : i32
          %dma_start3A_308 = arith.constant 0 : i32
          %dma_start3A_309 = tpu.memref_slice %arg18[%dma_start3A_307, %dma_start3A_308] : memref<8192x128xf32, #tpu.memory_space<vmem_shared>> -> memref<8192x128xf32, #tpu.memory_space<vmem_shared>>
          tpu.enqueue_indirect_dma source(%arg15 : memref<128x128xf32, #tpu.memory_space<vmem>>) target(%dma_start3A_309 : memref<8192x128xf32, #tpu.memory_space<vmem_shared>>) offsets(%dma_start3A_306 : memref<128xi32, #tpu.memory_space<vmem>>) semaphore(%run_scoped3A_303 : memref<!tpu.dma_semaphore, #tpu.memory_space<semaphore_mem>>) {add = true}
          %dma_wait3A_310 = arith.constant 0 : i32
          %dma_wait3A_311 = tpu.memref_slice %arg10[%run_scoped3A_148, %dma_wait3A_310] : memref<8x128xi32, #tpu.memory_space<vmem>> -> memref<1x128xi32, #tpu.memory_space<vmem>>
          %dma_wait3A_312 = tpu.memref_squeeze %dma_wait3A_311 : memref<1x128xi32, #tpu.memory_space<vmem>> -> memref<128xi32, #tpu.memory_space<vmem>>
          %dma_wait3A_313 = arith.constant 0 : i32
          %dma_wait3A_314 = arith.constant 0 : i32
          %dma_wait3A_315 = tpu.memref_slice %arg18[%dma_wait3A_313, %dma_wait3A_314] : memref<8192x128xf32, #tpu.memory_space<vmem_shared>> -> memref<8192x128xf32, #tpu.memory_space<vmem_shared>>
          tpu.wait_indirect_dma semaphore(%run_scoped3A_303 : memref<!tpu.dma_semaphore, #tpu.memory_space<semaphore_mem>>) src(%arg15 : memref<128x128xf32, #tpu.memory_space<vmem>>) dst(%dma_wait3A_315 : memref<8192x128xf32, #tpu.memory_space<vmem_shared>>)
          tpu.yield
        }) : () -> ()
        %eq3A_149 = arith.constant 0 : i32
        %eq3A_150 = arith.cmpi eq, %arg0, %eq3A_149 : i32
        %convert_element_type3A_151 = arith.extui %eq3A_150 : i1 to i32
        %cond3A_152 = arith.constant 0 : i32
        %cond3A_153 = arith.cmpi ne, %convert_element_type3A_151, %cond3A_152 : i32
        scf.if %cond3A_153 {
          %run_scoped3A_303 = arith.constant 1 : i32
          "tpu.region"() ({
            %run_scoped3A_304 = tpu.sem_alloc : memref<!tpu.dma_semaphore, #tpu.memory_space<semaphore_mem>>
            %dma_start3A_305 = arith.constant 128 : i32
            %dma_start3A_306 = tpu.memref_slice %arg11[%dma_start3A_305] : memref<1024xf32, #tpu.memory_space<vmem>> -> memref<128xf32, #tpu.memory_space<vmem>>
            %dma_start3A_307 = arith.constant 0 : i32
            %dma_start3A_308 = tpu.memref_slice %arg10[%run_scoped3A_303, %dma_start3A_307] : memref<8x128xi32, #tpu.memory_space<vmem>> -> memref<1x128xi32, #tpu.memory_space<vmem>>
            %dma_start3A_309 = tpu.memref_squeeze %dma_start3A_308 : memref<1x128xi32, #tpu.memory_space<vmem>> -> memref<128xi32, #tpu.memory_space<vmem>>
            %dma_start3A_310 = arith.constant 0 : i32
            %dma_start3A_311 = tpu.memref_slice %arg19[%dma_start3A_310] : memref<8192xf32, #tpu.memory_space<vmem_shared>> -> memref<8192xf32, #tpu.memory_space<vmem_shared>>
            tpu.enqueue_indirect_dma source(%dma_start3A_306 : memref<128xf32, #tpu.memory_space<vmem>>) target(%dma_start3A_311 : memref<8192xf32, #tpu.memory_space<vmem_shared>>) offsets(%dma_start3A_309 : memref<128xi32, #tpu.memory_space<vmem>>) semaphore(%run_scoped3A_304 : memref<!tpu.dma_semaphore, #tpu.memory_space<semaphore_mem>>) {add = true}
            %dma_wait3A_312 = arith.constant 128 : i32
            %dma_wait3A_313 = tpu.memref_slice %arg11[%dma_wait3A_312] : memref<1024xf32, #tpu.memory_space<vmem>> -> memref<128xf32, #tpu.memory_space<vmem>>
            %dma_wait3A_314 = arith.constant 0 : i32
            %dma_wait3A_315 = tpu.memref_slice %arg10[%run_scoped3A_303, %dma_wait3A_314] : memref<8x128xi32, #tpu.memory_space<vmem>> -> memref<1x128xi32, #tpu.memory_space<vmem>>
            %dma_wait3A_316 = tpu.memref_squeeze %dma_wait3A_315 : memref<1x128xi32, #tpu.memory_space<vmem>> -> memref<128xi32, #tpu.memory_space<vmem>>
            %dma_wait3A_317 = arith.constant 0 : i32
            %dma_wait3A_318 = tpu.memref_slice %arg19[%dma_wait3A_317] : memref<8192xf32, #tpu.memory_space<vmem_shared>> -> memref<8192xf32, #tpu.memory_space<vmem_shared>>
            tpu.wait_indirect_dma semaphore(%run_scoped3A_304 : memref<!tpu.dma_semaphore, #tpu.memory_space<semaphore_mem>>) src(%dma_wait3A_313 : memref<128xf32, #tpu.memory_space<vmem>>) dst(%dma_wait3A_318 : memref<8192xf32, #tpu.memory_space<vmem_shared>>)
            tpu.yield
          }) : () -> ()
        } else {
        }
        %eq3A_154 = arith.constant 1 : i32
        %eq3A_155 = arith.cmpi eq, %arg0, %eq3A_154 : i32
        %convert_element_type3A_156 = arith.extui %eq3A_155 : i1 to i32
        %cond3A_157 = arith.constant 0 : i32
        %cond3A_158 = arith.cmpi ne, %convert_element_type3A_156, %cond3A_157 : i32
        scf.if %cond3A_158 {
          %run_scoped3A_303 = arith.constant 1 : i32
          "tpu.region"() ({
            %run_scoped3A_304 = tpu.sem_alloc : memref<!tpu.dma_semaphore, #tpu.memory_space<semaphore_mem>>
            %dma_start3A_305 = arith.constant 0 : i32
            %dma_start3A_306 = tpu.memref_slice %arg10[%run_scoped3A_303, %dma_start3A_305] : memref<8x128xi32, #tpu.memory_space<vmem>> -> memref<1x128xi32, #tpu.memory_space<vmem>>
            %dma_start3A_307 = tpu.memref_squeeze %dma_start3A_306 : memref<1x128xi32, #tpu.memory_space<vmem>> -> memref<128xi32, #tpu.memory_space<vmem>>
            %dma_start3A_308 = arith.constant 0 : i32
            %dma_start3A_309 = tpu.memref_slice %arg19[%dma_start3A_308] : memref<8192xf32, #tpu.memory_space<vmem_shared>> -> memref<8192xf32, #tpu.memory_space<vmem_shared>>
            tpu.enqueue_indirect_dma source(%arg12 : memref<128xf32, #tpu.memory_space<vmem>>) target(%dma_start3A_309 : memref<8192xf32, #tpu.memory_space<vmem_shared>>) offsets(%dma_start3A_307 : memref<128xi32, #tpu.memory_space<vmem>>) semaphore(%run_scoped3A_304 : memref<!tpu.dma_semaphore, #tpu.memory_space<semaphore_mem>>) {add = true}
            %dma_wait3A_310 = arith.constant 0 : i32
            %dma_wait3A_311 = tpu.memref_slice %arg10[%run_scoped3A_303, %dma_wait3A_310] : memref<8x128xi32, #tpu.memory_space<vmem>> -> memref<1x128xi32, #tpu.memory_space<vmem>>
            %dma_wait3A_312 = tpu.memref_squeeze %dma_wait3A_311 : memref<1x128xi32, #tpu.memory_space<vmem>> -> memref<128xi32, #tpu.memory_space<vmem>>
            %dma_wait3A_313 = arith.constant 0 : i32
            %dma_wait3A_314 = tpu.memref_slice %arg19[%dma_wait3A_313] : memref<8192xf32, #tpu.memory_space<vmem_shared>> -> memref<8192xf32, #tpu.memory_space<vmem_shared>>
            tpu.wait_indirect_dma semaphore(%run_scoped3A_304 : memref<!tpu.dma_semaphore, #tpu.memory_space<semaphore_mem>>) src(%arg12 : memref<128xf32, #tpu.memory_space<vmem>>) dst(%dma_wait3A_314 : memref<8192xf32, #tpu.memory_space<vmem_shared>>)
            tpu.yield
          }) : () -> ()
        } else {
        }
        %add3A_159 = arith.constant 2 : i32
        %add3A_160 = arith.addi %add3A_102, %add3A_159 : i32
        %mul3A_161 = arith.constant 128 : i32
        %mul3A_162 = arith.muli %add3A_160, %mul3A_161 : i32
        %add3A_163 = arith.constant 128 : i32
        %add3A_164 = arith.addi %mul3A_162, %add3A_163 : i32
        %dma_start3A_165 = arith.constant 0 : i32
        %dma_start3A_166 = tpu.memref_slice %arg2[%add3A_164, %dma_start3A_165] : memref<262144x128xf32, #tpu.memory_space<hbm>> -> memref<128x128xf32, #tpu.memory_space<hbm>>
        %dma_start3A_167 = arith.constant 0 : i32
        %dma_start3A_168 = tpu.memref_slice %arg2[%add3A_164, %dma_start3A_167] : memref<262144x128xf32, #tpu.memory_space<hbm>> -> memref<128x128xf32, #tpu.memory_space<hbm>>
        tpu.enqueue_dma source(%dma_start3A_168 : memref<128x128xf32, #tpu.memory_space<hbm>>) target(%arg15 : memref<128x128xf32, #tpu.memory_space<vmem>>) target_semaphore(%arg17 : memref<!tpu.dma_semaphore, #tpu.memory_space<semaphore_mem>>)
        %dma_wait3A_169 = arith.constant 0 : i32
        %dma_wait3A_170 = tpu.memref_slice %arg2[%mul3A_162, %dma_wait3A_169] : memref<262144x128xf32, #tpu.memory_space<hbm>> -> memref<128x128xf32, #tpu.memory_space<hbm>>
        %dma_wait3A_171 = arith.constant 0 : i32
        %dma_wait3A_172 = tpu.memref_slice %arg2[%mul3A_162, %dma_wait3A_171] : memref<262144x128xf32, #tpu.memory_space<hbm>> -> memref<128x128xf32, #tpu.memory_space<hbm>>
        tpu.wait_dma2 semaphore(%arg16 : memref<!tpu.dma_semaphore, #tpu.memory_space<semaphore_mem>>) src(%dma_wait3A_172 : memref<128x128xf32, #tpu.memory_space<hbm>>) dst(%arg14 : memref<128x128xf32, #tpu.memory_space<vmem>>)
        %run_scoped3A_173 = arith.constant 2 : i32
        "tpu.region"() ({
          %run_scoped3A_303 = tpu.sem_alloc : memref<!tpu.dma_semaphore, #tpu.memory_space<semaphore_mem>>
          %dma_start3A_304 = arith.constant 0 : i32
          %dma_start3A_305 = tpu.memref_slice %arg10[%run_scoped3A_173, %dma_start3A_304] : memref<8x128xi32, #tpu.memory_space<vmem>> -> memref<1x128xi32, #tpu.memory_space<vmem>>
          %dma_start3A_306 = tpu.memref_squeeze %dma_start3A_305 : memref<1x128xi32, #tpu.memory_space<vmem>> -> memref<128xi32, #tpu.memory_space<vmem>>
          %dma_start3A_307 = arith.constant 0 : i32
          %dma_start3A_308 = arith.constant 0 : i32
          %dma_start3A_309 = tpu.memref_slice %arg18[%dma_start3A_307, %dma_start3A_308] : memref<8192x128xf32, #tpu.memory_space<vmem_shared>> -> memref<8192x128xf32, #tpu.memory_space<vmem_shared>>
          tpu.enqueue_indirect_dma source(%arg14 : memref<128x128xf32, #tpu.memory_space<vmem>>) target(%dma_start3A_309 : memref<8192x128xf32, #tpu.memory_space<vmem_shared>>) offsets(%dma_start3A_306 : memref<128xi32, #tpu.memory_space<vmem>>) semaphore(%run_scoped3A_303 : memref<!tpu.dma_semaphore, #tpu.memory_space<semaphore_mem>>) {add = true}
          %dma_wait3A_310 = arith.constant 0 : i32
          %dma_wait3A_311 = tpu.memref_slice %arg10[%run_scoped3A_173, %dma_wait3A_310] : memref<8x128xi32, #tpu.memory_space<vmem>> -> memref<1x128xi32, #tpu.memory_space<vmem>>
          %dma_wait3A_312 = tpu.memref_squeeze %dma_wait3A_311 : memref<1x128xi32, #tpu.memory_space<vmem>> -> memref<128xi32, #tpu.memory_space<vmem>>
          %dma_wait3A_313 = arith.constant 0 : i32
          %dma_wait3A_314 = arith.constant 0 : i32
          %dma_wait3A_315 = tpu.memref_slice %arg18[%dma_wait3A_313, %dma_wait3A_314] : memref<8192x128xf32, #tpu.memory_space<vmem_shared>> -> memref<8192x128xf32, #tpu.memory_space<vmem_shared>>
          tpu.wait_indirect_dma semaphore(%run_scoped3A_303 : memref<!tpu.dma_semaphore, #tpu.memory_space<semaphore_mem>>) src(%arg14 : memref<128x128xf32, #tpu.memory_space<vmem>>) dst(%dma_wait3A_315 : memref<8192x128xf32, #tpu.memory_space<vmem_shared>>)
          tpu.yield
        }) : () -> ()
        %eq3A_174 = arith.constant 0 : i32
        %eq3A_175 = arith.cmpi eq, %arg0, %eq3A_174 : i32
        %convert_element_type3A_176 = arith.extui %eq3A_175 : i1 to i32
        %cond3A_177 = arith.constant 0 : i32
        %cond3A_178 = arith.cmpi ne, %convert_element_type3A_176, %cond3A_177 : i32
        scf.if %cond3A_178 {
          %run_scoped3A_303 = arith.constant 2 : i32
          "tpu.region"() ({
            %run_scoped3A_304 = tpu.sem_alloc : memref<!tpu.dma_semaphore, #tpu.memory_space<semaphore_mem>>
            %dma_start3A_305 = arith.constant 256 : i32
            %dma_start3A_306 = tpu.memref_slice %arg11[%dma_start3A_305] : memref<1024xf32, #tpu.memory_space<vmem>> -> memref<128xf32, #tpu.memory_space<vmem>>
            %dma_start3A_307 = arith.constant 0 : i32
            %dma_start3A_308 = tpu.memref_slice %arg10[%run_scoped3A_303, %dma_start3A_307] : memref<8x128xi32, #tpu.memory_space<vmem>> -> memref<1x128xi32, #tpu.memory_space<vmem>>
            %dma_start3A_309 = tpu.memref_squeeze %dma_start3A_308 : memref<1x128xi32, #tpu.memory_space<vmem>> -> memref<128xi32, #tpu.memory_space<vmem>>
            %dma_start3A_310 = arith.constant 0 : i32
            %dma_start3A_311 = tpu.memref_slice %arg19[%dma_start3A_310] : memref<8192xf32, #tpu.memory_space<vmem_shared>> -> memref<8192xf32, #tpu.memory_space<vmem_shared>>
            tpu.enqueue_indirect_dma source(%dma_start3A_306 : memref<128xf32, #tpu.memory_space<vmem>>) target(%dma_start3A_311 : memref<8192xf32, #tpu.memory_space<vmem_shared>>) offsets(%dma_start3A_309 : memref<128xi32, #tpu.memory_space<vmem>>) semaphore(%run_scoped3A_304 : memref<!tpu.dma_semaphore, #tpu.memory_space<semaphore_mem>>) {add = true}
            %dma_wait3A_312 = arith.constant 256 : i32
            %dma_wait3A_313 = tpu.memref_slice %arg11[%dma_wait3A_312] : memref<1024xf32, #tpu.memory_space<vmem>> -> memref<128xf32, #tpu.memory_space<vmem>>
            %dma_wait3A_314 = arith.constant 0 : i32
            %dma_wait3A_315 = tpu.memref_slice %arg10[%run_scoped3A_303, %dma_wait3A_314] : memref<8x128xi32, #tpu.memory_space<vmem>> -> memref<1x128xi32, #tpu.memory_space<vmem>>
            %dma_wait3A_316 = tpu.memref_squeeze %dma_wait3A_315 : memref<1x128xi32, #tpu.memory_space<vmem>> -> memref<128xi32, #tpu.memory_space<vmem>>
            %dma_wait3A_317 = arith.constant 0 : i32
            %dma_wait3A_318 = tpu.memref_slice %arg19[%dma_wait3A_317] : memref<8192xf32, #tpu.memory_space<vmem_shared>> -> memref<8192xf32, #tpu.memory_space<vmem_shared>>
            tpu.wait_indirect_dma semaphore(%run_scoped3A_304 : memref<!tpu.dma_semaphore, #tpu.memory_space<semaphore_mem>>) src(%dma_wait3A_313 : memref<128xf32, #tpu.memory_space<vmem>>) dst(%dma_wait3A_318 : memref<8192xf32, #tpu.memory_space<vmem_shared>>)
            tpu.yield
          }) : () -> ()
        } else {
        }
        %eq3A_179 = arith.constant 1 : i32
        %eq3A_180 = arith.cmpi eq, %arg0, %eq3A_179 : i32
        %convert_element_type3A_181 = arith.extui %eq3A_180 : i1 to i32
        %cond3A_182 = arith.constant 0 : i32
        %cond3A_183 = arith.cmpi ne, %convert_element_type3A_181, %cond3A_182 : i32
        scf.if %cond3A_183 {
          %run_scoped3A_303 = arith.constant 2 : i32
          "tpu.region"() ({
            %run_scoped3A_304 = tpu.sem_alloc : memref<!tpu.dma_semaphore, #tpu.memory_space<semaphore_mem>>
            %dma_start3A_305 = arith.constant 0 : i32
            %dma_start3A_306 = tpu.memref_slice %arg10[%run_scoped3A_303, %dma_start3A_305] : memref<8x128xi32, #tpu.memory_space<vmem>> -> memref<1x128xi32, #tpu.memory_space<vmem>>
            %dma_start3A_307 = tpu.memref_squeeze %dma_start3A_306 : memref<1x128xi32, #tpu.memory_space<vmem>> -> memref<128xi32, #tpu.memory_space<vmem>>
            %dma_start3A_308 = arith.constant 0 : i32
            %dma_start3A_309 = tpu.memref_slice %arg19[%dma_start3A_308] : memref<8192xf32, #tpu.memory_space<vmem_shared>> -> memref<8192xf32, #tpu.memory_space<vmem_shared>>
            tpu.enqueue_indirect_dma source(%arg12 : memref<128xf32, #tpu.memory_space<vmem>>) target(%dma_start3A_309 : memref<8192xf32, #tpu.memory_space<vmem_shared>>) offsets(%dma_start3A_307 : memref<128xi32, #tpu.memory_space<vmem>>) semaphore(%run_scoped3A_304 : memref<!tpu.dma_semaphore, #tpu.memory_space<semaphore_mem>>) {add = true}
            %dma_wait3A_310 = arith.constant 0 : i32
            %dma_wait3A_311 = tpu.memref_slice %arg10[%run_scoped3A_303, %dma_wait3A_310] : memref<8x128xi32, #tpu.memory_space<vmem>> -> memref<1x128xi32, #tpu.memory_space<vmem>>
            %dma_wait3A_312 = tpu.memref_squeeze %dma_wait3A_311 : memref<1x128xi32, #tpu.memory_space<vmem>> -> memref<128xi32, #tpu.memory_space<vmem>>
            %dma_wait3A_313 = arith.constant 0 : i32
            %dma_wait3A_314 = tpu.memref_slice %arg19[%dma_wait3A_313] : memref<8192xf32, #tpu.memory_space<vmem_shared>> -> memref<8192xf32, #tpu.memory_space<vmem_shared>>
            tpu.wait_indirect_dma semaphore(%run_scoped3A_304 : memref<!tpu.dma_semaphore, #tpu.memory_space<semaphore_mem>>) src(%arg12 : memref<128xf32, #tpu.memory_space<vmem>>) dst(%dma_wait3A_314 : memref<8192xf32, #tpu.memory_space<vmem_shared>>)
            tpu.yield
          }) : () -> ()
        } else {
        }
        %add3A_184 = arith.constant 3 : i32
        %add3A_185 = arith.addi %add3A_102, %add3A_184 : i32
        %mul3A_186 = arith.constant 128 : i32
        %mul3A_187 = arith.muli %add3A_185, %mul3A_186 : i32
        %add3A_188 = arith.constant 128 : i32
        %add3A_189 = arith.addi %mul3A_187, %add3A_188 : i32
        %dma_start3A_190 = arith.constant 0 : i32
        %dma_start3A_191 = tpu.memref_slice %arg2[%add3A_189, %dma_start3A_190] : memref<262144x128xf32, #tpu.memory_space<hbm>> -> memref<128x128xf32, #tpu.memory_space<hbm>>
        %dma_start3A_192 = arith.constant 0 : i32
        %dma_start3A_193 = tpu.memref_slice %arg2[%add3A_189, %dma_start3A_192] : memref<262144x128xf32, #tpu.memory_space<hbm>> -> memref<128x128xf32, #tpu.memory_space<hbm>>
        tpu.enqueue_dma source(%dma_start3A_193 : memref<128x128xf32, #tpu.memory_space<hbm>>) target(%arg14 : memref<128x128xf32, #tpu.memory_space<vmem>>) target_semaphore(%arg16 : memref<!tpu.dma_semaphore, #tpu.memory_space<semaphore_mem>>)
        %dma_wait3A_194 = arith.constant 0 : i32
        %dma_wait3A_195 = tpu.memref_slice %arg2[%mul3A_187, %dma_wait3A_194] : memref<262144x128xf32, #tpu.memory_space<hbm>> -> memref<128x128xf32, #tpu.memory_space<hbm>>
        %dma_wait3A_196 = arith.constant 0 : i32
        %dma_wait3A_197 = tpu.memref_slice %arg2[%mul3A_187, %dma_wait3A_196] : memref<262144x128xf32, #tpu.memory_space<hbm>> -> memref<128x128xf32, #tpu.memory_space<hbm>>
        tpu.wait_dma2 semaphore(%arg17 : memref<!tpu.dma_semaphore, #tpu.memory_space<semaphore_mem>>) src(%dma_wait3A_197 : memref<128x128xf32, #tpu.memory_space<hbm>>) dst(%arg15 : memref<128x128xf32, #tpu.memory_space<vmem>>)
        %run_scoped3A_198 = arith.constant 3 : i32
        "tpu.region"() ({
          %run_scoped3A_303 = tpu.sem_alloc : memref<!tpu.dma_semaphore, #tpu.memory_space<semaphore_mem>>
          %dma_start3A_304 = arith.constant 0 : i32
          %dma_start3A_305 = tpu.memref_slice %arg10[%run_scoped3A_198, %dma_start3A_304] : memref<8x128xi32, #tpu.memory_space<vmem>> -> memref<1x128xi32, #tpu.memory_space<vmem>>
          %dma_start3A_306 = tpu.memref_squeeze %dma_start3A_305 : memref<1x128xi32, #tpu.memory_space<vmem>> -> memref<128xi32, #tpu.memory_space<vmem>>
          %dma_start3A_307 = arith.constant 0 : i32
          %dma_start3A_308 = arith.constant 0 : i32
          %dma_start3A_309 = tpu.memref_slice %arg18[%dma_start3A_307, %dma_start3A_308] : memref<8192x128xf32, #tpu.memory_space<vmem_shared>> -> memref<8192x128xf32, #tpu.memory_space<vmem_shared>>
          tpu.enqueue_indirect_dma source(%arg15 : memref<128x128xf32, #tpu.memory_space<vmem>>) target(%dma_start3A_309 : memref<8192x128xf32, #tpu.memory_space<vmem_shared>>) offsets(%dma_start3A_306 : memref<128xi32, #tpu.memory_space<vmem>>) semaphore(%run_scoped3A_303 : memref<!tpu.dma_semaphore, #tpu.memory_space<semaphore_mem>>) {add = true}
          %dma_wait3A_310 = arith.constant 0 : i32
          %dma_wait3A_311 = tpu.memref_slice %arg10[%run_scoped3A_198, %dma_wait3A_310] : memref<8x128xi32, #tpu.memory_space<vmem>> -> memref<1x128xi32, #tpu.memory_space<vmem>>
          %dma_wait3A_312 = tpu.memref_squeeze %dma_wait3A_311 : memref<1x128xi32, #tpu.memory_space<vmem>> -> memref<128xi32, #tpu.memory_space<vmem>>
          %dma_wait3A_313 = arith.constant 0 : i32
          %dma_wait3A_314 = arith.constant 0 : i32
          %dma_wait3A_315 = tpu.memref_slice %arg18[%dma_wait3A_313, %dma_wait3A_314] : memref<8192x128xf32, #tpu.memory_space<vmem_shared>> -> memref<8192x128xf32, #tpu.memory_space<vmem_shared>>
          tpu.wait_indirect_dma semaphore(%run_scoped3A_303 : memref<!tpu.dma_semaphore, #tpu.memory_space<semaphore_mem>>) src(%arg15 : memref<128x128xf32, #tpu.memory_space<vmem>>) dst(%dma_wait3A_315 : memref<8192x128xf32, #tpu.memory_space<vmem_shared>>)
          tpu.yield
        }) : () -> ()
        %eq3A_199 = arith.constant 0 : i32
        %eq3A_200 = arith.cmpi eq, %arg0, %eq3A_199 : i32
        %convert_element_type3A_201 = arith.extui %eq3A_200 : i1 to i32
        %cond3A_202 = arith.constant 0 : i32
        %cond3A_203 = arith.cmpi ne, %convert_element_type3A_201, %cond3A_202 : i32
        scf.if %cond3A_203 {
          %run_scoped3A_303 = arith.constant 3 : i32
          "tpu.region"() ({
            %run_scoped3A_304 = tpu.sem_alloc : memref<!tpu.dma_semaphore, #tpu.memory_space<semaphore_mem>>
            %dma_start3A_305 = arith.constant 384 : i32
            %dma_start3A_306 = tpu.memref_slice %arg11[%dma_start3A_305] : memref<1024xf32, #tpu.memory_space<vmem>> -> memref<128xf32, #tpu.memory_space<vmem>>
            %dma_start3A_307 = arith.constant 0 : i32
            %dma_start3A_308 = tpu.memref_slice %arg10[%run_scoped3A_303, %dma_start3A_307] : memref<8x128xi32, #tpu.memory_space<vmem>> -> memref<1x128xi32, #tpu.memory_space<vmem>>
            %dma_start3A_309 = tpu.memref_squeeze %dma_start3A_308 : memref<1x128xi32, #tpu.memory_space<vmem>> -> memref<128xi32, #tpu.memory_space<vmem>>
            %dma_start3A_310 = arith.constant 0 : i32
            %dma_start3A_311 = tpu.memref_slice %arg19[%dma_start3A_310] : memref<8192xf32, #tpu.memory_space<vmem_shared>> -> memref<8192xf32, #tpu.memory_space<vmem_shared>>
            tpu.enqueue_indirect_dma source(%dma_start3A_306 : memref<128xf32, #tpu.memory_space<vmem>>) target(%dma_start3A_311 : memref<8192xf32, #tpu.memory_space<vmem_shared>>) offsets(%dma_start3A_309 : memref<128xi32, #tpu.memory_space<vmem>>) semaphore(%run_scoped3A_304 : memref<!tpu.dma_semaphore, #tpu.memory_space<semaphore_mem>>) {add = true}
            %dma_wait3A_312 = arith.constant 384 : i32
            %dma_wait3A_313 = tpu.memref_slice %arg11[%dma_wait3A_312] : memref<1024xf32, #tpu.memory_space<vmem>> -> memref<128xf32, #tpu.memory_space<vmem>>
            %dma_wait3A_314 = arith.constant 0 : i32
            %dma_wait3A_315 = tpu.memref_slice %arg10[%run_scoped3A_303, %dma_wait3A_314] : memref<8x128xi32, #tpu.memory_space<vmem>> -> memref<1x128xi32, #tpu.memory_space<vmem>>
            %dma_wait3A_316 = tpu.memref_squeeze %dma_wait3A_315 : memref<1x128xi32, #tpu.memory_space<vmem>> -> memref<128xi32, #tpu.memory_space<vmem>>
            %dma_wait3A_317 = arith.constant 0 : i32
            %dma_wait3A_318 = tpu.memref_slice %arg19[%dma_wait3A_317] : memref<8192xf32, #tpu.memory_space<vmem_shared>> -> memref<8192xf32, #tpu.memory_space<vmem_shared>>
            tpu.wait_indirect_dma semaphore(%run_scoped3A_304 : memref<!tpu.dma_semaphore, #tpu.memory_space<semaphore_mem>>) src(%dma_wait3A_313 : memref<128xf32, #tpu.memory_space<vmem>>) dst(%dma_wait3A_318 : memref<8192xf32, #tpu.memory_space<vmem_shared>>)
            tpu.yield
          }) : () -> ()
        } else {
        }
        %eq3A_204 = arith.constant 1 : i32
        %eq3A_205 = arith.cmpi eq, %arg0, %eq3A_204 : i32
        %convert_element_type3A_206 = arith.extui %eq3A_205 : i1 to i32
        %cond3A_207 = arith.constant 0 : i32
        %cond3A_208 = arith.cmpi ne, %convert_element_type3A_206, %cond3A_207 : i32
        scf.if %cond3A_208 {
          %run_scoped3A_303 = arith.constant 3 : i32
          "tpu.region"() ({
            %run_scoped3A_304 = tpu.sem_alloc : memref<!tpu.dma_semaphore, #tpu.memory_space<semaphore_mem>>
            %dma_start3A_305 = arith.constant 0 : i32
            %dma_start3A_306 = tpu.memref_slice %arg10[%run_scoped3A_303, %dma_start3A_305] : memref<8x128xi32, #tpu.memory_space<vmem>> -> memref<1x128xi32, #tpu.memory_space<vmem>>
            %dma_start3A_307 = tpu.memref_squeeze %dma_start3A_306 : memref<1x128xi32, #tpu.memory_space<vmem>> -> memref<128xi32, #tpu.memory_space<vmem>>
            %dma_start3A_308 = arith.constant 0 : i32
            %dma_start3A_309 = tpu.memref_slice %arg19[%dma_start3A_308] : memref<8192xf32, #tpu.memory_space<vmem_shared>> -> memref<8192xf32, #tpu.memory_space<vmem_shared>>
            tpu.enqueue_indirect_dma source(%arg12 : memref<128xf32, #tpu.memory_space<vmem>>) target(%dma_start3A_309 : memref<8192xf32, #tpu.memory_space<vmem_shared>>) offsets(%dma_start3A_307 : memref<128xi32, #tpu.memory_space<vmem>>) semaphore(%run_scoped3A_304 : memref<!tpu.dma_semaphore, #tpu.memory_space<semaphore_mem>>) {add = true}
            %dma_wait3A_310 = arith.constant 0 : i32
            %dma_wait3A_311 = tpu.memref_slice %arg10[%run_scoped3A_303, %dma_wait3A_310] : memref<8x128xi32, #tpu.memory_space<vmem>> -> memref<1x128xi32, #tpu.memory_space<vmem>>
            %dma_wait3A_312 = tpu.memref_squeeze %dma_wait3A_311 : memref<1x128xi32, #tpu.memory_space<vmem>> -> memref<128xi32, #tpu.memory_space<vmem>>
            %dma_wait3A_313 = arith.constant 0 : i32
            %dma_wait3A_314 = tpu.memref_slice %arg19[%dma_wait3A_313] : memref<8192xf32, #tpu.memory_space<vmem_shared>> -> memref<8192xf32, #tpu.memory_space<vmem_shared>>
            tpu.wait_indirect_dma semaphore(%run_scoped3A_304 : memref<!tpu.dma_semaphore, #tpu.memory_space<semaphore_mem>>) src(%arg12 : memref<128xf32, #tpu.memory_space<vmem>>) dst(%dma_wait3A_314 : memref<8192xf32, #tpu.memory_space<vmem_shared>>)
            tpu.yield
          }) : () -> ()
        } else {
        }
        %add3A_209 = arith.constant 4 : i32
        %add3A_210 = arith.addi %add3A_102, %add3A_209 : i32
        %mul3A_211 = arith.constant 128 : i32
        %mul3A_212 = arith.muli %add3A_210, %mul3A_211 : i32
        %add3A_213 = arith.constant 128 : i32
        %add3A_214 = arith.addi %mul3A_212, %add3A_213 : i32
        %dma_start3A_215 = arith.constant 0 : i32
        %dma_start3A_216 = tpu.memref_slice %arg2[%add3A_214, %dma_start3A_215] : memref<262144x128xf32, #tpu.memory_space<hbm>> -> memref<128x128xf32, #tpu.memory_space<hbm>>
        %dma_start3A_217 = arith.constant 0 : i32
        %dma_start3A_218 = tpu.memref_slice %arg2[%add3A_214, %dma_start3A_217] : memref<262144x128xf32, #tpu.memory_space<hbm>> -> memref<128x128xf32, #tpu.memory_space<hbm>>
        tpu.enqueue_dma source(%dma_start3A_218 : memref<128x128xf32, #tpu.memory_space<hbm>>) target(%arg15 : memref<128x128xf32, #tpu.memory_space<vmem>>) target_semaphore(%arg17 : memref<!tpu.dma_semaphore, #tpu.memory_space<semaphore_mem>>)
        %dma_wait3A_219 = arith.constant 0 : i32
        %dma_wait3A_220 = tpu.memref_slice %arg2[%mul3A_212, %dma_wait3A_219] : memref<262144x128xf32, #tpu.memory_space<hbm>> -> memref<128x128xf32, #tpu.memory_space<hbm>>
        %dma_wait3A_221 = arith.constant 0 : i32
        %dma_wait3A_222 = tpu.memref_slice %arg2[%mul3A_212, %dma_wait3A_221] : memref<262144x128xf32, #tpu.memory_space<hbm>> -> memref<128x128xf32, #tpu.memory_space<hbm>>
        tpu.wait_dma2 semaphore(%arg16 : memref<!tpu.dma_semaphore, #tpu.memory_space<semaphore_mem>>) src(%dma_wait3A_222 : memref<128x128xf32, #tpu.memory_space<hbm>>) dst(%arg14 : memref<128x128xf32, #tpu.memory_space<vmem>>)
        %run_scoped3A_223 = arith.constant 4 : i32
        "tpu.region"() ({
          %run_scoped3A_303 = tpu.sem_alloc : memref<!tpu.dma_semaphore, #tpu.memory_space<semaphore_mem>>
          %dma_start3A_304 = arith.constant 0 : i32
          %dma_start3A_305 = tpu.memref_slice %arg10[%run_scoped3A_223, %dma_start3A_304] : memref<8x128xi32, #tpu.memory_space<vmem>> -> memref<1x128xi32, #tpu.memory_space<vmem>>
          %dma_start3A_306 = tpu.memref_squeeze %dma_start3A_305 : memref<1x128xi32, #tpu.memory_space<vmem>> -> memref<128xi32, #tpu.memory_space<vmem>>
          %dma_start3A_307 = arith.constant 0 : i32
          %dma_start3A_308 = arith.constant 0 : i32
          %dma_start3A_309 = tpu.memref_slice %arg18[%dma_start3A_307, %dma_start3A_308] : memref<8192x128xf32, #tpu.memory_space<vmem_shared>> -> memref<8192x128xf32, #tpu.memory_space<vmem_shared>>
          tpu.enqueue_indirect_dma source(%arg14 : memref<128x128xf32, #tpu.memory_space<vmem>>) target(%dma_start3A_309 : memref<8192x128xf32, #tpu.memory_space<vmem_shared>>) offsets(%dma_start3A_306 : memref<128xi32, #tpu.memory_space<vmem>>) semaphore(%run_scoped3A_303 : memref<!tpu.dma_semaphore, #tpu.memory_space<semaphore_mem>>) {add = true}
          %dma_wait3A_310 = arith.constant 0 : i32
          %dma_wait3A_311 = tpu.memref_slice %arg10[%run_scoped3A_223, %dma_wait3A_310] : memref<8x128xi32, #tpu.memory_space<vmem>> -> memref<1x128xi32, #tpu.memory_space<vmem>>
          %dma_wait3A_312 = tpu.memref_squeeze %dma_wait3A_311 : memref<1x128xi32, #tpu.memory_space<vmem>> -> memref<128xi32, #tpu.memory_space<vmem>>
          %dma_wait3A_313 = arith.constant 0 : i32
          %dma_wait3A_314 = arith.constant 0 : i32
          %dma_wait3A_315 = tpu.memref_slice %arg18[%dma_wait3A_313, %dma_wait3A_314] : memref<8192x128xf32, #tpu.memory_space<vmem_shared>> -> memref<8192x128xf32, #tpu.memory_space<vmem_shared>>
          tpu.wait_indirect_dma semaphore(%run_scoped3A_303 : memref<!tpu.dma_semaphore, #tpu.memory_space<semaphore_mem>>) src(%arg14 : memref<128x128xf32, #tpu.memory_space<vmem>>) dst(%dma_wait3A_315 : memref<8192x128xf32, #tpu.memory_space<vmem_shared>>)
          tpu.yield
        }) : () -> ()
        %eq3A_224 = arith.constant 0 : i32
        %eq3A_225 = arith.cmpi eq, %arg0, %eq3A_224 : i32
        %convert_element_type3A_226 = arith.extui %eq3A_225 : i1 to i32
        %cond3A_227 = arith.constant 0 : i32
        %cond3A_228 = arith.cmpi ne, %convert_element_type3A_226, %cond3A_227 : i32
        scf.if %cond3A_228 {
          %run_scoped3A_303 = arith.constant 4 : i32
          "tpu.region"() ({
            %run_scoped3A_304 = tpu.sem_alloc : memref<!tpu.dma_semaphore, #tpu.memory_space<semaphore_mem>>
            %dma_start3A_305 = arith.constant 512 : i32
            %dma_start3A_306 = tpu.memref_slice %arg11[%dma_start3A_305] : memref<1024xf32, #tpu.memory_space<vmem>> -> memref<128xf32, #tpu.memory_space<vmem>>
            %dma_start3A_307 = arith.constant 0 : i32
            %dma_start3A_308 = tpu.memref_slice %arg10[%run_scoped3A_303, %dma_start3A_307] : memref<8x128xi32, #tpu.memory_space<vmem>> -> memref<1x128xi32, #tpu.memory_space<vmem>>
            %dma_start3A_309 = tpu.memref_squeeze %dma_start3A_308 : memref<1x128xi32, #tpu.memory_space<vmem>> -> memref<128xi32, #tpu.memory_space<vmem>>
            %dma_start3A_310 = arith.constant 0 : i32
            %dma_start3A_311 = tpu.memref_slice %arg19[%dma_start3A_310] : memref<8192xf32, #tpu.memory_space<vmem_shared>> -> memref<8192xf32, #tpu.memory_space<vmem_shared>>
            tpu.enqueue_indirect_dma source(%dma_start3A_306 : memref<128xf32, #tpu.memory_space<vmem>>) target(%dma_start3A_311 : memref<8192xf32, #tpu.memory_space<vmem_shared>>) offsets(%dma_start3A_309 : memref<128xi32, #tpu.memory_space<vmem>>) semaphore(%run_scoped3A_304 : memref<!tpu.dma_semaphore, #tpu.memory_space<semaphore_mem>>) {add = true}
            %dma_wait3A_312 = arith.constant 512 : i32
            %dma_wait3A_313 = tpu.memref_slice %arg11[%dma_wait3A_312] : memref<1024xf32, #tpu.memory_space<vmem>> -> memref<128xf32, #tpu.memory_space<vmem>>
            %dma_wait3A_314 = arith.constant 0 : i32
            %dma_wait3A_315 = tpu.memref_slice %arg10[%run_scoped3A_303, %dma_wait3A_314] : memref<8x128xi32, #tpu.memory_space<vmem>> -> memref<1x128xi32, #tpu.memory_space<vmem>>
            %dma_wait3A_316 = tpu.memref_squeeze %dma_wait3A_315 : memref<1x128xi32, #tpu.memory_space<vmem>> -> memref<128xi32, #tpu.memory_space<vmem>>
            %dma_wait3A_317 = arith.constant 0 : i32
            %dma_wait3A_318 = tpu.memref_slice %arg19[%dma_wait3A_317] : memref<8192xf32, #tpu.memory_space<vmem_shared>> -> memref<8192xf32, #tpu.memory_space<vmem_shared>>
            tpu.wait_indirect_dma semaphore(%run_scoped3A_304 : memref<!tpu.dma_semaphore, #tpu.memory_space<semaphore_mem>>) src(%dma_wait3A_313 : memref<128xf32, #tpu.memory_space<vmem>>) dst(%dma_wait3A_318 : memref<8192xf32, #tpu.memory_space<vmem_shared>>)
            tpu.yield
          }) : () -> ()
        } else {
        }
        %eq3A_229 = arith.constant 1 : i32
        %eq3A_230 = arith.cmpi eq, %arg0, %eq3A_229 : i32
        %convert_element_type3A_231 = arith.extui %eq3A_230 : i1 to i32
        %cond3A_232 = arith.constant 0 : i32
        %cond3A_233 = arith.cmpi ne, %convert_element_type3A_231, %cond3A_232 : i32
        scf.if %cond3A_233 {
          %run_scoped3A_303 = arith.constant 4 : i32
          "tpu.region"() ({
            %run_scoped3A_304 = tpu.sem_alloc : memref<!tpu.dma_semaphore, #tpu.memory_space<semaphore_mem>>
            %dma_start3A_305 = arith.constant 0 : i32
            %dma_start3A_306 = tpu.memref_slice %arg10[%run_scoped3A_303, %dma_start3A_305] : memref<8x128xi32, #tpu.memory_space<vmem>> -> memref<1x128xi32, #tpu.memory_space<vmem>>
            %dma_start3A_307 = tpu.memref_squeeze %dma_start3A_306 : memref<1x128xi32, #tpu.memory_space<vmem>> -> memref<128xi32, #tpu.memory_space<vmem>>
            %dma_start3A_308 = arith.constant 0 : i32
            %dma_start3A_309 = tpu.memref_slice %arg19[%dma_start3A_308] : memref<8192xf32, #tpu.memory_space<vmem_shared>> -> memref<8192xf32, #tpu.memory_space<vmem_shared>>
            tpu.enqueue_indirect_dma source(%arg12 : memref<128xf32, #tpu.memory_space<vmem>>) target(%dma_start3A_309 : memref<8192xf32, #tpu.memory_space<vmem_shared>>) offsets(%dma_start3A_307 : memref<128xi32, #tpu.memory_space<vmem>>) semaphore(%run_scoped3A_304 : memref<!tpu.dma_semaphore, #tpu.memory_space<semaphore_mem>>) {add = true}
            %dma_wait3A_310 = arith.constant 0 : i32
            %dma_wait3A_311 = tpu.memref_slice %arg10[%run_scoped3A_303, %dma_wait3A_310] : memref<8x128xi32, #tpu.memory_space<vmem>> -> memref<1x128xi32, #tpu.memory_space<vmem>>
            %dma_wait3A_312 = tpu.memref_squeeze %dma_wait3A_311 : memref<1x128xi32, #tpu.memory_space<vmem>> -> memref<128xi32, #tpu.memory_space<vmem>>
            %dma_wait3A_313 = arith.constant 0 : i32
            %dma_wait3A_314 = tpu.memref_slice %arg19[%dma_wait3A_313] : memref<8192xf32, #tpu.memory_space<vmem_shared>> -> memref<8192xf32, #tpu.memory_space<vmem_shared>>
            tpu.wait_indirect_dma semaphore(%run_scoped3A_304 : memref<!tpu.dma_semaphore, #tpu.memory_space<semaphore_mem>>) src(%arg12 : memref<128xf32, #tpu.memory_space<vmem>>) dst(%dma_wait3A_314 : memref<8192xf32, #tpu.memory_space<vmem_shared>>)
            tpu.yield
          }) : () -> ()
        } else {
        }
        %add3A_234 = arith.constant 5 : i32
        %add3A_235 = arith.addi %add3A_102, %add3A_234 : i32
        %mul3A_236 = arith.constant 128 : i32
        %mul3A_237 = arith.muli %add3A_235, %mul3A_236 : i32
        %add3A_238 = arith.constant 128 : i32
        %add3A_239 = arith.addi %mul3A_237, %add3A_238 : i32
        %dma_start3A_240 = arith.constant 0 : i32
        %dma_start3A_241 = tpu.memref_slice %arg2[%add3A_239, %dma_start3A_240] : memref<262144x128xf32, #tpu.memory_space<hbm>> -> memref<128x128xf32, #tpu.memory_space<hbm>>
        %dma_start3A_242 = arith.constant 0 : i32
        %dma_start3A_243 = tpu.memref_slice %arg2[%add3A_239, %dma_start3A_242] : memref<262144x128xf32, #tpu.memory_space<hbm>> -> memref<128x128xf32, #tpu.memory_space<hbm>>
        tpu.enqueue_dma source(%dma_start3A_243 : memref<128x128xf32, #tpu.memory_space<hbm>>) target(%arg14 : memref<128x128xf32, #tpu.memory_space<vmem>>) target_semaphore(%arg16 : memref<!tpu.dma_semaphore, #tpu.memory_space<semaphore_mem>>)
        %dma_wait3A_244 = arith.constant 0 : i32
        %dma_wait3A_245 = tpu.memref_slice %arg2[%mul3A_237, %dma_wait3A_244] : memref<262144x128xf32, #tpu.memory_space<hbm>> -> memref<128x128xf32, #tpu.memory_space<hbm>>
        %dma_wait3A_246 = arith.constant 0 : i32
        %dma_wait3A_247 = tpu.memref_slice %arg2[%mul3A_237, %dma_wait3A_246] : memref<262144x128xf32, #tpu.memory_space<hbm>> -> memref<128x128xf32, #tpu.memory_space<hbm>>
        tpu.wait_dma2 semaphore(%arg17 : memref<!tpu.dma_semaphore, #tpu.memory_space<semaphore_mem>>) src(%dma_wait3A_247 : memref<128x128xf32, #tpu.memory_space<hbm>>) dst(%arg15 : memref<128x128xf32, #tpu.memory_space<vmem>>)
        %run_scoped3A_248 = arith.constant 5 : i32
        "tpu.region"() ({
          %run_scoped3A_303 = tpu.sem_alloc : memref<!tpu.dma_semaphore, #tpu.memory_space<semaphore_mem>>
          %dma_start3A_304 = arith.constant 0 : i32
          %dma_start3A_305 = tpu.memref_slice %arg10[%run_scoped3A_248, %dma_start3A_304] : memref<8x128xi32, #tpu.memory_space<vmem>> -> memref<1x128xi32, #tpu.memory_space<vmem>>
          %dma_start3A_306 = tpu.memref_squeeze %dma_start3A_305 : memref<1x128xi32, #tpu.memory_space<vmem>> -> memref<128xi32, #tpu.memory_space<vmem>>
          %dma_start3A_307 = arith.constant 0 : i32
          %dma_start3A_308 = arith.constant 0 : i32
          %dma_start3A_309 = tpu.memref_slice %arg18[%dma_start3A_307, %dma_start3A_308] : memref<8192x128xf32, #tpu.memory_space<vmem_shared>> -> memref<8192x128xf32, #tpu.memory_space<vmem_shared>>
          tpu.enqueue_indirect_dma source(%arg15 : memref<128x128xf32, #tpu.memory_space<vmem>>) target(%dma_start3A_309 : memref<8192x128xf32, #tpu.memory_space<vmem_shared>>) offsets(%dma_start3A_306 : memref<128xi32, #tpu.memory_space<vmem>>) semaphore(%run_scoped3A_303 : memref<!tpu.dma_semaphore, #tpu.memory_space<semaphore_mem>>) {add = true}
          %dma_wait3A_310 = arith.constant 0 : i32
          %dma_wait3A_311 = tpu.memref_slice %arg10[%run_scoped3A_248, %dma_wait3A_310] : memref<8x128xi32, #tpu.memory_space<vmem>> -> memref<1x128xi32, #tpu.memory_space<vmem>>
          %dma_wait3A_312 = tpu.memref_squeeze %dma_wait3A_311 : memref<1x128xi32, #tpu.memory_space<vmem>> -> memref<128xi32, #tpu.memory_space<vmem>>
          %dma_wait3A_313 = arith.constant 0 : i32
          %dma_wait3A_314 = arith.constant 0 : i32
          %dma_wait3A_315 = tpu.memref_slice %arg18[%dma_wait3A_313, %dma_wait3A_314] : memref<8192x128xf32, #tpu.memory_space<vmem_shared>> -> memref<8192x128xf32, #tpu.memory_space<vmem_shared>>
          tpu.wait_indirect_dma semaphore(%run_scoped3A_303 : memref<!tpu.dma_semaphore, #tpu.memory_space<semaphore_mem>>) src(%arg15 : memref<128x128xf32, #tpu.memory_space<vmem>>) dst(%dma_wait3A_315 : memref<8192x128xf32, #tpu.memory_space<vmem_shared>>)
          tpu.yield
        }) : () -> ()
        %eq3A_249 = arith.constant 0 : i32
        %eq3A_250 = arith.cmpi eq, %arg0, %eq3A_249 : i32
        %convert_element_type3A_251 = arith.extui %eq3A_250 : i1 to i32
        %cond3A_252 = arith.constant 0 : i32
        %cond3A_253 = arith.cmpi ne, %convert_element_type3A_251, %cond3A_252 : i32
        scf.if %cond3A_253 {
          %run_scoped3A_303 = arith.constant 5 : i32
          "tpu.region"() ({
            %run_scoped3A_304 = tpu.sem_alloc : memref<!tpu.dma_semaphore, #tpu.memory_space<semaphore_mem>>
            %dma_start3A_305 = arith.constant 640 : i32
            %dma_start3A_306 = tpu.memref_slice %arg11[%dma_start3A_305] : memref<1024xf32, #tpu.memory_space<vmem>> -> memref<128xf32, #tpu.memory_space<vmem>>
            %dma_start3A_307 = arith.constant 0 : i32
            %dma_start3A_308 = tpu.memref_slice %arg10[%run_scoped3A_303, %dma_start3A_307] : memref<8x128xi32, #tpu.memory_space<vmem>> -> memref<1x128xi32, #tpu.memory_space<vmem>>
            %dma_start3A_309 = tpu.memref_squeeze %dma_start3A_308 : memref<1x128xi32, #tpu.memory_space<vmem>> -> memref<128xi32, #tpu.memory_space<vmem>>
            %dma_start3A_310 = arith.constant 0 : i32
            %dma_start3A_311 = tpu.memref_slice %arg19[%dma_start3A_310] : memref<8192xf32, #tpu.memory_space<vmem_shared>> -> memref<8192xf32, #tpu.memory_space<vmem_shared>>
            tpu.enqueue_indirect_dma source(%dma_start3A_306 : memref<128xf32, #tpu.memory_space<vmem>>) target(%dma_start3A_311 : memref<8192xf32, #tpu.memory_space<vmem_shared>>) offsets(%dma_start3A_309 : memref<128xi32, #tpu.memory_space<vmem>>) semaphore(%run_scoped3A_304 : memref<!tpu.dma_semaphore, #tpu.memory_space<semaphore_mem>>) {add = true}
            %dma_wait3A_312 = arith.constant 640 : i32
            %dma_wait3A_313 = tpu.memref_slice %arg11[%dma_wait3A_312] : memref<1024xf32, #tpu.memory_space<vmem>> -> memref<128xf32, #tpu.memory_space<vmem>>
            %dma_wait3A_314 = arith.constant 0 : i32
            %dma_wait3A_315 = tpu.memref_slice %arg10[%run_scoped3A_303, %dma_wait3A_314] : memref<8x128xi32, #tpu.memory_space<vmem>> -> memref<1x128xi32, #tpu.memory_space<vmem>>
            %dma_wait3A_316 = tpu.memref_squeeze %dma_wait3A_315 : memref<1x128xi32, #tpu.memory_space<vmem>> -> memref<128xi32, #tpu.memory_space<vmem>>
            %dma_wait3A_317 = arith.constant 0 : i32
            %dma_wait3A_318 = tpu.memref_slice %arg19[%dma_wait3A_317] : memref<8192xf32, #tpu.memory_space<vmem_shared>> -> memref<8192xf32, #tpu.memory_space<vmem_shared>>
            tpu.wait_indirect_dma semaphore(%run_scoped3A_304 : memref<!tpu.dma_semaphore, #tpu.memory_space<semaphore_mem>>) src(%dma_wait3A_313 : memref<128xf32, #tpu.memory_space<vmem>>) dst(%dma_wait3A_318 : memref<8192xf32, #tpu.memory_space<vmem_shared>>)
            tpu.yield
          }) : () -> ()
        } else {
        }
        %eq3A_254 = arith.constant 1 : i32
        %eq3A_255 = arith.cmpi eq, %arg0, %eq3A_254 : i32
        %convert_element_type3A_256 = arith.extui %eq3A_255 : i1 to i32
        %cond3A_257 = arith.constant 0 : i32
        %cond3A_258 = arith.cmpi ne, %convert_element_type3A_256, %cond3A_257 : i32
        scf.if %cond3A_258 {
          %run_scoped3A_303 = arith.constant 5 : i32
          "tpu.region"() ({
            %run_scoped3A_304 = tpu.sem_alloc : memref<!tpu.dma_semaphore, #tpu.memory_space<semaphore_mem>>
            %dma_start3A_305 = arith.constant 0 : i32
            %dma_start3A_306 = tpu.memref_slice %arg10[%run_scoped3A_303, %dma_start3A_305] : memref<8x128xi32, #tpu.memory_space<vmem>> -> memref<1x128xi32, #tpu.memory_space<vmem>>
            %dma_start3A_307 = tpu.memref_squeeze %dma_start3A_306 : memref<1x128xi32, #tpu.memory_space<vmem>> -> memref<128xi32, #tpu.memory_space<vmem>>
            %dma_start3A_308 = arith.constant 0 : i32
            %dma_start3A_309 = tpu.memref_slice %arg19[%dma_start3A_308] : memref<8192xf32, #tpu.memory_space<vmem_shared>> -> memref<8192xf32, #tpu.memory_space<vmem_shared>>
            tpu.enqueue_indirect_dma source(%arg12 : memref<128xf32, #tpu.memory_space<vmem>>) target(%dma_start3A_309 : memref<8192xf32, #tpu.memory_space<vmem_shared>>) offsets(%dma_start3A_307 : memref<128xi32, #tpu.memory_space<vmem>>) semaphore(%run_scoped3A_304 : memref<!tpu.dma_semaphore, #tpu.memory_space<semaphore_mem>>) {add = true}
            %dma_wait3A_310 = arith.constant 0 : i32
            %dma_wait3A_311 = tpu.memref_slice %arg10[%run_scoped3A_303, %dma_wait3A_310] : memref<8x128xi32, #tpu.memory_space<vmem>> -> memref<1x128xi32, #tpu.memory_space<vmem>>
            %dma_wait3A_312 = tpu.memref_squeeze %dma_wait3A_311 : memref<1x128xi32, #tpu.memory_space<vmem>> -> memref<128xi32, #tpu.memory_space<vmem>>
            %dma_wait3A_313 = arith.constant 0 : i32
            %dma_wait3A_314 = tpu.memref_slice %arg19[%dma_wait3A_313] : memref<8192xf32, #tpu.memory_space<vmem_shared>> -> memref<8192xf32, #tpu.memory_space<vmem_shared>>
            tpu.wait_indirect_dma semaphore(%run_scoped3A_304 : memref<!tpu.dma_semaphore, #tpu.memory_space<semaphore_mem>>) src(%arg12 : memref<128xf32, #tpu.memory_space<vmem>>) dst(%dma_wait3A_314 : memref<8192xf32, #tpu.memory_space<vmem_shared>>)
            tpu.yield
          }) : () -> ()
        } else {
        }
        %add3A_259 = arith.constant 6 : i32
        %add3A_260 = arith.addi %add3A_102, %add3A_259 : i32
        %mul3A_261 = arith.constant 128 : i32
        %mul3A_262 = arith.muli %add3A_260, %mul3A_261 : i32
        %add3A_263 = arith.constant 128 : i32
        %add3A_264 = arith.addi %mul3A_262, %add3A_263 : i32
        %dma_start3A_265 = arith.constant 0 : i32
        %dma_start3A_266 = tpu.memref_slice %arg2[%add3A_264, %dma_start3A_265] : memref<262144x128xf32, #tpu.memory_space<hbm>> -> memref<128x128xf32, #tpu.memory_space<hbm>>
        %dma_start3A_267 = arith.constant 0 : i32
        %dma_start3A_268 = tpu.memref_slice %arg2[%add3A_264, %dma_start3A_267] : memref<262144x128xf32, #tpu.memory_space<hbm>> -> memref<128x128xf32, #tpu.memory_space<hbm>>
        tpu.enqueue_dma source(%dma_start3A_268 : memref<128x128xf32, #tpu.memory_space<hbm>>) target(%arg15 : memref<128x128xf32, #tpu.memory_space<vmem>>) target_semaphore(%arg17 : memref<!tpu.dma_semaphore, #tpu.memory_space<semaphore_mem>>)
        %dma_wait3A_269 = arith.constant 0 : i32
        %dma_wait3A_270 = tpu.memref_slice %arg2[%mul3A_262, %dma_wait3A_269] : memref<262144x128xf32, #tpu.memory_space<hbm>> -> memref<128x128xf32, #tpu.memory_space<hbm>>
        %dma_wait3A_271 = arith.constant 0 : i32
        %dma_wait3A_272 = tpu.memref_slice %arg2[%mul3A_262, %dma_wait3A_271] : memref<262144x128xf32, #tpu.memory_space<hbm>> -> memref<128x128xf32, #tpu.memory_space<hbm>>
        tpu.wait_dma2 semaphore(%arg16 : memref<!tpu.dma_semaphore, #tpu.memory_space<semaphore_mem>>) src(%dma_wait3A_272 : memref<128x128xf32, #tpu.memory_space<hbm>>) dst(%arg14 : memref<128x128xf32, #tpu.memory_space<vmem>>)
        %run_scoped3A_273 = arith.constant 6 : i32
        "tpu.region"() ({
          %run_scoped3A_303 = tpu.sem_alloc : memref<!tpu.dma_semaphore, #tpu.memory_space<semaphore_mem>>
          %dma_start3A_304 = arith.constant 0 : i32
          %dma_start3A_305 = tpu.memref_slice %arg10[%run_scoped3A_273, %dma_start3A_304] : memref<8x128xi32, #tpu.memory_space<vmem>> -> memref<1x128xi32, #tpu.memory_space<vmem>>
          %dma_start3A_306 = tpu.memref_squeeze %dma_start3A_305 : memref<1x128xi32, #tpu.memory_space<vmem>> -> memref<128xi32, #tpu.memory_space<vmem>>
          %dma_start3A_307 = arith.constant 0 : i32
          %dma_start3A_308 = arith.constant 0 : i32
          %dma_start3A_309 = tpu.memref_slice %arg18[%dma_start3A_307, %dma_start3A_308] : memref<8192x128xf32, #tpu.memory_space<vmem_shared>> -> memref<8192x128xf32, #tpu.memory_space<vmem_shared>>
          tpu.enqueue_indirect_dma source(%arg14 : memref<128x128xf32, #tpu.memory_space<vmem>>) target(%dma_start3A_309 : memref<8192x128xf32, #tpu.memory_space<vmem_shared>>) offsets(%dma_start3A_306 : memref<128xi32, #tpu.memory_space<vmem>>) semaphore(%run_scoped3A_303 : memref<!tpu.dma_semaphore, #tpu.memory_space<semaphore_mem>>) {add = true}
          %dma_wait3A_310 = arith.constant 0 : i32
          %dma_wait3A_311 = tpu.memref_slice %arg10[%run_scoped3A_273, %dma_wait3A_310] : memref<8x128xi32, #tpu.memory_space<vmem>> -> memref<1x128xi32, #tpu.memory_space<vmem>>
          %dma_wait3A_312 = tpu.memref_squeeze %dma_wait3A_311 : memref<1x128xi32, #tpu.memory_space<vmem>> -> memref<128xi32, #tpu.memory_space<vmem>>
          %dma_wait3A_313 = arith.constant 0 : i32
          %dma_wait3A_314 = arith.constant 0 : i32
          %dma_wait3A_315 = tpu.memref_slice %arg18[%dma_wait3A_313, %dma_wait3A_314] : memref<8192x128xf32, #tpu.memory_space<vmem_shared>> -> memref<8192x128xf32, #tpu.memory_space<vmem_shared>>
          tpu.wait_indirect_dma semaphore(%run_scoped3A_303 : memref<!tpu.dma_semaphore, #tpu.memory_space<semaphore_mem>>) src(%arg14 : memref<128x128xf32, #tpu.memory_space<vmem>>) dst(%dma_wait3A_315 : memref<8192x128xf32, #tpu.memory_space<vmem_shared>>)
          tpu.yield
        }) : () -> ()
        %eq3A_274 = arith.constant 0 : i32
        %eq3A_275 = arith.cmpi eq, %arg0, %eq3A_274 : i32
        %convert_element_type3A_276 = arith.extui %eq3A_275 : i1 to i32
        %cond3A_277 = arith.constant 0 : i32
        %cond3A_278 = arith.cmpi ne, %convert_element_type3A_276, %cond3A_277 : i32
        scf.if %cond3A_278 {
          %run_scoped3A_303 = arith.constant 6 : i32
          "tpu.region"() ({
            %run_scoped3A_304 = tpu.sem_alloc : memref<!tpu.dma_semaphore, #tpu.memory_space<semaphore_mem>>
            %dma_start3A_305 = arith.constant 768 : i32
            %dma_start3A_306 = tpu.memref_slice %arg11[%dma_start3A_305] : memref<1024xf32, #tpu.memory_space<vmem>> -> memref<128xf32, #tpu.memory_space<vmem>>
            %dma_start3A_307 = arith.constant 0 : i32
            %dma_start3A_308 = tpu.memref_slice %arg10[%run_scoped3A_303, %dma_start3A_307] : memref<8x128xi32, #tpu.memory_space<vmem>> -> memref<1x128xi32, #tpu.memory_space<vmem>>
            %dma_start3A_309 = tpu.memref_squeeze %dma_start3A_308 : memref<1x128xi32, #tpu.memory_space<vmem>> -> memref<128xi32, #tpu.memory_space<vmem>>
            %dma_start3A_310 = arith.constant 0 : i32
            %dma_start3A_311 = tpu.memref_slice %arg19[%dma_start3A_310] : memref<8192xf32, #tpu.memory_space<vmem_shared>> -> memref<8192xf32, #tpu.memory_space<vmem_shared>>
            tpu.enqueue_indirect_dma source(%dma_start3A_306 : memref<128xf32, #tpu.memory_space<vmem>>) target(%dma_start3A_311 : memref<8192xf32, #tpu.memory_space<vmem_shared>>) offsets(%dma_start3A_309 : memref<128xi32, #tpu.memory_space<vmem>>) semaphore(%run_scoped3A_304 : memref<!tpu.dma_semaphore, #tpu.memory_space<semaphore_mem>>) {add = true}
            %dma_wait3A_312 = arith.constant 768 : i32
            %dma_wait3A_313 = tpu.memref_slice %arg11[%dma_wait3A_312] : memref<1024xf32, #tpu.memory_space<vmem>> -> memref<128xf32, #tpu.memory_space<vmem>>
            %dma_wait3A_314 = arith.constant 0 : i32
            %dma_wait3A_315 = tpu.memref_slice %arg10[%run_scoped3A_303, %dma_wait3A_314] : memref<8x128xi32, #tpu.memory_space<vmem>> -> memref<1x128xi32, #tpu.memory_space<vmem>>
            %dma_wait3A_316 = tpu.memref_squeeze %dma_wait3A_315 : memref<1x128xi32, #tpu.memory_space<vmem>> -> memref<128xi32, #tpu.memory_space<vmem>>
            %dma_wait3A_317 = arith.constant 0 : i32
            %dma_wait3A_318 = tpu.memref_slice %arg19[%dma_wait3A_317] : memref<8192xf32, #tpu.memory_space<vmem_shared>> -> memref<8192xf32, #tpu.memory_space<vmem_shared>>
            tpu.wait_indirect_dma semaphore(%run_scoped3A_304 : memref<!tpu.dma_semaphore, #tpu.memory_space<semaphore_mem>>) src(%dma_wait3A_313 : memref<128xf32, #tpu.memory_space<vmem>>) dst(%dma_wait3A_318 : memref<8192xf32, #tpu.memory_space<vmem_shared>>)
            tpu.yield
          }) : () -> ()
        } else {
        }
        %eq3A_279 = arith.constant 1 : i32
        %eq3A_280 = arith.cmpi eq, %arg0, %eq3A_279 : i32
        %convert_element_type3A_281 = arith.extui %eq3A_280 : i1 to i32
        %cond3A_282 = arith.constant 0 : i32
        %cond3A_283 = arith.cmpi ne, %convert_element_type3A_281, %cond3A_282 : i32
        scf.if %cond3A_283 {
          %run_scoped3A_303 = arith.constant 6 : i32
          "tpu.region"() ({
            %run_scoped3A_304 = tpu.sem_alloc : memref<!tpu.dma_semaphore, #tpu.memory_space<semaphore_mem>>
            %dma_start3A_305 = arith.constant 0 : i32
            %dma_start3A_306 = tpu.memref_slice %arg10[%run_scoped3A_303, %dma_start3A_305] : memref<8x128xi32, #tpu.memory_space<vmem>> -> memref<1x128xi32, #tpu.memory_space<vmem>>
            %dma_start3A_307 = tpu.memref_squeeze %dma_start3A_306 : memref<1x128xi32, #tpu.memory_space<vmem>> -> memref<128xi32, #tpu.memory_space<vmem>>
            %dma_start3A_308 = arith.constant 0 : i32
            %dma_start3A_309 = tpu.memref_slice %arg19[%dma_start3A_308] : memref<8192xf32, #tpu.memory_space<vmem_shared>> -> memref<8192xf32, #tpu.memory_space<vmem_shared>>
            tpu.enqueue_indirect_dma source(%arg12 : memref<128xf32, #tpu.memory_space<vmem>>) target(%dma_start3A_309 : memref<8192xf32, #tpu.memory_space<vmem_shared>>) offsets(%dma_start3A_307 : memref<128xi32, #tpu.memory_space<vmem>>) semaphore(%run_scoped3A_304 : memref<!tpu.dma_semaphore, #tpu.memory_space<semaphore_mem>>) {add = true}
            %dma_wait3A_310 = arith.constant 0 : i32
            %dma_wait3A_311 = tpu.memref_slice %arg10[%run_scoped3A_303, %dma_wait3A_310] : memref<8x128xi32, #tpu.memory_space<vmem>> -> memref<1x128xi32, #tpu.memory_space<vmem>>
            %dma_wait3A_312 = tpu.memref_squeeze %dma_wait3A_311 : memref<1x128xi32, #tpu.memory_space<vmem>> -> memref<128xi32, #tpu.memory_space<vmem>>
            %dma_wait3A_313 = arith.constant 0 : i32
            %dma_wait3A_314 = tpu.memref_slice %arg19[%dma_wait3A_313] : memref<8192xf32, #tpu.memory_space<vmem_shared>> -> memref<8192xf32, #tpu.memory_space<vmem_shared>>
            tpu.wait_indirect_dma semaphore(%run_scoped3A_304 : memref<!tpu.dma_semaphore, #tpu.memory_space<semaphore_mem>>) src(%arg12 : memref<128xf32, #tpu.memory_space<vmem>>) dst(%dma_wait3A_314 : memref<8192xf32, #tpu.memory_space<vmem_shared>>)
            tpu.yield
          }) : () -> ()
        } else {
        }
        %add3A_284 = arith.constant 7 : i32
        %add3A_285 = arith.addi %add3A_102, %add3A_284 : i32
        %mul3A_286 = arith.constant 128 : i32
        %mul3A_287 = arith.muli %add3A_285, %mul3A_286 : i32
        %dma_wait3A_288 = arith.constant 0 : i32
        %dma_wait3A_289 = tpu.memref_slice %arg2[%mul3A_287, %dma_wait3A_288] : memref<262144x128xf32, #tpu.memory_space<hbm>> -> memref<128x128xf32, #tpu.memory_space<hbm>>
        %dma_wait3A_290 = arith.constant 0 : i32
        %dma_wait3A_291 = tpu.memref_slice %arg2[%mul3A_287, %dma_wait3A_290] : memref<262144x128xf32, #tpu.memory_space<hbm>> -> memref<128x128xf32, #tpu.memory_space<hbm>>
        tpu.wait_dma2 semaphore(%arg17 : memref<!tpu.dma_semaphore, #tpu.memory_space<semaphore_mem>>) src(%dma_wait3A_291 : memref<128x128xf32, #tpu.memory_space<hbm>>) dst(%arg15 : memref<128x128xf32, #tpu.memory_space<vmem>>)
        %run_scoped3A_292 = arith.constant 7 : i32
        "tpu.region"() ({
          %run_scoped3A_303 = tpu.sem_alloc : memref<!tpu.dma_semaphore, #tpu.memory_space<semaphore_mem>>
          %dma_start3A_304 = arith.constant 0 : i32
          %dma_start3A_305 = tpu.memref_slice %arg10[%run_scoped3A_292, %dma_start3A_304] : memref<8x128xi32, #tpu.memory_space<vmem>> -> memref<1x128xi32, #tpu.memory_space<vmem>>
          %dma_start3A_306 = tpu.memref_squeeze %dma_start3A_305 : memref<1x128xi32, #tpu.memory_space<vmem>> -> memref<128xi32, #tpu.memory_space<vmem>>
          %dma_start3A_307 = arith.constant 0 : i32
          %dma_start3A_308 = arith.constant 0 : i32
          %dma_start3A_309 = tpu.memref_slice %arg18[%dma_start3A_307, %dma_start3A_308] : memref<8192x128xf32, #tpu.memory_space<vmem_shared>> -> memref<8192x128xf32, #tpu.memory_space<vmem_shared>>
          tpu.enqueue_indirect_dma source(%arg15 : memref<128x128xf32, #tpu.memory_space<vmem>>) target(%dma_start3A_309 : memref<8192x128xf32, #tpu.memory_space<vmem_shared>>) offsets(%dma_start3A_306 : memref<128xi32, #tpu.memory_space<vmem>>) semaphore(%run_scoped3A_303 : memref<!tpu.dma_semaphore, #tpu.memory_space<semaphore_mem>>) {add = true}
          %dma_wait3A_310 = arith.constant 0 : i32
          %dma_wait3A_311 = tpu.memref_slice %arg10[%run_scoped3A_292, %dma_wait3A_310] : memref<8x128xi32, #tpu.memory_space<vmem>> -> memref<1x128xi32, #tpu.memory_space<vmem>>
          %dma_wait3A_312 = tpu.memref_squeeze %dma_wait3A_311 : memref<1x128xi32, #tpu.memory_space<vmem>> -> memref<128xi32, #tpu.memory_space<vmem>>
          %dma_wait3A_313 = arith.constant 0 : i32
          %dma_wait3A_314 = arith.constant 0 : i32
          %dma_wait3A_315 = tpu.memref_slice %arg18[%dma_wait3A_313, %dma_wait3A_314] : memref<8192x128xf32, #tpu.memory_space<vmem_shared>> -> memref<8192x128xf32, #tpu.memory_space<vmem_shared>>
          tpu.wait_indirect_dma semaphore(%run_scoped3A_303 : memref<!tpu.dma_semaphore, #tpu.memory_space<semaphore_mem>>) src(%arg15 : memref<128x128xf32, #tpu.memory_space<vmem>>) dst(%dma_wait3A_315 : memref<8192x128xf32, #tpu.memory_space<vmem_shared>>)
          tpu.yield
        }) : () -> ()
        %eq3A_293 = arith.constant 0 : i32
        %eq3A_294 = arith.cmpi eq, %arg0, %eq3A_293 : i32
        %convert_element_type3A_295 = arith.extui %eq3A_294 : i1 to i32
        %cond3A_296 = arith.constant 0 : i32
        %cond3A_297 = arith.cmpi ne, %convert_element_type3A_295, %cond3A_296 : i32
        scf.if %cond3A_297 {
          %run_scoped3A_303 = arith.constant 7 : i32
          "tpu.region"() ({
            %run_scoped3A_304 = tpu.sem_alloc : memref<!tpu.dma_semaphore, #tpu.memory_space<semaphore_mem>>
            %dma_start3A_305 = arith.constant 896 : i32
            %dma_start3A_306 = tpu.memref_slice %arg11[%dma_start3A_305] : memref<1024xf32, #tpu.memory_space<vmem>> -> memref<128xf32, #tpu.memory_space<vmem>>
            %dma_start3A_307 = arith.constant 0 : i32
            %dma_start3A_308 = tpu.memref_slice %arg10[%run_scoped3A_303, %dma_start3A_307] : memref<8x128xi32, #tpu.memory_space<vmem>> -> memref<1x128xi32, #tpu.memory_space<vmem>>
            %dma_start3A_309 = tpu.memref_squeeze %dma_start3A_308 : memref<1x128xi32, #tpu.memory_space<vmem>> -> memref<128xi32, #tpu.memory_space<vmem>>
            %dma_start3A_310 = arith.constant 0 : i32
            %dma_start3A_311 = tpu.memref_slice %arg19[%dma_start3A_310] : memref<8192xf32, #tpu.memory_space<vmem_shared>> -> memref<8192xf32, #tpu.memory_space<vmem_shared>>
            tpu.enqueue_indirect_dma source(%dma_start3A_306 : memref<128xf32, #tpu.memory_space<vmem>>) target(%dma_start3A_311 : memref<8192xf32, #tpu.memory_space<vmem_shared>>) offsets(%dma_start3A_309 : memref<128xi32, #tpu.memory_space<vmem>>) semaphore(%run_scoped3A_304 : memref<!tpu.dma_semaphore, #tpu.memory_space<semaphore_mem>>) {add = true}
            %dma_wait3A_312 = arith.constant 896 : i32
            %dma_wait3A_313 = tpu.memref_slice %arg11[%dma_wait3A_312] : memref<1024xf32, #tpu.memory_space<vmem>> -> memref<128xf32, #tpu.memory_space<vmem>>
            %dma_wait3A_314 = arith.constant 0 : i32
            %dma_wait3A_315 = tpu.memref_slice %arg10[%run_scoped3A_303, %dma_wait3A_314] : memref<8x128xi32, #tpu.memory_space<vmem>> -> memref<1x128xi32, #tpu.memory_space<vmem>>
            %dma_wait3A_316 = tpu.memref_squeeze %dma_wait3A_315 : memref<1x128xi32, #tpu.memory_space<vmem>> -> memref<128xi32, #tpu.memory_space<vmem>>
            %dma_wait3A_317 = arith.constant 0 : i32
            %dma_wait3A_318 = tpu.memref_slice %arg19[%dma_wait3A_317] : memref<8192xf32, #tpu.memory_space<vmem_shared>> -> memref<8192xf32, #tpu.memory_space<vmem_shared>>
            tpu.wait_indirect_dma semaphore(%run_scoped3A_304 : memref<!tpu.dma_semaphore, #tpu.memory_space<semaphore_mem>>) src(%dma_wait3A_313 : memref<128xf32, #tpu.memory_space<vmem>>) dst(%dma_wait3A_318 : memref<8192xf32, #tpu.memory_space<vmem_shared>>)
            tpu.yield
          }) : () -> ()
        } else {
        }
        %eq3A_298 = arith.constant 1 : i32
        %eq3A_299 = arith.cmpi eq, %arg0, %eq3A_298 : i32
        %convert_element_type3A_300 = arith.extui %eq3A_299 : i1 to i32
        %cond3A_301 = arith.constant 0 : i32
        %cond3A_302 = arith.cmpi ne, %convert_element_type3A_300, %cond3A_301 : i32
        scf.if %cond3A_302 {
          %run_scoped3A_303 = arith.constant 7 : i32
          "tpu.region"() ({
            %run_scoped3A_304 = tpu.sem_alloc : memref<!tpu.dma_semaphore, #tpu.memory_space<semaphore_mem>>
            %dma_start3A_305 = arith.constant 0 : i32
            %dma_start3A_306 = tpu.memref_slice %arg10[%run_scoped3A_303, %dma_start3A_305] : memref<8x128xi32, #tpu.memory_space<vmem>> -> memref<1x128xi32, #tpu.memory_space<vmem>>
            %dma_start3A_307 = tpu.memref_squeeze %dma_start3A_306 : memref<1x128xi32, #tpu.memory_space<vmem>> -> memref<128xi32, #tpu.memory_space<vmem>>
            %dma_start3A_308 = arith.constant 0 : i32
            %dma_start3A_309 = tpu.memref_slice %arg19[%dma_start3A_308] : memref<8192xf32, #tpu.memory_space<vmem_shared>> -> memref<8192xf32, #tpu.memory_space<vmem_shared>>
            tpu.enqueue_indirect_dma source(%arg12 : memref<128xf32, #tpu.memory_space<vmem>>) target(%dma_start3A_309 : memref<8192xf32, #tpu.memory_space<vmem_shared>>) offsets(%dma_start3A_307 : memref<128xi32, #tpu.memory_space<vmem>>) semaphore(%run_scoped3A_304 : memref<!tpu.dma_semaphore, #tpu.memory_space<semaphore_mem>>) {add = true}
            %dma_wait3A_310 = arith.constant 0 : i32
            %dma_wait3A_311 = tpu.memref_slice %arg10[%run_scoped3A_303, %dma_wait3A_310] : memref<8x128xi32, #tpu.memory_space<vmem>> -> memref<1x128xi32, #tpu.memory_space<vmem>>
            %dma_wait3A_312 = tpu.memref_squeeze %dma_wait3A_311 : memref<1x128xi32, #tpu.memory_space<vmem>> -> memref<128xi32, #tpu.memory_space<vmem>>
            %dma_wait3A_313 = arith.constant 0 : i32
            %dma_wait3A_314 = tpu.memref_slice %arg19[%dma_wait3A_313] : memref<8192xf32, #tpu.memory_space<vmem_shared>> -> memref<8192xf32, #tpu.memory_space<vmem_shared>>
            tpu.wait_indirect_dma semaphore(%run_scoped3A_304 : memref<!tpu.dma_semaphore, #tpu.memory_space<semaphore_mem>>) src(%arg12 : memref<128xf32, #tpu.memory_space<vmem>>) dst(%dma_wait3A_314 : memref<8192xf32, #tpu.memory_space<vmem_shared>>)
            tpu.yield
          }) : () -> ()
        } else {
        }
      }
      %scan3A_96 = arith.constant 16 : i32
    } else {
    }
    %eq3A_75 = arith.constant 1 : i32
    %eq3A_76 = arith.cmpi eq, %arg0, %eq3A_75 : i32
    %convert_element_type3A_77 = arith.extui %eq3A_76 : i1 to i32
    %cond3A_78 = arith.constant 0 : i32
    %cond3A_79 = arith.cmpi ne, %convert_element_type3A_77, %cond3A_78 : i32
    scf.if %cond3A_79 {
      %scan3A_91 = arith.constant 0 : i32
      %scan3A_92 = arith.constant 0 : i32
      %scan3A_93 = arith.constant 16 : i32
      %scan3A_94 = arith.addi %scan3A_92, %scan3A_93 : i32
      %scan3A_95 = arith.constant 1 : i32
      scf.for %scan3A_97 = %scan3A_92 to %scan3A_94 step %scan3A_95  : i32 {
        %mul3A_98 = arith.constant 128 : i32
        %mul3A_99 = arith.muli %arg1, %mul3A_98 : i32
        %mul3A_100 = arith.constant 8 : i32
        %mul3A_101 = arith.muli %scan3A_97, %mul3A_100 : i32
        %add3A_102 = arith.addi %mul3A_99, %mul3A_101 : i32
        "tpu.region"() ({
          %run_scoped3A_226 = tpu.sem_alloc : memref<!tpu.dma_semaphore, #tpu.memory_space<semaphore_mem>>
          %dma_start3A_227 = arith.constant 0 : i32
          %dma_start3A_228 = tpu.memref_slice %arg5[%add3A_102, %dma_start3A_227] : memref<2048x128xi32, #tpu.memory_space<hbm>> -> memref<8x128xi32, #tpu.memory_space<hbm>>
          %dma_start3A_229 = arith.constant 0 : i32
          %dma_start3A_230 = tpu.memref_slice %arg5[%add3A_102, %dma_start3A_229] : memref<2048x128xi32, #tpu.memory_space<hbm>> -> memref<8x128xi32, #tpu.memory_space<hbm>>
          tpu.enqueue_dma source(%dma_start3A_230 : memref<8x128xi32, #tpu.memory_space<hbm>>) target(%arg10 : memref<8x128xi32, #tpu.memory_space<vmem>>) target_semaphore(%run_scoped3A_226 : memref<!tpu.dma_semaphore, #tpu.memory_space<semaphore_mem>>)
          %dma_wait3A_231 = arith.constant 0 : i32
          %dma_wait3A_232 = tpu.memref_slice %arg5[%add3A_102, %dma_wait3A_231] : memref<2048x128xi32, #tpu.memory_space<hbm>> -> memref<8x128xi32, #tpu.memory_space<hbm>>
          %dma_wait3A_233 = arith.constant 0 : i32
          %dma_wait3A_234 = tpu.memref_slice %arg5[%add3A_102, %dma_wait3A_233] : memref<2048x128xi32, #tpu.memory_space<hbm>> -> memref<8x128xi32, #tpu.memory_space<hbm>>
          tpu.wait_dma2 semaphore(%run_scoped3A_226 : memref<!tpu.dma_semaphore, #tpu.memory_space<semaphore_mem>>) src(%dma_wait3A_234 : memref<8x128xi32, #tpu.memory_space<hbm>>) dst(%arg10 : memref<8x128xi32, #tpu.memory_space<vmem>>)
          tpu.yield
        }) : () -> ()
        %add3A_103 = arith.constant 0 : i32
        %add3A_104 = arith.addi %add3A_102, %add3A_103 : i32
        %mul3A_105 = arith.constant 128 : i32
        %mul3A_106 = arith.muli %add3A_104, %mul3A_105 : i32
        %dma_start3A = arith.constant 0 : i32
        %dma_start3A_107 = tpu.memref_slice %arg3[%mul3A_106, %dma_start3A] : memref<262144x128xf32, #tpu.memory_space<hbm>> -> memref<128x128xf32, #tpu.memory_space<hbm>>
        %dma_start3A_108 = arith.constant 0 : i32
        %dma_start3A_109 = tpu.memref_slice %arg3[%mul3A_106, %dma_start3A_108] : memref<262144x128xf32, #tpu.memory_space<hbm>> -> memref<128x128xf32, #tpu.memory_space<hbm>>
        tpu.enqueue_dma source(%dma_start3A_109 : memref<128x128xf32, #tpu.memory_space<hbm>>) target(%arg14 : memref<128x128xf32, #tpu.memory_space<vmem>>) target_semaphore(%arg16 : memref<!tpu.dma_semaphore, #tpu.memory_space<semaphore_mem>>)
        %add3A_110 = arith.constant 128 : i32
        %add3A_111 = arith.addi %mul3A_106, %add3A_110 : i32
        %dma_start3A_112 = arith.constant 0 : i32
        %dma_start3A_113 = tpu.memref_slice %arg3[%add3A_111, %dma_start3A_112] : memref<262144x128xf32, #tpu.memory_space<hbm>> -> memref<128x128xf32, #tpu.memory_space<hbm>>
        %dma_start3A_114 = arith.constant 0 : i32
        %dma_start3A_115 = tpu.memref_slice %arg3[%add3A_111, %dma_start3A_114] : memref<262144x128xf32, #tpu.memory_space<hbm>> -> memref<128x128xf32, #tpu.memory_space<hbm>>
        tpu.enqueue_dma source(%dma_start3A_115 : memref<128x128xf32, #tpu.memory_space<hbm>>) target(%arg15 : memref<128x128xf32, #tpu.memory_space<vmem>>) target_semaphore(%arg17 : memref<!tpu.dma_semaphore, #tpu.memory_space<semaphore_mem>>)
        %dma_wait3A = arith.constant 0 : i32
        %dma_wait3A_116 = tpu.memref_slice %arg3[%mul3A_106, %dma_wait3A] : memref<262144x128xf32, #tpu.memory_space<hbm>> -> memref<128x128xf32, #tpu.memory_space<hbm>>
        %dma_wait3A_117 = arith.constant 0 : i32
        %dma_wait3A_118 = tpu.memref_slice %arg3[%mul3A_106, %dma_wait3A_117] : memref<262144x128xf32, #tpu.memory_space<hbm>> -> memref<128x128xf32, #tpu.memory_space<hbm>>
        tpu.wait_dma2 semaphore(%arg16 : memref<!tpu.dma_semaphore, #tpu.memory_space<semaphore_mem>>) src(%dma_wait3A_118 : memref<128x128xf32, #tpu.memory_space<hbm>>) dst(%arg14 : memref<128x128xf32, #tpu.memory_space<vmem>>)
        %run_scoped3A = arith.constant 0 : i32
        "tpu.region"() ({
          %run_scoped3A_226 = tpu.sem_alloc : memref<!tpu.dma_semaphore, #tpu.memory_space<semaphore_mem>>
          %dma_start3A_227 = arith.constant 0 : i32
          %dma_start3A_228 = tpu.memref_slice %arg10[%run_scoped3A, %dma_start3A_227] : memref<8x128xi32, #tpu.memory_space<vmem>> -> memref<1x128xi32, #tpu.memory_space<vmem>>
          %dma_start3A_229 = tpu.memref_squeeze %dma_start3A_228 : memref<1x128xi32, #tpu.memory_space<vmem>> -> memref<128xi32, #tpu.memory_space<vmem>>
          %dma_start3A_230 = arith.constant 0 : i32
          %dma_start3A_231 = arith.constant 0 : i32
          %dma_start3A_232 = tpu.memref_slice %arg18[%dma_start3A_230, %dma_start3A_231] : memref<8192x128xf32, #tpu.memory_space<vmem_shared>> -> memref<8192x128xf32, #tpu.memory_space<vmem_shared>>
          tpu.enqueue_indirect_dma source(%arg14 : memref<128x128xf32, #tpu.memory_space<vmem>>) target(%dma_start3A_232 : memref<8192x128xf32, #tpu.memory_space<vmem_shared>>) offsets(%dma_start3A_229 : memref<128xi32, #tpu.memory_space<vmem>>) semaphore(%run_scoped3A_226 : memref<!tpu.dma_semaphore, #tpu.memory_space<semaphore_mem>>) {add = true}
          %dma_wait3A_233 = arith.constant 0 : i32
          %dma_wait3A_234 = tpu.memref_slice %arg10[%run_scoped3A, %dma_wait3A_233] : memref<8x128xi32, #tpu.memory_space<vmem>> -> memref<1x128xi32, #tpu.memory_space<vmem>>
          %dma_wait3A_235 = tpu.memref_squeeze %dma_wait3A_234 : memref<1x128xi32, #tpu.memory_space<vmem>> -> memref<128xi32, #tpu.memory_space<vmem>>
          %dma_wait3A_236 = arith.constant 0 : i32
          %dma_wait3A_237 = arith.constant 0 : i32
          %dma_wait3A_238 = tpu.memref_slice %arg18[%dma_wait3A_236, %dma_wait3A_237] : memref<8192x128xf32, #tpu.memory_space<vmem_shared>> -> memref<8192x128xf32, #tpu.memory_space<vmem_shared>>
          tpu.wait_indirect_dma semaphore(%run_scoped3A_226 : memref<!tpu.dma_semaphore, #tpu.memory_space<semaphore_mem>>) src(%arg14 : memref<128x128xf32, #tpu.memory_space<vmem>>) dst(%dma_wait3A_238 : memref<8192x128xf32, #tpu.memory_space<vmem_shared>>)
          tpu.yield
        }) : () -> ()
        %run_scoped3A_119 = arith.constant 0 : i32
        "tpu.region"() ({
          %run_scoped3A_226 = tpu.sem_alloc : memref<!tpu.dma_semaphore, #tpu.memory_space<semaphore_mem>>
          %dma_start3A_227 = arith.constant 0 : i32
          %dma_start3A_228 = tpu.memref_slice %arg10[%run_scoped3A_119, %dma_start3A_227] : memref<8x128xi32, #tpu.memory_space<vmem>> -> memref<1x128xi32, #tpu.memory_space<vmem>>
          %dma_start3A_229 = tpu.memref_squeeze %dma_start3A_228 : memref<1x128xi32, #tpu.memory_space<vmem>> -> memref<128xi32, #tpu.memory_space<vmem>>
          %dma_start3A_230 = arith.constant 0 : i32
          %dma_start3A_231 = tpu.memref_slice %arg19[%dma_start3A_230] : memref<8192xf32, #tpu.memory_space<vmem_shared>> -> memref<8192xf32, #tpu.memory_space<vmem_shared>>
          tpu.enqueue_indirect_dma source(%arg12 : memref<128xf32, #tpu.memory_space<vmem>>) target(%dma_start3A_231 : memref<8192xf32, #tpu.memory_space<vmem_shared>>) offsets(%dma_start3A_229 : memref<128xi32, #tpu.memory_space<vmem>>) semaphore(%run_scoped3A_226 : memref<!tpu.dma_semaphore, #tpu.memory_space<semaphore_mem>>) {add = true}
          %dma_wait3A_232 = arith.constant 0 : i32
          %dma_wait3A_233 = tpu.memref_slice %arg10[%run_scoped3A_119, %dma_wait3A_232] : memref<8x128xi32, #tpu.memory_space<vmem>> -> memref<1x128xi32, #tpu.memory_space<vmem>>
          %dma_wait3A_234 = tpu.memref_squeeze %dma_wait3A_233 : memref<1x128xi32, #tpu.memory_space<vmem>> -> memref<128xi32, #tpu.memory_space<vmem>>
          %dma_wait3A_235 = arith.constant 0 : i32
          %dma_wait3A_236 = tpu.memref_slice %arg19[%dma_wait3A_235] : memref<8192xf32, #tpu.memory_space<vmem_shared>> -> memref<8192xf32, #tpu.memory_space<vmem_shared>>
          tpu.wait_indirect_dma semaphore(%run_scoped3A_226 : memref<!tpu.dma_semaphore, #tpu.memory_space<semaphore_mem>>) src(%arg12 : memref<128xf32, #tpu.memory_space<vmem>>) dst(%dma_wait3A_236 : memref<8192xf32, #tpu.memory_space<vmem_shared>>)
          tpu.yield
        }) : () -> ()
        %add3A_120 = arith.constant 1 : i32
        %add3A_121 = arith.addi %add3A_102, %add3A_120 : i32
        %mul3A_122 = arith.constant 128 : i32
        %mul3A_123 = arith.muli %add3A_121, %mul3A_122 : i32
        %add3A_124 = arith.constant 128 : i32
        %add3A_125 = arith.addi %mul3A_123, %add3A_124 : i32
        %dma_start3A_126 = arith.constant 0 : i32
        %dma_start3A_127 = tpu.memref_slice %arg3[%add3A_125, %dma_start3A_126] : memref<262144x128xf32, #tpu.memory_space<hbm>> -> memref<128x128xf32, #tpu.memory_space<hbm>>
        %dma_start3A_128 = arith.constant 0 : i32
        %dma_start3A_129 = tpu.memref_slice %arg3[%add3A_125, %dma_start3A_128] : memref<262144x128xf32, #tpu.memory_space<hbm>> -> memref<128x128xf32, #tpu.memory_space<hbm>>
        tpu.enqueue_dma source(%dma_start3A_129 : memref<128x128xf32, #tpu.memory_space<hbm>>) target(%arg14 : memref<128x128xf32, #tpu.memory_space<vmem>>) target_semaphore(%arg16 : memref<!tpu.dma_semaphore, #tpu.memory_space<semaphore_mem>>)
        %dma_wait3A_130 = arith.constant 0 : i32
        %dma_wait3A_131 = tpu.memref_slice %arg3[%mul3A_123, %dma_wait3A_130] : memref<262144x128xf32, #tpu.memory_space<hbm>> -> memref<128x128xf32, #tpu.memory_space<hbm>>
        %dma_wait3A_132 = arith.constant 0 : i32
        %dma_wait3A_133 = tpu.memref_slice %arg3[%mul3A_123, %dma_wait3A_132] : memref<262144x128xf32, #tpu.memory_space<hbm>> -> memref<128x128xf32, #tpu.memory_space<hbm>>
        tpu.wait_dma2 semaphore(%arg17 : memref<!tpu.dma_semaphore, #tpu.memory_space<semaphore_mem>>) src(%dma_wait3A_133 : memref<128x128xf32, #tpu.memory_space<hbm>>) dst(%arg15 : memref<128x128xf32, #tpu.memory_space<vmem>>)
        %run_scoped3A_134 = arith.constant 1 : i32
        "tpu.region"() ({
          %run_scoped3A_226 = tpu.sem_alloc : memref<!tpu.dma_semaphore, #tpu.memory_space<semaphore_mem>>
          %dma_start3A_227 = arith.constant 0 : i32
          %dma_start3A_228 = tpu.memref_slice %arg10[%run_scoped3A_134, %dma_start3A_227] : memref<8x128xi32, #tpu.memory_space<vmem>> -> memref<1x128xi32, #tpu.memory_space<vmem>>
          %dma_start3A_229 = tpu.memref_squeeze %dma_start3A_228 : memref<1x128xi32, #tpu.memory_space<vmem>> -> memref<128xi32, #tpu.memory_space<vmem>>
          %dma_start3A_230 = arith.constant 0 : i32
          %dma_start3A_231 = arith.constant 0 : i32
          %dma_start3A_232 = tpu.memref_slice %arg18[%dma_start3A_230, %dma_start3A_231] : memref<8192x128xf32, #tpu.memory_space<vmem_shared>> -> memref<8192x128xf32, #tpu.memory_space<vmem_shared>>
          tpu.enqueue_indirect_dma source(%arg15 : memref<128x128xf32, #tpu.memory_space<vmem>>) target(%dma_start3A_232 : memref<8192x128xf32, #tpu.memory_space<vmem_shared>>) offsets(%dma_start3A_229 : memref<128xi32, #tpu.memory_space<vmem>>) semaphore(%run_scoped3A_226 : memref<!tpu.dma_semaphore, #tpu.memory_space<semaphore_mem>>) {add = true}
          %dma_wait3A_233 = arith.constant 0 : i32
          %dma_wait3A_234 = tpu.memref_slice %arg10[%run_scoped3A_134, %dma_wait3A_233] : memref<8x128xi32, #tpu.memory_space<vmem>> -> memref<1x128xi32, #tpu.memory_space<vmem>>
          %dma_wait3A_235 = tpu.memref_squeeze %dma_wait3A_234 : memref<1x128xi32, #tpu.memory_space<vmem>> -> memref<128xi32, #tpu.memory_space<vmem>>
          %dma_wait3A_236 = arith.constant 0 : i32
          %dma_wait3A_237 = arith.constant 0 : i32
          %dma_wait3A_238 = tpu.memref_slice %arg18[%dma_wait3A_236, %dma_wait3A_237] : memref<8192x128xf32, #tpu.memory_space<vmem_shared>> -> memref<8192x128xf32, #tpu.memory_space<vmem_shared>>
          tpu.wait_indirect_dma semaphore(%run_scoped3A_226 : memref<!tpu.dma_semaphore, #tpu.memory_space<semaphore_mem>>) src(%arg15 : memref<128x128xf32, #tpu.memory_space<vmem>>) dst(%dma_wait3A_238 : memref<8192x128xf32, #tpu.memory_space<vmem_shared>>)
          tpu.yield
        }) : () -> ()
        %run_scoped3A_135 = arith.constant 1 : i32
        "tpu.region"() ({
          %run_scoped3A_226 = tpu.sem_alloc : memref<!tpu.dma_semaphore, #tpu.memory_space<semaphore_mem>>
          %dma_start3A_227 = arith.constant 0 : i32
          %dma_start3A_228 = tpu.memref_slice %arg10[%run_scoped3A_135, %dma_start3A_227] : memref<8x128xi32, #tpu.memory_space<vmem>> -> memref<1x128xi32, #tpu.memory_space<vmem>>
          %dma_start3A_229 = tpu.memref_squeeze %dma_start3A_228 : memref<1x128xi32, #tpu.memory_space<vmem>> -> memref<128xi32, #tpu.memory_space<vmem>>
          %dma_start3A_230 = arith.constant 0 : i32
          %dma_start3A_231 = tpu.memref_slice %arg19[%dma_start3A_230] : memref<8192xf32, #tpu.memory_space<vmem_shared>> -> memref<8192xf32, #tpu.memory_space<vmem_shared>>
          tpu.enqueue_indirect_dma source(%arg12 : memref<128xf32, #tpu.memory_space<vmem>>) target(%dma_start3A_231 : memref<8192xf32, #tpu.memory_space<vmem_shared>>) offsets(%dma_start3A_229 : memref<128xi32, #tpu.memory_space<vmem>>) semaphore(%run_scoped3A_226 : memref<!tpu.dma_semaphore, #tpu.memory_space<semaphore_mem>>) {add = true}
          %dma_wait3A_232 = arith.constant 0 : i32
          %dma_wait3A_233 = tpu.memref_slice %arg10[%run_scoped3A_135, %dma_wait3A_232] : memref<8x128xi32, #tpu.memory_space<vmem>> -> memref<1x128xi32, #tpu.memory_space<vmem>>
          %dma_wait3A_234 = tpu.memref_squeeze %dma_wait3A_233 : memref<1x128xi32, #tpu.memory_space<vmem>> -> memref<128xi32, #tpu.memory_space<vmem>>
          %dma_wait3A_235 = arith.constant 0 : i32
          %dma_wait3A_236 = tpu.memref_slice %arg19[%dma_wait3A_235] : memref<8192xf32, #tpu.memory_space<vmem_shared>> -> memref<8192xf32, #tpu.memory_space<vmem_shared>>
          tpu.wait_indirect_dma semaphore(%run_scoped3A_226 : memref<!tpu.dma_semaphore, #tpu.memory_space<semaphore_mem>>) src(%arg12 : memref<128xf32, #tpu.memory_space<vmem>>) dst(%dma_wait3A_236 : memref<8192xf32, #tpu.memory_space<vmem_shared>>)
          tpu.yield
        }) : () -> ()
        %add3A_136 = arith.constant 2 : i32
        %add3A_137 = arith.addi %add3A_102, %add3A_136 : i32
        %mul3A_138 = arith.constant 128 : i32
        %mul3A_139 = arith.muli %add3A_137, %mul3A_138 : i32
        %add3A_140 = arith.constant 128 : i32
        %add3A_141 = arith.addi %mul3A_139, %add3A_140 : i32
        %dma_start3A_142 = arith.constant 0 : i32
        %dma_start3A_143 = tpu.memref_slice %arg3[%add3A_141, %dma_start3A_142] : memref<262144x128xf32, #tpu.memory_space<hbm>> -> memref<128x128xf32, #tpu.memory_space<hbm>>
        %dma_start3A_144 = arith.constant 0 : i32
        %dma_start3A_145 = tpu.memref_slice %arg3[%add3A_141, %dma_start3A_144] : memref<262144x128xf32, #tpu.memory_space<hbm>> -> memref<128x128xf32, #tpu.memory_space<hbm>>
        tpu.enqueue_dma source(%dma_start3A_145 : memref<128x128xf32, #tpu.memory_space<hbm>>) target(%arg15 : memref<128x128xf32, #tpu.memory_space<vmem>>) target_semaphore(%arg17 : memref<!tpu.dma_semaphore, #tpu.memory_space<semaphore_mem>>)
        %dma_wait3A_146 = arith.constant 0 : i32
        %dma_wait3A_147 = tpu.memref_slice %arg3[%mul3A_139, %dma_wait3A_146] : memref<262144x128xf32, #tpu.memory_space<hbm>> -> memref<128x128xf32, #tpu.memory_space<hbm>>
        %dma_wait3A_148 = arith.constant 0 : i32
        %dma_wait3A_149 = tpu.memref_slice %arg3[%mul3A_139, %dma_wait3A_148] : memref<262144x128xf32, #tpu.memory_space<hbm>> -> memref<128x128xf32, #tpu.memory_space<hbm>>
        tpu.wait_dma2 semaphore(%arg16 : memref<!tpu.dma_semaphore, #tpu.memory_space<semaphore_mem>>) src(%dma_wait3A_149 : memref<128x128xf32, #tpu.memory_space<hbm>>) dst(%arg14 : memref<128x128xf32, #tpu.memory_space<vmem>>)
        %run_scoped3A_150 = arith.constant 2 : i32
        "tpu.region"() ({
          %run_scoped3A_226 = tpu.sem_alloc : memref<!tpu.dma_semaphore, #tpu.memory_space<semaphore_mem>>
          %dma_start3A_227 = arith.constant 0 : i32
          %dma_start3A_228 = tpu.memref_slice %arg10[%run_scoped3A_150, %dma_start3A_227] : memref<8x128xi32, #tpu.memory_space<vmem>> -> memref<1x128xi32, #tpu.memory_space<vmem>>
          %dma_start3A_229 = tpu.memref_squeeze %dma_start3A_228 : memref<1x128xi32, #tpu.memory_space<vmem>> -> memref<128xi32, #tpu.memory_space<vmem>>
          %dma_start3A_230 = arith.constant 0 : i32
          %dma_start3A_231 = arith.constant 0 : i32
          %dma_start3A_232 = tpu.memref_slice %arg18[%dma_start3A_230, %dma_start3A_231] : memref<8192x128xf32, #tpu.memory_space<vmem_shared>> -> memref<8192x128xf32, #tpu.memory_space<vmem_shared>>
          tpu.enqueue_indirect_dma source(%arg14 : memref<128x128xf32, #tpu.memory_space<vmem>>) target(%dma_start3A_232 : memref<8192x128xf32, #tpu.memory_space<vmem_shared>>) offsets(%dma_start3A_229 : memref<128xi32, #tpu.memory_space<vmem>>) semaphore(%run_scoped3A_226 : memref<!tpu.dma_semaphore, #tpu.memory_space<semaphore_mem>>) {add = true}
          %dma_wait3A_233 = arith.constant 0 : i32
          %dma_wait3A_234 = tpu.memref_slice %arg10[%run_scoped3A_150, %dma_wait3A_233] : memref<8x128xi32, #tpu.memory_space<vmem>> -> memref<1x128xi32, #tpu.memory_space<vmem>>
          %dma_wait3A_235 = tpu.memref_squeeze %dma_wait3A_234 : memref<1x128xi32, #tpu.memory_space<vmem>> -> memref<128xi32, #tpu.memory_space<vmem>>
          %dma_wait3A_236 = arith.constant 0 : i32
          %dma_wait3A_237 = arith.constant 0 : i32
          %dma_wait3A_238 = tpu.memref_slice %arg18[%dma_wait3A_236, %dma_wait3A_237] : memref<8192x128xf32, #tpu.memory_space<vmem_shared>> -> memref<8192x128xf32, #tpu.memory_space<vmem_shared>>
          tpu.wait_indirect_dma semaphore(%run_scoped3A_226 : memref<!tpu.dma_semaphore, #tpu.memory_space<semaphore_mem>>) src(%arg14 : memref<128x128xf32, #tpu.memory_space<vmem>>) dst(%dma_wait3A_238 : memref<8192x128xf32, #tpu.memory_space<vmem_shared>>)
          tpu.yield
        }) : () -> ()
        %run_scoped3A_151 = arith.constant 2 : i32
        "tpu.region"() ({
          %run_scoped3A_226 = tpu.sem_alloc : memref<!tpu.dma_semaphore, #tpu.memory_space<semaphore_mem>>
          %dma_start3A_227 = arith.constant 0 : i32
          %dma_start3A_228 = tpu.memref_slice %arg10[%run_scoped3A_151, %dma_start3A_227] : memref<8x128xi32, #tpu.memory_space<vmem>> -> memref<1x128xi32, #tpu.memory_space<vmem>>
          %dma_start3A_229 = tpu.memref_squeeze %dma_start3A_228 : memref<1x128xi32, #tpu.memory_space<vmem>> -> memref<128xi32, #tpu.memory_space<vmem>>
          %dma_start3A_230 = arith.constant 0 : i32
          %dma_start3A_231 = tpu.memref_slice %arg19[%dma_start3A_230] : memref<8192xf32, #tpu.memory_space<vmem_shared>> -> memref<8192xf32, #tpu.memory_space<vmem_shared>>
          tpu.enqueue_indirect_dma source(%arg12 : memref<128xf32, #tpu.memory_space<vmem>>) target(%dma_start3A_231 : memref<8192xf32, #tpu.memory_space<vmem_shared>>) offsets(%dma_start3A_229 : memref<128xi32, #tpu.memory_space<vmem>>) semaphore(%run_scoped3A_226 : memref<!tpu.dma_semaphore, #tpu.memory_space<semaphore_mem>>) {add = true}
          %dma_wait3A_232 = arith.constant 0 : i32
          %dma_wait3A_233 = tpu.memref_slice %arg10[%run_scoped3A_151, %dma_wait3A_232] : memref<8x128xi32, #tpu.memory_space<vmem>> -> memref<1x128xi32, #tpu.memory_space<vmem>>
          %dma_wait3A_234 = tpu.memref_squeeze %dma_wait3A_233 : memref<1x128xi32, #tpu.memory_space<vmem>> -> memref<128xi32, #tpu.memory_space<vmem>>
          %dma_wait3A_235 = arith.constant 0 : i32
          %dma_wait3A_236 = tpu.memref_slice %arg19[%dma_wait3A_235] : memref<8192xf32, #tpu.memory_space<vmem_shared>> -> memref<8192xf32, #tpu.memory_space<vmem_shared>>
          tpu.wait_indirect_dma semaphore(%run_scoped3A_226 : memref<!tpu.dma_semaphore, #tpu.memory_space<semaphore_mem>>) src(%arg12 : memref<128xf32, #tpu.memory_space<vmem>>) dst(%dma_wait3A_236 : memref<8192xf32, #tpu.memory_space<vmem_shared>>)
          tpu.yield
        }) : () -> ()
        %add3A_152 = arith.constant 3 : i32
        %add3A_153 = arith.addi %add3A_102, %add3A_152 : i32
        %mul3A_154 = arith.constant 128 : i32
        %mul3A_155 = arith.muli %add3A_153, %mul3A_154 : i32
        %add3A_156 = arith.constant 128 : i32
        %add3A_157 = arith.addi %mul3A_155, %add3A_156 : i32
        %dma_start3A_158 = arith.constant 0 : i32
        %dma_start3A_159 = tpu.memref_slice %arg3[%add3A_157, %dma_start3A_158] : memref<262144x128xf32, #tpu.memory_space<hbm>> -> memref<128x128xf32, #tpu.memory_space<hbm>>
        %dma_start3A_160 = arith.constant 0 : i32
        %dma_start3A_161 = tpu.memref_slice %arg3[%add3A_157, %dma_start3A_160] : memref<262144x128xf32, #tpu.memory_space<hbm>> -> memref<128x128xf32, #tpu.memory_space<hbm>>
        tpu.enqueue_dma source(%dma_start3A_161 : memref<128x128xf32, #tpu.memory_space<hbm>>) target(%arg14 : memref<128x128xf32, #tpu.memory_space<vmem>>) target_semaphore(%arg16 : memref<!tpu.dma_semaphore, #tpu.memory_space<semaphore_mem>>)
        %dma_wait3A_162 = arith.constant 0 : i32
        %dma_wait3A_163 = tpu.memref_slice %arg3[%mul3A_155, %dma_wait3A_162] : memref<262144x128xf32, #tpu.memory_space<hbm>> -> memref<128x128xf32, #tpu.memory_space<hbm>>
        %dma_wait3A_164 = arith.constant 0 : i32
        %dma_wait3A_165 = tpu.memref_slice %arg3[%mul3A_155, %dma_wait3A_164] : memref<262144x128xf32, #tpu.memory_space<hbm>> -> memref<128x128xf32, #tpu.memory_space<hbm>>
        tpu.wait_dma2 semaphore(%arg17 : memref<!tpu.dma_semaphore, #tpu.memory_space<semaphore_mem>>) src(%dma_wait3A_165 : memref<128x128xf32, #tpu.memory_space<hbm>>) dst(%arg15 : memref<128x128xf32, #tpu.memory_space<vmem>>)
        %run_scoped3A_166 = arith.constant 3 : i32
        "tpu.region"() ({
          %run_scoped3A_226 = tpu.sem_alloc : memref<!tpu.dma_semaphore, #tpu.memory_space<semaphore_mem>>
          %dma_start3A_227 = arith.constant 0 : i32
          %dma_start3A_228 = tpu.memref_slice %arg10[%run_scoped3A_166, %dma_start3A_227] : memref<8x128xi32, #tpu.memory_space<vmem>> -> memref<1x128xi32, #tpu.memory_space<vmem>>
          %dma_start3A_229 = tpu.memref_squeeze %dma_start3A_228 : memref<1x128xi32, #tpu.memory_space<vmem>> -> memref<128xi32, #tpu.memory_space<vmem>>
          %dma_start3A_230 = arith.constant 0 : i32
          %dma_start3A_231 = arith.constant 0 : i32
          %dma_start3A_232 = tpu.memref_slice %arg18[%dma_start3A_230, %dma_start3A_231] : memref<8192x128xf32, #tpu.memory_space<vmem_shared>> -> memref<8192x128xf32, #tpu.memory_space<vmem_shared>>
          tpu.enqueue_indirect_dma source(%arg15 : memref<128x128xf32, #tpu.memory_space<vmem>>) target(%dma_start3A_232 : memref<8192x128xf32, #tpu.memory_space<vmem_shared>>) offsets(%dma_start3A_229 : memref<128xi32, #tpu.memory_space<vmem>>) semaphore(%run_scoped3A_226 : memref<!tpu.dma_semaphore, #tpu.memory_space<semaphore_mem>>) {add = true}
          %dma_wait3A_233 = arith.constant 0 : i32
          %dma_wait3A_234 = tpu.memref_slice %arg10[%run_scoped3A_166, %dma_wait3A_233] : memref<8x128xi32, #tpu.memory_space<vmem>> -> memref<1x128xi32, #tpu.memory_space<vmem>>
          %dma_wait3A_235 = tpu.memref_squeeze %dma_wait3A_234 : memref<1x128xi32, #tpu.memory_space<vmem>> -> memref<128xi32, #tpu.memory_space<vmem>>
          %dma_wait3A_236 = arith.constant 0 : i32
          %dma_wait3A_237 = arith.constant 0 : i32
          %dma_wait3A_238 = tpu.memref_slice %arg18[%dma_wait3A_236, %dma_wait3A_237] : memref<8192x128xf32, #tpu.memory_space<vmem_shared>> -> memref<8192x128xf32, #tpu.memory_space<vmem_shared>>
          tpu.wait_indirect_dma semaphore(%run_scoped3A_226 : memref<!tpu.dma_semaphore, #tpu.memory_space<semaphore_mem>>) src(%arg15 : memref<128x128xf32, #tpu.memory_space<vmem>>) dst(%dma_wait3A_238 : memref<8192x128xf32, #tpu.memory_space<vmem_shared>>)
          tpu.yield
        }) : () -> ()
        %run_scoped3A_167 = arith.constant 3 : i32
        "tpu.region"() ({
          %run_scoped3A_226 = tpu.sem_alloc : memref<!tpu.dma_semaphore, #tpu.memory_space<semaphore_mem>>
          %dma_start3A_227 = arith.constant 0 : i32
          %dma_start3A_228 = tpu.memref_slice %arg10[%run_scoped3A_167, %dma_start3A_227] : memref<8x128xi32, #tpu.memory_space<vmem>> -> memref<1x128xi32, #tpu.memory_space<vmem>>
          %dma_start3A_229 = tpu.memref_squeeze %dma_start3A_228 : memref<1x128xi32, #tpu.memory_space<vmem>> -> memref<128xi32, #tpu.memory_space<vmem>>
          %dma_start3A_230 = arith.constant 0 : i32
          %dma_start3A_231 = tpu.memref_slice %arg19[%dma_start3A_230] : memref<8192xf32, #tpu.memory_space<vmem_shared>> -> memref<8192xf32, #tpu.memory_space<vmem_shared>>
          tpu.enqueue_indirect_dma source(%arg12 : memref<128xf32, #tpu.memory_space<vmem>>) target(%dma_start3A_231 : memref<8192xf32, #tpu.memory_space<vmem_shared>>) offsets(%dma_start3A_229 : memref<128xi32, #tpu.memory_space<vmem>>) semaphore(%run_scoped3A_226 : memref<!tpu.dma_semaphore, #tpu.memory_space<semaphore_mem>>) {add = true}
          %dma_wait3A_232 = arith.constant 0 : i32
          %dma_wait3A_233 = tpu.memref_slice %arg10[%run_scoped3A_167, %dma_wait3A_232] : memref<8x128xi32, #tpu.memory_space<vmem>> -> memref<1x128xi32, #tpu.memory_space<vmem>>
          %dma_wait3A_234 = tpu.memref_squeeze %dma_wait3A_233 : memref<1x128xi32, #tpu.memory_space<vmem>> -> memref<128xi32, #tpu.memory_space<vmem>>
          %dma_wait3A_235 = arith.constant 0 : i32
          %dma_wait3A_236 = tpu.memref_slice %arg19[%dma_wait3A_235] : memref<8192xf32, #tpu.memory_space<vmem_shared>> -> memref<8192xf32, #tpu.memory_space<vmem_shared>>
          tpu.wait_indirect_dma semaphore(%run_scoped3A_226 : memref<!tpu.dma_semaphore, #tpu.memory_space<semaphore_mem>>) src(%arg12 : memref<128xf32, #tpu.memory_space<vmem>>) dst(%dma_wait3A_236 : memref<8192xf32, #tpu.memory_space<vmem_shared>>)
          tpu.yield
        }) : () -> ()
        %add3A_168 = arith.constant 4 : i32
        %add3A_169 = arith.addi %add3A_102, %add3A_168 : i32
        %mul3A_170 = arith.constant 128 : i32
        %mul3A_171 = arith.muli %add3A_169, %mul3A_170 : i32
        %add3A_172 = arith.constant 128 : i32
        %add3A_173 = arith.addi %mul3A_171, %add3A_172 : i32
        %dma_start3A_174 = arith.constant 0 : i32
        %dma_start3A_175 = tpu.memref_slice %arg3[%add3A_173, %dma_start3A_174] : memref<262144x128xf32, #tpu.memory_space<hbm>> -> memref<128x128xf32, #tpu.memory_space<hbm>>
        %dma_start3A_176 = arith.constant 0 : i32
        %dma_start3A_177 = tpu.memref_slice %arg3[%add3A_173, %dma_start3A_176] : memref<262144x128xf32, #tpu.memory_space<hbm>> -> memref<128x128xf32, #tpu.memory_space<hbm>>
        tpu.enqueue_dma source(%dma_start3A_177 : memref<128x128xf32, #tpu.memory_space<hbm>>) target(%arg15 : memref<128x128xf32, #tpu.memory_space<vmem>>) target_semaphore(%arg17 : memref<!tpu.dma_semaphore, #tpu.memory_space<semaphore_mem>>)
        %dma_wait3A_178 = arith.constant 0 : i32
        %dma_wait3A_179 = tpu.memref_slice %arg3[%mul3A_171, %dma_wait3A_178] : memref<262144x128xf32, #tpu.memory_space<hbm>> -> memref<128x128xf32, #tpu.memory_space<hbm>>
        %dma_wait3A_180 = arith.constant 0 : i32
        %dma_wait3A_181 = tpu.memref_slice %arg3[%mul3A_171, %dma_wait3A_180] : memref<262144x128xf32, #tpu.memory_space<hbm>> -> memref<128x128xf32, #tpu.memory_space<hbm>>
        tpu.wait_dma2 semaphore(%arg16 : memref<!tpu.dma_semaphore, #tpu.memory_space<semaphore_mem>>) src(%dma_wait3A_181 : memref<128x128xf32, #tpu.memory_space<hbm>>) dst(%arg14 : memref<128x128xf32, #tpu.memory_space<vmem>>)
        %run_scoped3A_182 = arith.constant 4 : i32
        "tpu.region"() ({
          %run_scoped3A_226 = tpu.sem_alloc : memref<!tpu.dma_semaphore, #tpu.memory_space<semaphore_mem>>
          %dma_start3A_227 = arith.constant 0 : i32
          %dma_start3A_228 = tpu.memref_slice %arg10[%run_scoped3A_182, %dma_start3A_227] : memref<8x128xi32, #tpu.memory_space<vmem>> -> memref<1x128xi32, #tpu.memory_space<vmem>>
          %dma_start3A_229 = tpu.memref_squeeze %dma_start3A_228 : memref<1x128xi32, #tpu.memory_space<vmem>> -> memref<128xi32, #tpu.memory_space<vmem>>
          %dma_start3A_230 = arith.constant 0 : i32
          %dma_start3A_231 = arith.constant 0 : i32
          %dma_start3A_232 = tpu.memref_slice %arg18[%dma_start3A_230, %dma_start3A_231] : memref<8192x128xf32, #tpu.memory_space<vmem_shared>> -> memref<8192x128xf32, #tpu.memory_space<vmem_shared>>
          tpu.enqueue_indirect_dma source(%arg14 : memref<128x128xf32, #tpu.memory_space<vmem>>) target(%dma_start3A_232 : memref<8192x128xf32, #tpu.memory_space<vmem_shared>>) offsets(%dma_start3A_229 : memref<128xi32, #tpu.memory_space<vmem>>) semaphore(%run_scoped3A_226 : memref<!tpu.dma_semaphore, #tpu.memory_space<semaphore_mem>>) {add = true}
          %dma_wait3A_233 = arith.constant 0 : i32
          %dma_wait3A_234 = tpu.memref_slice %arg10[%run_scoped3A_182, %dma_wait3A_233] : memref<8x128xi32, #tpu.memory_space<vmem>> -> memref<1x128xi32, #tpu.memory_space<vmem>>
          %dma_wait3A_235 = tpu.memref_squeeze %dma_wait3A_234 : memref<1x128xi32, #tpu.memory_space<vmem>> -> memref<128xi32, #tpu.memory_space<vmem>>
          %dma_wait3A_236 = arith.constant 0 : i32
          %dma_wait3A_237 = arith.constant 0 : i32
          %dma_wait3A_238 = tpu.memref_slice %arg18[%dma_wait3A_236, %dma_wait3A_237] : memref<8192x128xf32, #tpu.memory_space<vmem_shared>> -> memref<8192x128xf32, #tpu.memory_space<vmem_shared>>
          tpu.wait_indirect_dma semaphore(%run_scoped3A_226 : memref<!tpu.dma_semaphore, #tpu.memory_space<semaphore_mem>>) src(%arg14 : memref<128x128xf32, #tpu.memory_space<vmem>>) dst(%dma_wait3A_238 : memref<8192x128xf32, #tpu.memory_space<vmem_shared>>)
          tpu.yield
        }) : () -> ()
        %run_scoped3A_183 = arith.constant 4 : i32
        "tpu.region"() ({
          %run_scoped3A_226 = tpu.sem_alloc : memref<!tpu.dma_semaphore, #tpu.memory_space<semaphore_mem>>
          %dma_start3A_227 = arith.constant 0 : i32
          %dma_start3A_228 = tpu.memref_slice %arg10[%run_scoped3A_183, %dma_start3A_227] : memref<8x128xi32, #tpu.memory_space<vmem>> -> memref<1x128xi32, #tpu.memory_space<vmem>>
          %dma_start3A_229 = tpu.memref_squeeze %dma_start3A_228 : memref<1x128xi32, #tpu.memory_space<vmem>> -> memref<128xi32, #tpu.memory_space<vmem>>
          %dma_start3A_230 = arith.constant 0 : i32
          %dma_start3A_231 = tpu.memref_slice %arg19[%dma_start3A_230] : memref<8192xf32, #tpu.memory_space<vmem_shared>> -> memref<8192xf32, #tpu.memory_space<vmem_shared>>
          tpu.enqueue_indirect_dma source(%arg12 : memref<128xf32, #tpu.memory_space<vmem>>) target(%dma_start3A_231 : memref<8192xf32, #tpu.memory_space<vmem_shared>>) offsets(%dma_start3A_229 : memref<128xi32, #tpu.memory_space<vmem>>) semaphore(%run_scoped3A_226 : memref<!tpu.dma_semaphore, #tpu.memory_space<semaphore_mem>>) {add = true}
          %dma_wait3A_232 = arith.constant 0 : i32
          %dma_wait3A_233 = tpu.memref_slice %arg10[%run_scoped3A_183, %dma_wait3A_232] : memref<8x128xi32, #tpu.memory_space<vmem>> -> memref<1x128xi32, #tpu.memory_space<vmem>>
          %dma_wait3A_234 = tpu.memref_squeeze %dma_wait3A_233 : memref<1x128xi32, #tpu.memory_space<vmem>> -> memref<128xi32, #tpu.memory_space<vmem>>
          %dma_wait3A_235 = arith.constant 0 : i32
          %dma_wait3A_236 = tpu.memref_slice %arg19[%dma_wait3A_235] : memref<8192xf32, #tpu.memory_space<vmem_shared>> -> memref<8192xf32, #tpu.memory_space<vmem_shared>>
          tpu.wait_indirect_dma semaphore(%run_scoped3A_226 : memref<!tpu.dma_semaphore, #tpu.memory_space<semaphore_mem>>) src(%arg12 : memref<128xf32, #tpu.memory_space<vmem>>) dst(%dma_wait3A_236 : memref<8192xf32, #tpu.memory_space<vmem_shared>>)
          tpu.yield
        }) : () -> ()
        %add3A_184 = arith.constant 5 : i32
        %add3A_185 = arith.addi %add3A_102, %add3A_184 : i32
        %mul3A_186 = arith.constant 128 : i32
        %mul3A_187 = arith.muli %add3A_185, %mul3A_186 : i32
        %add3A_188 = arith.constant 128 : i32
        %add3A_189 = arith.addi %mul3A_187, %add3A_188 : i32
        %dma_start3A_190 = arith.constant 0 : i32
        %dma_start3A_191 = tpu.memref_slice %arg3[%add3A_189, %dma_start3A_190] : memref<262144x128xf32, #tpu.memory_space<hbm>> -> memref<128x128xf32, #tpu.memory_space<hbm>>
        %dma_start3A_192 = arith.constant 0 : i32
        %dma_start3A_193 = tpu.memref_slice %arg3[%add3A_189, %dma_start3A_192] : memref<262144x128xf32, #tpu.memory_space<hbm>> -> memref<128x128xf32, #tpu.memory_space<hbm>>
        tpu.enqueue_dma source(%dma_start3A_193 : memref<128x128xf32, #tpu.memory_space<hbm>>) target(%arg14 : memref<128x128xf32, #tpu.memory_space<vmem>>) target_semaphore(%arg16 : memref<!tpu.dma_semaphore, #tpu.memory_space<semaphore_mem>>)
        %dma_wait3A_194 = arith.constant 0 : i32
        %dma_wait3A_195 = tpu.memref_slice %arg3[%mul3A_187, %dma_wait3A_194] : memref<262144x128xf32, #tpu.memory_space<hbm>> -> memref<128x128xf32, #tpu.memory_space<hbm>>
        %dma_wait3A_196 = arith.constant 0 : i32
        %dma_wait3A_197 = tpu.memref_slice %arg3[%mul3A_187, %dma_wait3A_196] : memref<262144x128xf32, #tpu.memory_space<hbm>> -> memref<128x128xf32, #tpu.memory_space<hbm>>
        tpu.wait_dma2 semaphore(%arg17 : memref<!tpu.dma_semaphore, #tpu.memory_space<semaphore_mem>>) src(%dma_wait3A_197 : memref<128x128xf32, #tpu.memory_space<hbm>>) dst(%arg15 : memref<128x128xf32, #tpu.memory_space<vmem>>)
        %run_scoped3A_198 = arith.constant 5 : i32
        "tpu.region"() ({
          %run_scoped3A_226 = tpu.sem_alloc : memref<!tpu.dma_semaphore, #tpu.memory_space<semaphore_mem>>
          %dma_start3A_227 = arith.constant 0 : i32
          %dma_start3A_228 = tpu.memref_slice %arg10[%run_scoped3A_198, %dma_start3A_227] : memref<8x128xi32, #tpu.memory_space<vmem>> -> memref<1x128xi32, #tpu.memory_space<vmem>>
          %dma_start3A_229 = tpu.memref_squeeze %dma_start3A_228 : memref<1x128xi32, #tpu.memory_space<vmem>> -> memref<128xi32, #tpu.memory_space<vmem>>
          %dma_start3A_230 = arith.constant 0 : i32
          %dma_start3A_231 = arith.constant 0 : i32
          %dma_start3A_232 = tpu.memref_slice %arg18[%dma_start3A_230, %dma_start3A_231] : memref<8192x128xf32, #tpu.memory_space<vmem_shared>> -> memref<8192x128xf32, #tpu.memory_space<vmem_shared>>
          tpu.enqueue_indirect_dma source(%arg15 : memref<128x128xf32, #tpu.memory_space<vmem>>) target(%dma_start3A_232 : memref<8192x128xf32, #tpu.memory_space<vmem_shared>>) offsets(%dma_start3A_229 : memref<128xi32, #tpu.memory_space<vmem>>) semaphore(%run_scoped3A_226 : memref<!tpu.dma_semaphore, #tpu.memory_space<semaphore_mem>>) {add = true}
          %dma_wait3A_233 = arith.constant 0 : i32
          %dma_wait3A_234 = tpu.memref_slice %arg10[%run_scoped3A_198, %dma_wait3A_233] : memref<8x128xi32, #tpu.memory_space<vmem>> -> memref<1x128xi32, #tpu.memory_space<vmem>>
          %dma_wait3A_235 = tpu.memref_squeeze %dma_wait3A_234 : memref<1x128xi32, #tpu.memory_space<vmem>> -> memref<128xi32, #tpu.memory_space<vmem>>
          %dma_wait3A_236 = arith.constant 0 : i32
          %dma_wait3A_237 = arith.constant 0 : i32
          %dma_wait3A_238 = tpu.memref_slice %arg18[%dma_wait3A_236, %dma_wait3A_237] : memref<8192x128xf32, #tpu.memory_space<vmem_shared>> -> memref<8192x128xf32, #tpu.memory_space<vmem_shared>>
          tpu.wait_indirect_dma semaphore(%run_scoped3A_226 : memref<!tpu.dma_semaphore, #tpu.memory_space<semaphore_mem>>) src(%arg15 : memref<128x128xf32, #tpu.memory_space<vmem>>) dst(%dma_wait3A_238 : memref<8192x128xf32, #tpu.memory_space<vmem_shared>>)
          tpu.yield
        }) : () -> ()
        %run_scoped3A_199 = arith.constant 5 : i32
        "tpu.region"() ({
          %run_scoped3A_226 = tpu.sem_alloc : memref<!tpu.dma_semaphore, #tpu.memory_space<semaphore_mem>>
          %dma_start3A_227 = arith.constant 0 : i32
          %dma_start3A_228 = tpu.memref_slice %arg10[%run_scoped3A_199, %dma_start3A_227] : memref<8x128xi32, #tpu.memory_space<vmem>> -> memref<1x128xi32, #tpu.memory_space<vmem>>
          %dma_start3A_229 = tpu.memref_squeeze %dma_start3A_228 : memref<1x128xi32, #tpu.memory_space<vmem>> -> memref<128xi32, #tpu.memory_space<vmem>>
          %dma_start3A_230 = arith.constant 0 : i32
          %dma_start3A_231 = tpu.memref_slice %arg19[%dma_start3A_230] : memref<8192xf32, #tpu.memory_space<vmem_shared>> -> memref<8192xf32, #tpu.memory_space<vmem_shared>>
          tpu.enqueue_indirect_dma source(%arg12 : memref<128xf32, #tpu.memory_space<vmem>>) target(%dma_start3A_231 : memref<8192xf32, #tpu.memory_space<vmem_shared>>) offsets(%dma_start3A_229 : memref<128xi32, #tpu.memory_space<vmem>>) semaphore(%run_scoped3A_226 : memref<!tpu.dma_semaphore, #tpu.memory_space<semaphore_mem>>) {add = true}
          %dma_wait3A_232 = arith.constant 0 : i32
          %dma_wait3A_233 = tpu.memref_slice %arg10[%run_scoped3A_199, %dma_wait3A_232] : memref<8x128xi32, #tpu.memory_space<vmem>> -> memref<1x128xi32, #tpu.memory_space<vmem>>
          %dma_wait3A_234 = tpu.memref_squeeze %dma_wait3A_233 : memref<1x128xi32, #tpu.memory_space<vmem>> -> memref<128xi32, #tpu.memory_space<vmem>>
          %dma_wait3A_235 = arith.constant 0 : i32
          %dma_wait3A_236 = tpu.memref_slice %arg19[%dma_wait3A_235] : memref<8192xf32, #tpu.memory_space<vmem_shared>> -> memref<8192xf32, #tpu.memory_space<vmem_shared>>
          tpu.wait_indirect_dma semaphore(%run_scoped3A_226 : memref<!tpu.dma_semaphore, #tpu.memory_space<semaphore_mem>>) src(%arg12 : memref<128xf32, #tpu.memory_space<vmem>>) dst(%dma_wait3A_236 : memref<8192xf32, #tpu.memory_space<vmem_shared>>)
          tpu.yield
        }) : () -> ()
        %add3A_200 = arith.constant 6 : i32
        %add3A_201 = arith.addi %add3A_102, %add3A_200 : i32
        %mul3A_202 = arith.constant 128 : i32
        %mul3A_203 = arith.muli %add3A_201, %mul3A_202 : i32
        %add3A_204 = arith.constant 128 : i32
        %add3A_205 = arith.addi %mul3A_203, %add3A_204 : i32
        %dma_start3A_206 = arith.constant 0 : i32
        %dma_start3A_207 = tpu.memref_slice %arg3[%add3A_205, %dma_start3A_206] : memref<262144x128xf32, #tpu.memory_space<hbm>> -> memref<128x128xf32, #tpu.memory_space<hbm>>
        %dma_start3A_208 = arith.constant 0 : i32
        %dma_start3A_209 = tpu.memref_slice %arg3[%add3A_205, %dma_start3A_208] : memref<262144x128xf32, #tpu.memory_space<hbm>> -> memref<128x128xf32, #tpu.memory_space<hbm>>
        tpu.enqueue_dma source(%dma_start3A_209 : memref<128x128xf32, #tpu.memory_space<hbm>>) target(%arg15 : memref<128x128xf32, #tpu.memory_space<vmem>>) target_semaphore(%arg17 : memref<!tpu.dma_semaphore, #tpu.memory_space<semaphore_mem>>)
        %dma_wait3A_210 = arith.constant 0 : i32
        %dma_wait3A_211 = tpu.memref_slice %arg3[%mul3A_203, %dma_wait3A_210] : memref<262144x128xf32, #tpu.memory_space<hbm>> -> memref<128x128xf32, #tpu.memory_space<hbm>>
        %dma_wait3A_212 = arith.constant 0 : i32
        %dma_wait3A_213 = tpu.memref_slice %arg3[%mul3A_203, %dma_wait3A_212] : memref<262144x128xf32, #tpu.memory_space<hbm>> -> memref<128x128xf32, #tpu.memory_space<hbm>>
        tpu.wait_dma2 semaphore(%arg16 : memref<!tpu.dma_semaphore, #tpu.memory_space<semaphore_mem>>) src(%dma_wait3A_213 : memref<128x128xf32, #tpu.memory_space<hbm>>) dst(%arg14 : memref<128x128xf32, #tpu.memory_space<vmem>>)
        %run_scoped3A_214 = arith.constant 6 : i32
        "tpu.region"() ({
          %run_scoped3A_226 = tpu.sem_alloc : memref<!tpu.dma_semaphore, #tpu.memory_space<semaphore_mem>>
          %dma_start3A_227 = arith.constant 0 : i32
          %dma_start3A_228 = tpu.memref_slice %arg10[%run_scoped3A_214, %dma_start3A_227] : memref<8x128xi32, #tpu.memory_space<vmem>> -> memref<1x128xi32, #tpu.memory_space<vmem>>
          %dma_start3A_229 = tpu.memref_squeeze %dma_start3A_228 : memref<1x128xi32, #tpu.memory_space<vmem>> -> memref<128xi32, #tpu.memory_space<vmem>>
          %dma_start3A_230 = arith.constant 0 : i32
          %dma_start3A_231 = arith.constant 0 : i32
          %dma_start3A_232 = tpu.memref_slice %arg18[%dma_start3A_230, %dma_start3A_231] : memref<8192x128xf32, #tpu.memory_space<vmem_shared>> -> memref<8192x128xf32, #tpu.memory_space<vmem_shared>>
          tpu.enqueue_indirect_dma source(%arg14 : memref<128x128xf32, #tpu.memory_space<vmem>>) target(%dma_start3A_232 : memref<8192x128xf32, #tpu.memory_space<vmem_shared>>) offsets(%dma_start3A_229 : memref<128xi32, #tpu.memory_space<vmem>>) semaphore(%run_scoped3A_226 : memref<!tpu.dma_semaphore, #tpu.memory_space<semaphore_mem>>) {add = true}
          %dma_wait3A_233 = arith.constant 0 : i32
          %dma_wait3A_234 = tpu.memref_slice %arg10[%run_scoped3A_214, %dma_wait3A_233] : memref<8x128xi32, #tpu.memory_space<vmem>> -> memref<1x128xi32, #tpu.memory_space<vmem>>
          %dma_wait3A_235 = tpu.memref_squeeze %dma_wait3A_234 : memref<1x128xi32, #tpu.memory_space<vmem>> -> memref<128xi32, #tpu.memory_space<vmem>>
          %dma_wait3A_236 = arith.constant 0 : i32
          %dma_wait3A_237 = arith.constant 0 : i32
          %dma_wait3A_238 = tpu.memref_slice %arg18[%dma_wait3A_236, %dma_wait3A_237] : memref<8192x128xf32, #tpu.memory_space<vmem_shared>> -> memref<8192x128xf32, #tpu.memory_space<vmem_shared>>
          tpu.wait_indirect_dma semaphore(%run_scoped3A_226 : memref<!tpu.dma_semaphore, #tpu.memory_space<semaphore_mem>>) src(%arg14 : memref<128x128xf32, #tpu.memory_space<vmem>>) dst(%dma_wait3A_238 : memref<8192x128xf32, #tpu.memory_space<vmem_shared>>)
          tpu.yield
        }) : () -> ()
        %run_scoped3A_215 = arith.constant 6 : i32
        "tpu.region"() ({
          %run_scoped3A_226 = tpu.sem_alloc : memref<!tpu.dma_semaphore, #tpu.memory_space<semaphore_mem>>
          %dma_start3A_227 = arith.constant 0 : i32
          %dma_start3A_228 = tpu.memref_slice %arg10[%run_scoped3A_215, %dma_start3A_227] : memref<8x128xi32, #tpu.memory_space<vmem>> -> memref<1x128xi32, #tpu.memory_space<vmem>>
          %dma_start3A_229 = tpu.memref_squeeze %dma_start3A_228 : memref<1x128xi32, #tpu.memory_space<vmem>> -> memref<128xi32, #tpu.memory_space<vmem>>
          %dma_start3A_230 = arith.constant 0 : i32
          %dma_start3A_231 = tpu.memref_slice %arg19[%dma_start3A_230] : memref<8192xf32, #tpu.memory_space<vmem_shared>> -> memref<8192xf32, #tpu.memory_space<vmem_shared>>
          tpu.enqueue_indirect_dma source(%arg12 : memref<128xf32, #tpu.memory_space<vmem>>) target(%dma_start3A_231 : memref<8192xf32, #tpu.memory_space<vmem_shared>>) offsets(%dma_start3A_229 : memref<128xi32, #tpu.memory_space<vmem>>) semaphore(%run_scoped3A_226 : memref<!tpu.dma_semaphore, #tpu.memory_space<semaphore_mem>>) {add = true}
          %dma_wait3A_232 = arith.constant 0 : i32
          %dma_wait3A_233 = tpu.memref_slice %arg10[%run_scoped3A_215, %dma_wait3A_232] : memref<8x128xi32, #tpu.memory_space<vmem>> -> memref<1x128xi32, #tpu.memory_space<vmem>>
          %dma_wait3A_234 = tpu.memref_squeeze %dma_wait3A_233 : memref<1x128xi32, #tpu.memory_space<vmem>> -> memref<128xi32, #tpu.memory_space<vmem>>
          %dma_wait3A_235 = arith.constant 0 : i32
          %dma_wait3A_236 = tpu.memref_slice %arg19[%dma_wait3A_235] : memref<8192xf32, #tpu.memory_space<vmem_shared>> -> memref<8192xf32, #tpu.memory_space<vmem_shared>>
          tpu.wait_indirect_dma semaphore(%run_scoped3A_226 : memref<!tpu.dma_semaphore, #tpu.memory_space<semaphore_mem>>) src(%arg12 : memref<128xf32, #tpu.memory_space<vmem>>) dst(%dma_wait3A_236 : memref<8192xf32, #tpu.memory_space<vmem_shared>>)
          tpu.yield
        }) : () -> ()
        %add3A_216 = arith.constant 7 : i32
        %add3A_217 = arith.addi %add3A_102, %add3A_216 : i32
        %mul3A_218 = arith.constant 128 : i32
        %mul3A_219 = arith.muli %add3A_217, %mul3A_218 : i32
        %dma_wait3A_220 = arith.constant 0 : i32
        %dma_wait3A_221 = tpu.memref_slice %arg3[%mul3A_219, %dma_wait3A_220] : memref<262144x128xf32, #tpu.memory_space<hbm>> -> memref<128x128xf32, #tpu.memory_space<hbm>>
        %dma_wait3A_222 = arith.constant 0 : i32
        %dma_wait3A_223 = tpu.memref_slice %arg3[%mul3A_219, %dma_wait3A_222] : memref<262144x128xf32, #tpu.memory_space<hbm>> -> memref<128x128xf32, #tpu.memory_space<hbm>>
        tpu.wait_dma2 semaphore(%arg17 : memref<!tpu.dma_semaphore, #tpu.memory_space<semaphore_mem>>) src(%dma_wait3A_223 : memref<128x128xf32, #tpu.memory_space<hbm>>) dst(%arg15 : memref<128x128xf32, #tpu.memory_space<vmem>>)
        %run_scoped3A_224 = arith.constant 7 : i32
        "tpu.region"() ({
          %run_scoped3A_226 = tpu.sem_alloc : memref<!tpu.dma_semaphore, #tpu.memory_space<semaphore_mem>>
          %dma_start3A_227 = arith.constant 0 : i32
          %dma_start3A_228 = tpu.memref_slice %arg10[%run_scoped3A_224, %dma_start3A_227] : memref<8x128xi32, #tpu.memory_space<vmem>> -> memref<1x128xi32, #tpu.memory_space<vmem>>
          %dma_start3A_229 = tpu.memref_squeeze %dma_start3A_228 : memref<1x128xi32, #tpu.memory_space<vmem>> -> memref<128xi32, #tpu.memory_space<vmem>>
          %dma_start3A_230 = arith.constant 0 : i32
          %dma_start3A_231 = arith.constant 0 : i32
          %dma_start3A_232 = tpu.memref_slice %arg18[%dma_start3A_230, %dma_start3A_231] : memref<8192x128xf32, #tpu.memory_space<vmem_shared>> -> memref<8192x128xf32, #tpu.memory_space<vmem_shared>>
          tpu.enqueue_indirect_dma source(%arg15 : memref<128x128xf32, #tpu.memory_space<vmem>>) target(%dma_start3A_232 : memref<8192x128xf32, #tpu.memory_space<vmem_shared>>) offsets(%dma_start3A_229 : memref<128xi32, #tpu.memory_space<vmem>>) semaphore(%run_scoped3A_226 : memref<!tpu.dma_semaphore, #tpu.memory_space<semaphore_mem>>) {add = true}
          %dma_wait3A_233 = arith.constant 0 : i32
          %dma_wait3A_234 = tpu.memref_slice %arg10[%run_scoped3A_224, %dma_wait3A_233] : memref<8x128xi32, #tpu.memory_space<vmem>> -> memref<1x128xi32, #tpu.memory_space<vmem>>
          %dma_wait3A_235 = tpu.memref_squeeze %dma_wait3A_234 : memref<1x128xi32, #tpu.memory_space<vmem>> -> memref<128xi32, #tpu.memory_space<vmem>>
          %dma_wait3A_236 = arith.constant 0 : i32
          %dma_wait3A_237 = arith.constant 0 : i32
          %dma_wait3A_238 = tpu.memref_slice %arg18[%dma_wait3A_236, %dma_wait3A_237] : memref<8192x128xf32, #tpu.memory_space<vmem_shared>> -> memref<8192x128xf32, #tpu.memory_space<vmem_shared>>
          tpu.wait_indirect_dma semaphore(%run_scoped3A_226 : memref<!tpu.dma_semaphore, #tpu.memory_space<semaphore_mem>>) src(%arg15 : memref<128x128xf32, #tpu.memory_space<vmem>>) dst(%dma_wait3A_238 : memref<8192x128xf32, #tpu.memory_space<vmem_shared>>)
          tpu.yield
        }) : () -> ()
        %run_scoped3A_225 = arith.constant 7 : i32
        "tpu.region"() ({
          %run_scoped3A_226 = tpu.sem_alloc : memref<!tpu.dma_semaphore, #tpu.memory_space<semaphore_mem>>
          %dma_start3A_227 = arith.constant 0 : i32
          %dma_start3A_228 = tpu.memref_slice %arg10[%run_scoped3A_225, %dma_start3A_227] : memref<8x128xi32, #tpu.memory_space<vmem>> -> memref<1x128xi32, #tpu.memory_space<vmem>>
          %dma_start3A_229 = tpu.memref_squeeze %dma_start3A_228 : memref<1x128xi32, #tpu.memory_space<vmem>> -> memref<128xi32, #tpu.memory_space<vmem>>
          %dma_start3A_230 = arith.constant 0 : i32
          %dma_start3A_231 = tpu.memref_slice %arg19[%dma_start3A_230] : memref<8192xf32, #tpu.memory_space<vmem_shared>> -> memref<8192xf32, #tpu.memory_space<vmem_shared>>
          tpu.enqueue_indirect_dma source(%arg12 : memref<128xf32, #tpu.memory_space<vmem>>) target(%dma_start3A_231 : memref<8192xf32, #tpu.memory_space<vmem_shared>>) offsets(%dma_start3A_229 : memref<128xi32, #tpu.memory_space<vmem>>) semaphore(%run_scoped3A_226 : memref<!tpu.dma_semaphore, #tpu.memory_space<semaphore_mem>>) {add = true}
          %dma_wait3A_232 = arith.constant 0 : i32
          %dma_wait3A_233 = tpu.memref_slice %arg10[%run_scoped3A_225, %dma_wait3A_232] : memref<8x128xi32, #tpu.memory_space<vmem>> -> memref<1x128xi32, #tpu.memory_space<vmem>>
          %dma_wait3A_234 = tpu.memref_squeeze %dma_wait3A_233 : memref<1x128xi32, #tpu.memory_space<vmem>> -> memref<128xi32, #tpu.memory_space<vmem>>
          %dma_wait3A_235 = arith.constant 0 : i32
          %dma_wait3A_236 = tpu.memref_slice %arg19[%dma_wait3A_235] : memref<8192xf32, #tpu.memory_space<vmem_shared>> -> memref<8192xf32, #tpu.memory_space<vmem_shared>>
          tpu.wait_indirect_dma semaphore(%run_scoped3A_226 : memref<!tpu.dma_semaphore, #tpu.memory_space<semaphore_mem>>) src(%arg12 : memref<128xf32, #tpu.memory_space<vmem>>) dst(%dma_wait3A_236 : memref<8192xf32, #tpu.memory_space<vmem_shared>>)
          tpu.yield
        }) : () -> ()
      }
      %scan3A_96 = arith.constant 16 : i32
    } else {
    }
    %barrier3A_80 = arith.constant 0 : index
    tpu.barrier barrier_id(%barrier3A_80)
    %eq3A_81 = arith.constant 0 : i32
    %eq3A_82 = arith.cmpi eq, %arg0, %eq3A_81 : i32
    %convert_element_type3A_83 = arith.extui %eq3A_82 : i1 to i32
    %cond3A_84 = arith.constant 0 : i32
    %cond3A_85 = arith.cmpi ne, %convert_element_type3A_83, %cond3A_84 : i32
    scf.if %cond3A_85 {
      %mul3A_91 = arith.constant 512 : i32
      %mul3A_92 = arith.muli %arg1, %mul3A_91 : i32
      %mul3A_93 = arith.constant 512 : i32
      %mul3A_94 = arith.muli %arg1, %mul3A_93 : i32
      "tpu.region"() ({
        %run_scoped3A = tpu.sem_alloc : memref<!tpu.dma_semaphore, #tpu.memory_space<semaphore_mem>>
        %dma_start3A = arith.constant 0 : i32
        %dma_start3A_99 = tpu.memref_slice %arg6[%mul3A_94, %dma_start3A] : memref<8192x128xf32, #tpu.memory_space<hbm>> -> memref<512x128xf32, #tpu.memory_space<hbm>>
        %dma_start3A_100 = arith.constant 0 : i32
        %dma_start3A_101 = tpu.memref_slice %arg18[%mul3A_92, %dma_start3A_100] : memref<8192x128xf32, #tpu.memory_space<vmem_shared>> -> memref<512x128xf32, #tpu.memory_space<vmem_shared>>
        tpu.enqueue_dma source(%dma_start3A_101 : memref<512x128xf32, #tpu.memory_space<vmem_shared>>) target(%dma_start3A_99 : memref<512x128xf32, #tpu.memory_space<hbm>>) target_semaphore(%run_scoped3A : memref<!tpu.dma_semaphore, #tpu.memory_space<semaphore_mem>>)
        %dma_wait3A = arith.constant 0 : i32
        %dma_wait3A_102 = tpu.memref_slice %arg6[%mul3A_94, %dma_wait3A] : memref<8192x128xf32, #tpu.memory_space<hbm>> -> memref<512x128xf32, #tpu.memory_space<hbm>>
        %dma_wait3A_103 = arith.constant 0 : i32
        %dma_wait3A_104 = tpu.memref_slice %arg18[%mul3A_92, %dma_wait3A_103] : memref<8192x128xf32, #tpu.memory_space<vmem_shared>> -> memref<512x128xf32, #tpu.memory_space<vmem_shared>>
        tpu.wait_dma2 semaphore(%run_scoped3A : memref<!tpu.dma_semaphore, #tpu.memory_space<semaphore_mem>>) src(%dma_wait3A_104 : memref<512x128xf32, #tpu.memory_space<vmem_shared>>) dst(%dma_wait3A_102 : memref<512x128xf32, #tpu.memory_space<hbm>>)
        tpu.yield
      }) : () -> ()
      %mul3A_95 = arith.constant 512 : i32
      %mul3A_96 = arith.muli %arg1, %mul3A_95 : i32
      %mul3A_97 = arith.constant 512 : i32
      %mul3A_98 = arith.muli %arg1, %mul3A_97 : i32
      "tpu.region"() ({
        %run_scoped3A = tpu.sem_alloc : memref<!tpu.dma_semaphore, #tpu.memory_space<semaphore_mem>>
        %dma_start3A = tpu.memref_slice %arg8[%mul3A_98] : memref<8192xf32, #tpu.memory_space<hbm>> -> memref<512xf32, #tpu.memory_space<hbm>>
        %dma_start3A_99 = tpu.memref_slice %arg19[%mul3A_96] : memref<8192xf32, #tpu.memory_space<vmem_shared>> -> memref<512xf32, #tpu.memory_space<vmem_shared>>
        tpu.enqueue_dma source(%dma_start3A_99 : memref<512xf32, #tpu.memory_space<vmem_shared>>) target(%dma_start3A : memref<512xf32, #tpu.memory_space<hbm>>) target_semaphore(%run_scoped3A : memref<!tpu.dma_semaphore, #tpu.memory_space<semaphore_mem>>)
        %dma_wait3A = tpu.memref_slice %arg8[%mul3A_98] : memref<8192xf32, #tpu.memory_space<hbm>> -> memref<512xf32, #tpu.memory_space<hbm>>
        %dma_wait3A_100 = tpu.memref_slice %arg19[%mul3A_96] : memref<8192xf32, #tpu.memory_space<vmem_shared>> -> memref<512xf32, #tpu.memory_space<vmem_shared>>
        tpu.wait_dma2 semaphore(%run_scoped3A : memref<!tpu.dma_semaphore, #tpu.memory_space<semaphore_mem>>) src(%dma_wait3A_100 : memref<512xf32, #tpu.memory_space<vmem_shared>>) dst(%dma_wait3A : memref<512xf32, #tpu.memory_space<hbm>>)
        tpu.yield
      }) : () -> ()
    } else {
    }
    %eq3A_86 = arith.constant 1 : i32
    %eq3A_87 = arith.cmpi eq, %arg0, %eq3A_86 : i32
    %convert_element_type3A_88 = arith.extui %eq3A_87 : i1 to i32
    %cond3A_89 = arith.constant 0 : i32
    %cond3A_90 = arith.cmpi ne, %convert_element_type3A_88, %cond3A_89 : i32
    scf.if %cond3A_90 {
      %mul3A_91 = arith.constant 512 : i32
      %mul3A_92 = arith.muli %arg1, %mul3A_91 : i32
      %mul3A_93 = arith.constant 512 : i32
      %mul3A_94 = arith.muli %arg1, %mul3A_93 : i32
      "tpu.region"() ({
        %run_scoped3A = tpu.sem_alloc : memref<!tpu.dma_semaphore, #tpu.memory_space<semaphore_mem>>
        %dma_start3A = arith.constant 0 : i32
        %dma_start3A_99 = tpu.memref_slice %arg7[%mul3A_94, %dma_start3A] : memref<8192x128xf32, #tpu.memory_space<hbm>> -> memref<512x128xf32, #tpu.memory_space<hbm>>
        %dma_start3A_100 = arith.constant 0 : i32
        %dma_start3A_101 = tpu.memref_slice %arg18[%mul3A_92, %dma_start3A_100] : memref<8192x128xf32, #tpu.memory_space<vmem_shared>> -> memref<512x128xf32, #tpu.memory_space<vmem_shared>>
        tpu.enqueue_dma source(%dma_start3A_101 : memref<512x128xf32, #tpu.memory_space<vmem_shared>>) target(%dma_start3A_99 : memref<512x128xf32, #tpu.memory_space<hbm>>) target_semaphore(%run_scoped3A : memref<!tpu.dma_semaphore, #tpu.memory_space<semaphore_mem>>)
        %dma_wait3A = arith.constant 0 : i32
        %dma_wait3A_102 = tpu.memref_slice %arg7[%mul3A_94, %dma_wait3A] : memref<8192x128xf32, #tpu.memory_space<hbm>> -> memref<512x128xf32, #tpu.memory_space<hbm>>
        %dma_wait3A_103 = arith.constant 0 : i32
        %dma_wait3A_104 = tpu.memref_slice %arg18[%mul3A_92, %dma_wait3A_103] : memref<8192x128xf32, #tpu.memory_space<vmem_shared>> -> memref<512x128xf32, #tpu.memory_space<vmem_shared>>
        tpu.wait_dma2 semaphore(%run_scoped3A : memref<!tpu.dma_semaphore, #tpu.memory_space<semaphore_mem>>) src(%dma_wait3A_104 : memref<512x128xf32, #tpu.memory_space<vmem_shared>>) dst(%dma_wait3A_102 : memref<512x128xf32, #tpu.memory_space<hbm>>)
        tpu.yield
      }) : () -> ()
      %mul3A_95 = arith.constant 512 : i32
      %mul3A_96 = arith.muli %arg1, %mul3A_95 : i32
      %mul3A_97 = arith.constant 512 : i32
      %mul3A_98 = arith.muli %arg1, %mul3A_97 : i32
      "tpu.region"() ({
        %run_scoped3A = tpu.sem_alloc : memref<!tpu.dma_semaphore, #tpu.memory_space<semaphore_mem>>
        %dma_start3A = tpu.memref_slice %arg9[%mul3A_98] : memref<8192xf32, #tpu.memory_space<hbm>> -> memref<512xf32, #tpu.memory_space<hbm>>
        %dma_start3A_99 = tpu.memref_slice %arg19[%mul3A_96] : memref<8192xf32, #tpu.memory_space<vmem_shared>> -> memref<512xf32, #tpu.memory_space<vmem_shared>>
        tpu.enqueue_dma source(%dma_start3A_99 : memref<512xf32, #tpu.memory_space<vmem_shared>>) target(%dma_start3A : memref<512xf32, #tpu.memory_space<hbm>>) target_semaphore(%run_scoped3A : memref<!tpu.dma_semaphore, #tpu.memory_space<semaphore_mem>>)
        %dma_wait3A = tpu.memref_slice %arg9[%mul3A_98] : memref<8192xf32, #tpu.memory_space<hbm>> -> memref<512xf32, #tpu.memory_space<hbm>>
        %dma_wait3A_100 = tpu.memref_slice %arg19[%mul3A_96] : memref<8192xf32, #tpu.memory_space<vmem_shared>> -> memref<512xf32, #tpu.memory_space<vmem_shared>>
        tpu.wait_dma2 semaphore(%run_scoped3A : memref<!tpu.dma_semaphore, #tpu.memory_space<semaphore_mem>>) src(%dma_wait3A_100 : memref<512xf32, #tpu.memory_space<vmem_shared>>) dst(%dma_wait3A : memref<512xf32, #tpu.memory_space<hbm>>)
        tpu.yield
      }) : () -> ()
    } else {
    }
    return
  }
}

module attributes {stable_mosaic.version = 14 : i64} {
  func.func @body(%arg0: i32, %arg1: memref<512x128xf32, #tpu.memory_space<vmem>>, %arg2: memref<512x128xf32, #tpu.memory_space<vmem>>, %arg3: memref<1x1x512xf32, #tpu.memory_space<vmem>>, %arg4: memref<1x1x512xf32, #tpu.memory_space<vmem>>, %arg5: memref<256x256xf32, #tpu.memory_space<vmem>>, %arg6: memref<1x256xf32, #tpu.memory_space<vmem>>, %arg7: memref<512x256xf32, #tpu.memory_space<vmem>>) attributes {dimension_semantics = [#tpu.dimension_semantics<arbitrary>], iteration_bounds = array<i64: 16>, scalar_prefetch = 0 : i64, scratch_operands = 0 : i64, tpu.core_type = #tpu.core_type<tc>, window_params = [{transform_indices = @transform_0, window_bounds = array<i64: 512, 128>}, {transform_indices = @transform_1, window_bounds = array<i64: 512, 128>}, {transform_indices = @transform_2, window_bounds = array<i64: 1, 1, 512>}, {transform_indices = @transform_3, window_bounds = array<i64: 1, 1, 512>}, {pipeline_mode = #tpu.pipeline_mode<synchronous>, transform_indices = @transform_4, window_bounds = array<i64: 256, 256>}, {pipeline_mode = #tpu.pipeline_mode<synchronous>, transform_indices = @transform_5, window_bounds = array<i64: 1, 256>}, {transform_indices = @transform_6, window_bounds = array<i64: 512, 256>}]} {
    %get3A = arith.constant 0 : index
    %get3A_0 = arith.constant 0 : index
    %get3A_1 = arith.constant 0 : index
    %get3A_2 = vector.load %arg3[%get3A, %get3A_0, %get3A_1] : memref<1x1x512xf32, #tpu.memory_space<vmem>>, vector<1x1x512xf32>
    %get3A_3 = vector.shape_cast %get3A_2 : vector<1x1x512xf32> to vector<512xf32>
    %broadcast_in_dim3A = vector.shape_cast %get3A_3 : vector<512xf32> to vector<512x1xf32>
    %get3A_4 = arith.constant 0 : index
    %get3A_5 = arith.constant 0 : index
    %get3A_6 = arith.constant 0 : index
    %get3A_7 = vector.load %arg4[%get3A_4, %get3A_5, %get3A_6] : memref<1x1x512xf32, #tpu.memory_space<vmem>>, vector<1x1x512xf32>
    %get3A_8 = vector.shape_cast %get3A_7 : vector<1x1x512xf32> to vector<512xf32>
    %broadcast_in_dim3A_9 = vector.shape_cast %get3A_8 : vector<512xf32> to vector<512x1xf32>
    %get3A_10 = arith.constant 0 : index
    %get3A_11 = arith.constant 0 : index
    %get3A_12 = vector.load %arg1[%get3A_10, %get3A_11] : memref<512x128xf32, #tpu.memory_space<vmem>>, vector<512x128xf32>
    %get3A_13 = arith.constant 0 : index
    %get3A_14 = arith.constant 0 : index
    %get3A_15 = vector.load %arg2[%get3A_13, %get3A_14] : memref<512x128xf32, #tpu.memory_space<vmem>>, vector<512x128xf32>
    %concatenate3A = tpu.concatenate %get3A_12, %get3A_15 in 1 : vector<512x128xf32>, vector<512x128xf32> -> vector<512x256xf32>
    %max3A = arith.constant 9.99999996E-13 : f32
    %max3A_16 = vector.broadcast %max3A : f32 to vector<512x1xf32>
    %max3A_17 = arith.maximumf %broadcast_in_dim3A, %max3A_16 : vector<512x1xf32>
    %div3A = vector.broadcast %max3A_17 : vector<512x1xf32> to vector<512x256xf32>
    %div3A_18 = arith.divf %concatenate3A, %div3A : vector<512x256xf32>
    %get3A_19 = arith.constant 0 : index
    %get3A_20 = arith.constant 0 : index
    %get3A_21 = vector.load %arg5[%get3A_19, %get3A_20] : memref<256x256xf32, #tpu.memory_space<vmem>>, vector<256x256xf32>
    %dot_general3A = arith.constant dense<0.000000e+00> : vector<512x256xf32>
    %dot_general3A_22 = tpu.matmul %div3A_18, %get3A_21, %dot_general3A {dimension_numbers = #tpu.dot_dimension_numbers<[1], [0], [0], [1], [0, 0, 1, 1], [], []>, transpose_lhs_hint = false} : vector<512x256xf32>, vector<256x256xf32>, vector<512x256xf32> -> vector<512x256xf32>
    %get3A_23 = arith.constant 0 : index
    %get3A_24 = arith.constant 0 : index
    %get3A_25 = vector.load %arg6[%get3A_23, %get3A_24] : memref<1x256xf32, #tpu.memory_space<vmem>>, vector<1x256xf32>
    %add3A = vector.broadcast %get3A_25 : vector<1x256xf32> to vector<512x256xf32>
    %add3A_26 = arith.addf %dot_general3A_22, %add3A : vector<512x256xf32>
    %max3A_27 = arith.constant 0.000000e+00 : f32
    %max3A_28 = vector.broadcast %max3A_27 : f32 to vector<512x256xf32>
    %max3A_29 = arith.maximumf %add3A_26, %max3A_28 : vector<512x256xf32>
    %gt3A = arith.constant 0.000000e+00 : f32
    %gt3A_30 = vector.broadcast %gt3A : f32 to vector<512x1xf32>
    %gt3A_31 = arith.cmpf ogt, %broadcast_in_dim3A_9, %gt3A_30 : vector<512x1xf32>
    %jit3A = arith.constant 0.000000e+00 : f32
    %broadcast_in_dim3A_32 = vector.shape_cast %gt3A_31 : vector<512x1xi1> to vector<512x1xi1>
    %broadcast_in_dim3A_33 = vector.broadcast %broadcast_in_dim3A_32 : vector<512x1xi1> to vector<512x256xi1>
    %broadcast_in_dim3A_34 = vector.broadcast %jit3A : f32 to vector<512x256xf32>
    %select_n3A = arith.select %broadcast_in_dim3A_33, %max3A_29, %broadcast_in_dim3A_34 : vector<512x256xi1>, vector<512x256xf32>
    %swap3A = arith.constant 0 : index
    %swap3A_35 = arith.constant 0 : index
    %swap3A_36 = vector.load %arg7[%swap3A, %swap3A_35] : memref<512x256xf32, #tpu.memory_space<vmem>>, vector<512x256xf32>
    tpu.vector_store %arg7[%swap3A, %swap3A_35], %select_n3A {strides = array<i32>} : memref<512x256xf32, #tpu.memory_space<vmem>>, vector<512x256xf32>,
    return
  }
  func.func @transform_0(%arg0: i32) -> (i32, i32) {
    %c0_i32 = arith.constant 0 : i32
    %c0_i32_0 = arith.constant 0 : i32
    return %arg0, %c0_i32 : i32, i32
  }
  func.func @transform_1(%arg0: i32) -> (i32, i32) {
    %c0_i32 = arith.constant 0 : i32
    %c0_i32_0 = arith.constant 0 : i32
    return %arg0, %c0_i32 : i32, i32
  }
  func.func @transform_2(%arg0: i32) -> (i32, i32, i32) {
    %c0_i32 = arith.constant 0 : i32
    %c0_i32_0 = arith.constant 0 : i32
    %c0_i32_1 = arith.constant 0 : i32
    return %arg0, %c0_i32, %c0_i32_0 : i32, i32, i32
  }
  func.func @transform_3(%arg0: i32) -> (i32, i32, i32) {
    %c0_i32 = arith.constant 0 : i32
    %c0_i32_0 = arith.constant 0 : i32
    %c0_i32_1 = arith.constant 0 : i32
    return %arg0, %c0_i32, %c0_i32_0 : i32, i32, i32
  }
  func.func @transform_4(%arg0: i32) -> (i32, i32) {
    %c0_i32 = arith.constant 0 : i32
    %c0_i32_0 = arith.constant 0 : i32
    %c0_i32_1 = arith.constant 0 : i32
    return %c0_i32, %c0_i32_0 : i32, i32
  }
  func.func @transform_5(%arg0: i32) -> (i32, i32) {
    %c0_i32 = arith.constant 0 : i32
    %c0_i32_0 = arith.constant 0 : i32
    %c0_i32_1 = arith.constant 0 : i32
    return %c0_i32, %c0_i32_0 : i32, i32
  }
  func.func @transform_6(%arg0: i32) -> (i32, i32) {
    %c0_i32 = arith.constant 0 : i32
    %c0_i32_0 = arith.constant 0 : i32
    return %arg0, %c0_i32 : i32, i32
  }
}

module attributes {stable_mosaic.version = 14 : i64} {
  func.func @body(%arg0: i32, %arg1: memref<1024x256xf32, #tpu.memory_space<vmem>>, %arg2: memref<1024x128xf32, #tpu.memory_space<vmem>>, %arg3: memref<1024x128xf32, #tpu.memory_space<vmem>>, %arg4: memref<1x1x1024xi32, #tpu.memory_space<vmem>>, %arg5: memref<8x256xf32, #tpu.memory_space<vmem>>, %arg6: memref<256x256xf32, #tpu.memory_space<vmem>>, %arg7: memref<256x256xf32, #tpu.memory_space<vmem>>, %arg8: memref<1x256xf32, #tpu.memory_space<vmem>>, %arg9: memref<256x256xf32, #tpu.memory_space<vmem>>, %arg10: memref<1x256xf32, #tpu.memory_space<vmem>>, %arg11: memref<256x256xf32, #tpu.memory_space<vmem>>, %arg12: memref<128x256xf32, #tpu.memory_space<vmem>>, %arg13: memref<128x256xf32, #tpu.memory_space<vmem>>, %arg14: memref<1x256xf32, #tpu.memory_space<vmem>>, %arg15: memref<256x1xf32, #tpu.memory_space<vmem>>, %arg16: memref<1x1xf32, #tpu.memory_space<vmem>>, %arg17: memref<1024x128xf32, #tpu.memory_space<vmem>>, %arg18: memref<1024x128xf32, #tpu.memory_space<vmem>>, %arg19: memref<1x1x1024xf32, #tpu.memory_space<vmem>>) attributes {dimension_semantics = [#tpu.dimension_semantics<arbitrary>], iteration_bounds = array<i64: 256>, scalar_prefetch = 0 : i64, scratch_operands = 0 : i64, tpu.core_type = #tpu.core_type<tc>, window_params = [{transform_indices = @transform_0, window_bounds = array<i64: 1024, 256>}, {transform_indices = @transform_1, window_bounds = array<i64: 1024, 128>}, {transform_indices = @transform_2, window_bounds = array<i64: 1024, 128>}, {transform_indices = @transform_3, window_bounds = array<i64: 1, 1, 1024>}, {pipeline_mode = #tpu.pipeline_mode<synchronous>, transform_indices = @transform_4, window_bounds = array<i64: 8, 256>}, {pipeline_mode = #tpu.pipeline_mode<synchronous>, transform_indices = @transform_5, window_bounds = array<i64: 256, 256>}, {pipeline_mode = #tpu.pipeline_mode<synchronous>, transform_indices = @transform_6, window_bounds = array<i64: 256, 256>}, {pipeline_mode = #tpu.pipeline_mode<synchronous>, transform_indices = @transform_7, window_bounds = array<i64: 1, 256>}, {pipeline_mode = #tpu.pipeline_mode<synchronous>, transform_indices = @transform_8, window_bounds = array<i64: 256, 256>}, {pipeline_mode = #tpu.pipeline_mode<synchronous>, transform_indices = @transform_9, window_bounds = array<i64: 1, 256>}, {pipeline_mode = #tpu.pipeline_mode<synchronous>, transform_indices = @transform_10, window_bounds = array<i64: 256, 256>}, {pipeline_mode = #tpu.pipeline_mode<synchronous>, transform_indices = @transform_11, window_bounds = array<i64: 128, 256>}, {pipeline_mode = #tpu.pipeline_mode<synchronous>, transform_indices = @transform_12, window_bounds = array<i64: 128, 256>}, {pipeline_mode = #tpu.pipeline_mode<synchronous>, transform_indices = @transform_13, window_bounds = array<i64: 1, 256>}, {pipeline_mode = #tpu.pipeline_mode<synchronous>, transform_indices = @transform_14, window_bounds = array<i64: 256, 1>}, {pipeline_mode = #tpu.pipeline_mode<synchronous>, transform_indices = @transform_15, window_bounds = array<i64: 1, 1>}, {transform_indices = @transform_16, window_bounds = array<i64: 1024, 128>}, {transform_indices = @transform_17, window_bounds = array<i64: 1024, 128>}, {transform_indices = @transform_18, window_bounds = array<i64: 1, 1, 1024>}]} {
    %get3A = arith.constant 0 : index
    %get3A_0 = arith.constant 0 : index
    %get3A_1 = vector.load %arg5[%get3A, %get3A_0] : memref<8x256xf32, #tpu.memory_space<vmem>>, vector<8x256xf32>
    %get3A_2 = arith.constant 0 : index
    %get3A_3 = arith.constant 0 : index
    %get3A_4 = vector.load %arg7[%get3A_2, %get3A_3] : memref<256x256xf32, #tpu.memory_space<vmem>>, vector<256x256xf32>
    %dot_general3A = arith.constant dense<0.000000e+00> : vector<8x256xf32>
    %dot_general3A_5 = tpu.matmul %get3A_1, %get3A_4, %dot_general3A {dimension_numbers = #tpu.dot_dimension_numbers<[1], [0], [0], [1], [0, 0, 1, 1], [], []>, transpose_lhs_hint = false} : vector<8x256xf32>, vector<256x256xf32>, vector<8x256xf32> -> vector<8x256xf32>
    %get3A_6 = arith.constant 0 : index
    %get3A_7 = arith.constant 0 : index
    %get3A_8 = vector.load %arg8[%get3A_6, %get3A_7] : memref<1x256xf32, #tpu.memory_space<vmem>>, vector<1x256xf32>
    %add3A = vector.broadcast %get3A_8 : vector<1x256xf32> to vector<8x256xf32>
    %add3A_9 = arith.addf %dot_general3A_5, %add3A : vector<8x256xf32>
    %get3A_10 = arith.constant 0 : index
    %get3A_11 = arith.constant 0 : index
    %get3A_12 = arith.constant 0 : index
    %get3A_13 = vector.load %arg4[%get3A_10, %get3A_11, %get3A_12] : memref<1x1x1024xi32, #tpu.memory_space<vmem>>, vector<1x1x1024xi32>
    %get3A_14 = vector.shape_cast %get3A_13 : vector<1x1x1024xi32> to vector<1024xi32>
    %broadcast_in_dim3A = vector.shape_cast %get3A_14 : vector<1024xi32> to vector<1024x1xi32>
    %iota3A = tpu.iota {dimensions = array<i32: 1>} : vector<1024x8xi32>
    %eq3A = vector.broadcast %broadcast_in_dim3A : vector<1024x1xi32> to vector<1024x8xi32>
    %eq3A_15 = arith.cmpi eq, %eq3A, %iota3A : vector<1024x8xi32>
    %convert_element_type3A = arith.extui %eq3A_15 : vector<1024x8xi1> to vector<1024x8xi32>
    %convert_element_type3A_16 = arith.sitofp %convert_element_type3A : vector<1024x8xi32> to vector<1024x8xf32>
    %get3A_17 = arith.constant 0 : index
    %get3A_18 = arith.constant 0 : index
    %get3A_19 = vector.load %arg1[%get3A_17, %get3A_18] : memref<1024x256xf32, #tpu.memory_space<vmem>>, vector<1024x256xf32>
    %get3A_20 = arith.constant 0 : index
    %get3A_21 = arith.constant 0 : index
    %get3A_22 = vector.load %arg6[%get3A_20, %get3A_21] : memref<256x256xf32, #tpu.memory_space<vmem>>, vector<256x256xf32>
    %dot_general3A_23 = arith.constant dense<0.000000e+00> : vector<1024x256xf32>
    %dot_general3A_24 = tpu.matmul %get3A_19, %get3A_22, %dot_general3A_23 {dimension_numbers = #tpu.dot_dimension_numbers<[1], [0], [0], [1], [0, 0, 1, 1], [], []>, transpose_lhs_hint = false} : vector<1024x256xf32>, vector<256x256xf32>, vector<1024x256xf32> -> vector<1024x256xf32>
    %dot_general3A_25 = arith.constant dense<0.000000e+00> : vector<1024x256xf32>
    %dot_general3A_26 = tpu.matmul %convert_element_type3A_16, %add3A_9, %dot_general3A_25 {dimension_numbers = #tpu.dot_dimension_numbers<[1], [0], [0], [1], [0, 0, 1, 1], [], []>, transpose_lhs_hint = false} : vector<1024x8xf32>, vector<8x256xf32>, vector<1024x256xf32> -> vector<1024x256xf32>
    %add3A_27 = arith.addf %dot_general3A_24, %dot_general3A_26 : vector<1024x256xf32>
    %max3A = arith.constant 0.000000e+00 : f32
    %max3A_28 = vector.broadcast %max3A : f32 to vector<1024x256xf32>
    %max3A_29 = arith.maximumf %add3A_27, %max3A_28 : vector<1024x256xf32>
    %get3A_30 = arith.constant 0 : index
    %get3A_31 = arith.constant 0 : index
    %get3A_32 = vector.load %arg9[%get3A_30, %get3A_31] : memref<256x256xf32, #tpu.memory_space<vmem>>, vector<256x256xf32>
    %dot_general3A_33 = arith.constant dense<0.000000e+00> : vector<1024x256xf32>
    %dot_general3A_34 = tpu.matmul %max3A_29, %get3A_32, %dot_general3A_33 {dimension_numbers = #tpu.dot_dimension_numbers<[1], [0], [0], [1], [0, 0, 1, 1], [], []>, transpose_lhs_hint = false} : vector<1024x256xf32>, vector<256x256xf32>, vector<1024x256xf32> -> vector<1024x256xf32>
    %get3A_35 = arith.constant 0 : index
    %get3A_36 = arith.constant 0 : index
    %get3A_37 = vector.load %arg10[%get3A_35, %get3A_36] : memref<1x256xf32, #tpu.memory_space<vmem>>, vector<1x256xf32>
    %add3A_38 = vector.broadcast %get3A_37 : vector<1x256xf32> to vector<1024x256xf32>
    %add3A_39 = arith.addf %dot_general3A_34, %add3A_38 : vector<1024x256xf32>
    %get3A_40 = arith.constant 0 : index
    %get3A_41 = arith.constant 0 : index
    %get3A_42 = vector.load %arg11[%get3A_40, %get3A_41] : memref<256x256xf32, #tpu.memory_space<vmem>>, vector<256x256xf32>
    %dot_general3A_43 = arith.constant dense<0.000000e+00> : vector<1024x256xf32>
    %dot_general3A_44 = tpu.matmul %add3A_39, %get3A_42, %dot_general3A_43 {dimension_numbers = #tpu.dot_dimension_numbers<[1], [0], [0], [1], [0, 0, 1, 1], [], []>, transpose_lhs_hint = false} : vector<1024x256xf32>, vector<256x256xf32>, vector<1024x256xf32> -> vector<1024x256xf32>
    %get3A_45 = arith.constant 0 : index
    %get3A_46 = arith.constant 0 : index
    %get3A_47 = vector.load %arg2[%get3A_45, %get3A_46] : memref<1024x128xf32, #tpu.memory_space<vmem>>, vector<1024x128xf32>
    %get3A_48 = arith.constant 0 : index
    %get3A_49 = arith.constant 0 : index
    %get3A_50 = vector.load %arg12[%get3A_48, %get3A_49] : memref<128x256xf32, #tpu.memory_space<vmem>>, vector<128x256xf32>
    %dot_general3A_51 = arith.constant dense<0.000000e+00> : vector<1024x256xf32>
    %dot_general3A_52 = tpu.matmul %get3A_47, %get3A_50, %dot_general3A_51 {dimension_numbers = #tpu.dot_dimension_numbers<[1], [0], [0], [1], [0, 0, 1, 1], [], []>, transpose_lhs_hint = false} : vector<1024x128xf32>, vector<128x256xf32>, vector<1024x256xf32> -> vector<1024x256xf32>
    %add3A_53 = arith.addf %dot_general3A_44, %dot_general3A_52 : vector<1024x256xf32>
    %get3A_54 = arith.constant 0 : index
    %get3A_55 = arith.constant 0 : index
    %get3A_56 = vector.load %arg3[%get3A_54, %get3A_55] : memref<1024x128xf32, #tpu.memory_space<vmem>>, vector<1024x128xf32>
    %get3A_57 = arith.constant 0 : index
    %get3A_58 = arith.constant 0 : index
    %get3A_59 = vector.load %arg13[%get3A_57, %get3A_58] : memref<128x256xf32, #tpu.memory_space<vmem>>, vector<128x256xf32>
    %dot_general3A_60 = arith.constant dense<0.000000e+00> : vector<1024x256xf32>
    %dot_general3A_61 = tpu.matmul %get3A_56, %get3A_59, %dot_general3A_60 {dimension_numbers = #tpu.dot_dimension_numbers<[1], [0], [0], [1], [0, 0, 1, 1], [], []>, transpose_lhs_hint = false} : vector<1024x128xf32>, vector<128x256xf32>, vector<1024x256xf32> -> vector<1024x256xf32>
    %add3A_62 = arith.addf %add3A_53, %dot_general3A_61 : vector<1024x256xf32>
    %get3A_63 = arith.constant 0 : index
    %get3A_64 = arith.constant 0 : index
    %get3A_65 = vector.load %arg14[%get3A_63, %get3A_64] : memref<1x256xf32, #tpu.memory_space<vmem>>, vector<1x256xf32>
    %add3A_66 = vector.broadcast %get3A_65 : vector<1x256xf32> to vector<1024x256xf32>
    %add3A_67 = arith.addf %add3A_62, %add3A_66 : vector<1024x256xf32>
    %max3A_68 = arith.constant 0.000000e+00 : f32
    %max3A_69 = vector.broadcast %max3A_68 : f32 to vector<1024x256xf32>
    %max3A_70 = arith.maximumf %add3A_67, %max3A_69 : vector<1024x256xf32>
    %get3A_71 = arith.constant 0 : index
    %get3A_72 = arith.constant 0 : index
    %get3A_73 = vector.load %arg15[%get3A_71, %get3A_72] : memref<256x1xf32, #tpu.memory_space<vmem>>, vector<256x1xf32>
    %dot_general3A_74 = arith.constant dense<0.000000e+00> : vector<1024x1xf32>
    %dot_general3A_75 = tpu.matmul %max3A_70, %get3A_73, %dot_general3A_74 {dimension_numbers = #tpu.dot_dimension_numbers<[1], [0], [0], [1], [0, 0, 1, 1], [], []>, transpose_lhs_hint = false} : vector<1024x256xf32>, vector<256x1xf32>, vector<1024x1xf32> -> vector<1024x1xf32>
    %get3A_76 = arith.constant 0 : index
    %get3A_77 = arith.constant 0 : index
    %get3A_78 = vector.load %arg16[%get3A_76, %get3A_77] : memref<1x1xf32, #tpu.memory_space<vmem>>, vector<1x1xf32>
    %add3A_79 = vector.broadcast %get3A_78 : vector<1x1xf32> to vector<1024x1xf32>
    %add3A_80 = arith.addf %dot_general3A_75, %add3A_79 : vector<1024x1xf32>
    %exp3A = math.exp %add3A_80 : vector<1024x1xf32>
    %mul3A = vector.broadcast %exp3A : vector<1024x1xf32> to vector<1024x256xf32>
    %mul3A_81 = arith.mulf %add3A_39, %mul3A : vector<1024x256xf32>
    %slice3A = vector.extract_strided_slice %mul3A_81 {offsets = [0, 0], sizes = [1024, 128], strides = [1, 1]} : vector<1024x256xf32> to vector<1024x128xf32>
    %swap3A = arith.constant 0 : index
    %swap3A_82 = arith.constant 0 : index
    %swap3A_83 = vector.load %arg17[%swap3A, %swap3A_82] : memref<1024x128xf32, #tpu.memory_space<vmem>>, vector<1024x128xf32>
    tpu.vector_store %arg17[%swap3A, %swap3A_82], %slice3A {strides = array<i32>} : memref<1024x128xf32, #tpu.memory_space<vmem>>, vector<1024x128xf32>,
    %slice3A_84 = vector.extract_strided_slice %mul3A_81 {offsets = [0, 128], sizes = [1024, 128], strides = [1, 1]} : vector<1024x256xf32> to vector<1024x128xf32>
    %swap3A_85 = arith.constant 0 : index
    %swap3A_86 = arith.constant 0 : index
    %swap3A_87 = vector.load %arg18[%swap3A_85, %swap3A_86] : memref<1024x128xf32, #tpu.memory_space<vmem>>, vector<1024x128xf32>
    tpu.vector_store %arg18[%swap3A_85, %swap3A_86], %slice3A_84 {strides = array<i32>} : memref<1024x128xf32, #tpu.memory_space<vmem>>, vector<1024x128xf32>,
    %squeeze3A = vector.shape_cast %exp3A : vector<1024x1xf32> to vector<1024xf32>
    %swap3A_88 = arith.constant 0 : index
    %swap3A_89 = arith.constant 0 : index
    %swap3A_90 = arith.constant 0 : index
    %swap3A_91 = vector.load %arg19[%swap3A_88, %swap3A_89, %swap3A_90] : memref<1x1x1024xf32, #tpu.memory_space<vmem>>, vector<1x1x1024xf32>
    %swap3A_92 = vector.shape_cast %swap3A_91 : vector<1x1x1024xf32> to vector<1024xf32>
    %swap3A_93 = vector.shape_cast %squeeze3A : vector<1024xf32> to vector<1x1x1024xf32>
    tpu.vector_store %arg19[%swap3A_88, %swap3A_89, %swap3A_90], %swap3A_93 {strides = array<i32>} : memref<1x1x1024xf32, #tpu.memory_space<vmem>>, vector<1x1x1024xf32>,
    return
  }
  func.func @transform_0(%arg0: i32) -> (i32, i32) {
    %c0_i32 = arith.constant 0 : i32
    %c0_i32_0 = arith.constant 0 : i32
    return %arg0, %c0_i32 : i32, i32
  }
  func.func @transform_1(%arg0: i32) -> (i32, i32) {
    %c0_i32 = arith.constant 0 : i32
    %c0_i32_0 = arith.constant 0 : i32
    return %arg0, %c0_i32 : i32, i32
  }
  func.func @transform_2(%arg0: i32) -> (i32, i32) {
    %c0_i32 = arith.constant 0 : i32
    %c0_i32_0 = arith.constant 0 : i32
    return %arg0, %c0_i32 : i32, i32
  }
  func.func @transform_3(%arg0: i32) -> (i32, i32, i32) {
    %c0_i32 = arith.constant 0 : i32
    %c0_i32_0 = arith.constant 0 : i32
    %c0_i32_1 = arith.constant 0 : i32
    return %arg0, %c0_i32, %c0_i32_0 : i32, i32, i32
  }
  func.func @transform_4(%arg0: i32) -> (i32, i32) {
    %c0_i32 = arith.constant 0 : i32
    %c0_i32_0 = arith.constant 0 : i32
    %c0_i32_1 = arith.constant 0 : i32
    return %c0_i32, %c0_i32_0 : i32, i32
  }
  func.func @transform_5(%arg0: i32) -> (i32, i32) {
    %c0_i32 = arith.constant 0 : i32
    %c0_i32_0 = arith.constant 0 : i32
    %c0_i32_1 = arith.constant 0 : i32
    return %c0_i32, %c0_i32_0 : i32, i32
  }
  func.func @transform_6(%arg0: i32) -> (i32, i32) {
    %c0_i32 = arith.constant 0 : i32
    %c0_i32_0 = arith.constant 0 : i32
    %c0_i32_1 = arith.constant 0 : i32
    return %c0_i32, %c0_i32_0 : i32, i32
  }
  func.func @transform_7(%arg0: i32) -> (i32, i32) {
    %c0_i32 = arith.constant 0 : i32
    %c0_i32_0 = arith.constant 0 : i32
    %c0_i32_1 = arith.constant 0 : i32
    return %c0_i32, %c0_i32_0 : i32, i32
  }
  func.func @transform_8(%arg0: i32) -> (i32, i32) {
    %c0_i32 = arith.constant 0 : i32
    %c0_i32_0 = arith.constant 0 : i32
    %c0_i32_1 = arith.constant 0 : i32
    return %c0_i32, %c0_i32_0 : i32, i32
  }
  func.func @transform_9(%arg0: i32) -> (i32, i32) {
    %c0_i32 = arith.constant 0 : i32
    %c0_i32_0 = arith.constant 0 : i32
    %c0_i32_1 = arith.constant 0 : i32
    return %c0_i32, %c0_i32_0 : i32, i32
  }
  func.func @transform_10(%arg0: i32) -> (i32, i32) {
    %c0_i32 = arith.constant 0 : i32
    %c0_i32_0 = arith.constant 0 : i32
    %c0_i32_1 = arith.constant 0 : i32
    return %c0_i32, %c0_i32_0 : i32, i32
  }
  func.func @transform_11(%arg0: i32) -> (i32, i32) {
    %c0_i32 = arith.constant 0 : i32
    %c0_i32_0 = arith.constant 0 : i32
    %c0_i32_1 = arith.constant 0 : i32
    return %c0_i32, %c0_i32_0 : i32, i32
  }
  func.func @transform_12(%arg0: i32) -> (i32, i32) {
    %c0_i32 = arith.constant 0 : i32
    %c0_i32_0 = arith.constant 0 : i32
    %c0_i32_1 = arith.constant 0 : i32
    return %c0_i32, %c0_i32_0 : i32, i32
  }
  func.func @transform_13(%arg0: i32) -> (i32, i32) {
    %c0_i32 = arith.constant 0 : i32
    %c0_i32_0 = arith.constant 0 : i32
    %c0_i32_1 = arith.constant 0 : i32
    return %c0_i32, %c0_i32_0 : i32, i32
  }
  func.func @transform_14(%arg0: i32) -> (i32, i32) {
    %c0_i32 = arith.constant 0 : i32
    %c0_i32_0 = arith.constant 0 : i32
    %c0_i32_1 = arith.constant 0 : i32
    return %c0_i32, %c0_i32_0 : i32, i32
  }
  func.func @transform_15(%arg0: i32) -> (i32, i32) {
    %c0_i32 = arith.constant 0 : i32
    %c0_i32_0 = arith.constant 0 : i32
    %c0_i32_1 = arith.constant 0 : i32
    return %c0_i32, %c0_i32_0 : i32, i32
  }
  func.func @transform_16(%arg0: i32) -> (i32, i32) {
    %c0_i32 = arith.constant 0 : i32
    %c0_i32_0 = arith.constant 0 : i32
    return %arg0, %c0_i32 : i32, i32
  }
  func.func @transform_17(%arg0: i32) -> (i32, i32) {
    %c0_i32 = arith.constant 0 : i32
    %c0_i32_0 = arith.constant 0 : i32
    return %arg0, %c0_i32 : i32, i32
  }
  func.func @transform_18(%arg0: i32) -> (i32, i32, i32) {
    %c0_i32 = arith.constant 0 : i32
    %c0_i32_0 = arith.constant 0 : i32
    %c0_i32_1 = arith.constant 0 : i32
    return %arg0, %c0_i32, %c0_i32_0 : i32, i32, i32
  }
}

</mosaic_0001>

<sc_bundles>
// kernel: kernel.6.cloned.1.call-start
scs
__scs_entry_jumppad:
0x0: {  	(pc) =	sbr.rel $0x88, $3  }
0x1: {  	(tag) =	ssettag $0x0;
	lr =	simm.s32 $0x1  }
0x2: {  	[smem:$0x3F8F] =	sst lr;
	_ =	strace $0xD0000000  }
0x3: {  	_ = 	snop  }
0x4: {  	_ = 	snop  }
0x5: {  	_ = 	snop  }
0x6: {  	_ = 	snop  }
0x7: {  	_ = 	snop  }
__scs_overlays_trampoline_lowered:
0x8: {  	[smem:$0x3F9E] =	sst s0  }
0x9: {  	[smem:$0x3F9F] =	sst s1  }
0xa: {  	[smem:$0x3FA0] =	sst s2  }
0xb: {  	[smem:$0x3FA1] =	sst s3  }
0xc: {  	[smem:$0x3FA2] =	sst s4  }
0xd: {  	[smem:$0x3FA3] =	sst s5  }
0xe: {  	[smem:$0x3FA4] =	sst s6  }
0xf: {  	[smem:$0x3FA5] =	sst s7  }
0x10: {  	[smem:$0x3FA6] =	sst s8  }
0x11: {  	[smem:$0x3FA7] =	sst s9;
	s0 =	simm.s32 @!p0 $0x0  }
0x12: {  	s1 =	sld [smem:$0x3F8D];
	s0 =	simm.s32 @p0 $0x1  }
0x13: {  	[smem:$0x3FA8] =	sst s0;
	s0 =	simm.s32 @!p1 $0x0  }
0x14: {  	s2 =	sld [smem:$0x3F8C];
	s0 =	simm.s32 @p1 $0x1  }
0x15: {  	[smem:$0x3FA9] =	sst s0;
	s0 =	simm.s32 @!p2 $0x0  }
0x16: {  	s3 =	sld [smem:$0x3FDB];
	s0 =	simm.s32 @p2 $0x1  }
0x17: {  	s4 =	simm.s32 $0x1BF5;
	[smem:$0x3FAB] =	sst s0  }
0x18: {  	s0 =	sld [smem:$0x3F8E];
	_ =	swait.ge [sflag:s4], $0x0  }
0x19: {  	s7 =	sld [smem:$0x3F8F]  }
0x1a: {  	s8 =	sadd.s32 $0xFFFFE003, lr  }
0x1b: {  	s9 =	sadd.s32 $0xFFFFFEF7, lr;
	s5 =	simm.s32 $0xFFFFFFFF;
	p2 =	slt.u32 s8, $0xFFFFF086  }
0x1c: {  	p1 =	slt.u32 s9, $0xF7A;
	s5 =	simm.s32 @!p2 $0x0  }
0x1d: {  	s5 =	simm.s32 @p1 $0x1;
	p0 =	seq.s32 s7, s2  }
0x1e: {  	s7 =	smul.u32 @!p0 $0xF7A, s2;
	p2 =	seq.s32 @!p0 s5, $0x0  }
0x1f: {  	s9 =	smul.u32 $0xF7A, s1;
	s8 =	simm.s32 @!p0 $0x1BF5;
	p2 =	por !p2, p0  }
0x20: {  	[sflag:s8] =	ssyncset.s32 @!p0 $0xFFFFF086;
	s6 =	sadd.s32 @!p0 s3, s7;
	s7 =	simm.s32 @!p0 $0x108  }
0x21: {  	s3 =	sadd.s32 s3, s9;
	s6 =	sadd.s32 @!p0 $0x88, s6;
	s7 =	simm.s32 @p2 $0x1082  }
0x22: {  	[simem:s7], [sflag:s8] =	dma.local @!p0 [hbm:s6], $0xF7A  }
0x23: {  	s9 =	sor.u32 $0xD0000000, s2;
	s6 =	simm.s32 $0x108;
	_ =	swait.ge @!p0 [sflag:s8], $0x0  }
0x24: {  	s3 =	sadd.s32 $0x88, s3;
	s6 =	simm.s32 @!p1 $0x1082;
	[sflag:s4] =	ssyncset.s32 $0xFFFFF086  }
0x25: {  	[simem:s6], [sflag:s4] =	dma.local [hbm:s3], $0xF7A  }
0x26: {  	[smem:$0x3F8F] =	sst s1;
	(tag) =	ssettag s2;
	_ =	strace s9  }
0x27: {  	s1 =	sld [smem:$0x3F9F]  }
0x28: {  	s2 =	sld [smem:$0x3FA0]  }
0x29: {  	s4 =	sld [smem:$0x3FA2]  }
0x2a: {  	p0 =	seq.s32 s5, $0x0;
	s5 =	sld [smem:$0x3FA3]  }
0x2b: {  	s6 =	sld [smem:$0x3FA4]  }
0x2c: {  	s7 =	sld [smem:$0x3FA5]  }
0x2d: {  	s3 =	simm.s32 $0x108;
	s8 =	sld [smem:$0x3FA6]  }
0x2e: {  	s3 =	simm.s32 @!p0 $0x1082;
	s9 =	sld [smem:$0x3FA7]  }
0x2f: {  	lr =	sadd.s32 s0, s3;
	s0 =	sld [smem:$0x3F9E]  }
0x30: {  	s3 =	sld [smem:$0x3FA1]  }
0x31: {  	[smem:$0x3FAA] =	sst s10  }
0x32: {  	s10 =	sld [smem:$0x3FA8];
	_ =	sdelay $0x3  }
0x33: {  	p0 =	seq.s32 s10, $0x1;
	s10 =	sld [smem:$0x3FAA];
	_ =	sdelay $0x3  }
0x34: {  	[smem:$0x3FAA] =	sst s10  }
0x35: {  	s10 =	sld [smem:$0x3FA9];
	_ =	sdelay $0x3  }
0x36: {  	p1 =	seq.s32 s10, $0x1;
	s10 =	sld [smem:$0x3FAA];
	_ =	sdelay $0x3  }
0x37: {  	[smem:$0x3FAA] =	sst s10  }
0x38: {  	s10 =	sld [smem:$0x3FAB]  }
0x39: {  	_ = 	snop;
	(pc) =	sbr.ind lr, $3  }
0x3a: {  	_ = 	snop  }
0x3b: {  	_ = 	snop  }
0x3c: {  	p2 =	seq.s32 s10, $0x1;
	s10 =	sld [smem:$0x3FAA]  }
0x3d: {  	_ =	shalt  }
0x3e: {  	_ =	shalt  }
0x3f: {  	_ =	shalt  }
0x40: {  	_ =	shalt  }
0x41: {  	_ =	shalt  }
0x42: {  	_ =	shalt  }
0x43: {  	_ =	shalt  }
0x44: {  	_ =	shalt  }
0x45: {  	_ =	shalt  }
0x46: {  	_ =	shalt  }
0x47: {  	_ =	shalt  }
0x48: {  	_ =	shalt  }
0x49: {  	_ =	shalt  }
0x4a: {  	_ =	shalt  }
0x4b: {  	_ =	shalt  }
0x4c: {  	_ =	shalt  }
0x4d: {  	_ =	shalt  }
0x4e: {  	_ =	shalt  }
0x4f: {  	_ =	shalt  }
0x50: {  	_ =	shalt  }
0x51: {  	_ =	shalt  }
0x52: {  	_ =	shalt  }
0x53: {  	_ =	shalt  }
0x54: {  	_ =	shalt  }
0x55: {  	_ =	shalt  }
0x56: {  	_ =	shalt  }
0x57: {  	_ =	shalt  }
0x58: {  	_ =	shalt  }
0x59: {  	_ =	shalt  }
0x5a: {  	_ =	shalt  }
0x5b: {  	_ =	shalt  }
0x5c: {  	_ =	shalt  }
0x5d: {  	_ =	shalt  }
0x5e: {  	_ =	shalt  }
0x5f: {  	_ =	shalt  }
0x60: {  	_ =	shalt  }
0x61: {  	_ =	shalt  }
0x62: {  	_ =	shalt  }
0x63: {  	_ =	shalt  }
0x64: {  	_ =	shalt  }
0x65: {  	_ =	shalt  }
0x66: {  	_ =	shalt  }
0x67: {  	_ =	shalt  }
0x68: {  	_ =	shalt  }
0x69: {  	_ =	shalt  }
0x6a: {  	_ =	shalt  }
0x6b: {  	_ =	shalt  }
0x6c: {  	_ =	shalt  }
0x6d: {  	_ =	shalt  }
0x6e: {  	_ =	shalt  }
0x6f: {  	_ =	shalt  }
0x70: {  	_ =	shalt  }
0x71: {  	_ =	shalt  }
0x72: {  	_ =	shalt  }
0x73: {  	_ =	shalt  }
0x74: {  	_ =	shalt  }
0x75: {  	_ =	shalt  }
0x76: {  	_ =	shalt  }
0x77: {  	_ =	shalt  }
0x78: {  	_ =	shalt  }
0x79: {  	_ =	shalt  }
0x7a: {  	_ =	shalt  }
0x7b: {  	_ =	shalt  }
0x7c: {  	_ =	shalt  }
0x7d: {  	_ =	shalt  }
0x7e: {  	_ =	shalt  }
0x7f: {  	_ =	shalt  }
0x80: {  	_ =	shalt  }
0x81: {  	_ =	shalt  }
0x82: {  	_ =	shalt  }
0x83: {  	_ =	shalt  }
0x84: {  	_ =	shalt  }
0x85: {  	_ =	shalt  }
0x86: {  	_ =	shalt  }
0x87: {  	_ =	shalt  }
.Lfunc_end0:
.L_simem_size_0:
called_computation_lowered:
.L_overlay_start_0:
0x88: {  	s2 =	sld [smem:$0x3FD9]  }
0x89: {  	s3 =	sld [smem:$0x3FFE];
	_ =	sdelay $0x1  }
0x8a: {  	s1 =	srdreg.scid  }
0x8b: {  	s0 =	sand.u32 $0x1, s1  }
0x8c: {  	s17 =	sshll.u32 s0, $0xA;
	s2 =	sadd.s32 s3, s2  }
0x8d: {  	s2 =	sadd.s32 s2, s17  }
0x8e: {  	[smem:$0x3FB6] =	sst s2  }
0x8f: {  	_ = 	snop  }
0x90: {  	s2 =	sld [smem:$0x3FC8]  }
0x91: {  	s18 =	sld [smem:$0x3FC6]  }
0x92: {  	s4 =	sld [smem:$0x3FC5]  }
0x93: {  	s5 =	sld [smem:$0x3FC4];
	(tm) =	ssettm $0x1  }
0x94: {  	s6 =	sld [smem:$0x3FFB];
	_ =	sdelay $0x3  }
0x95: {  	_ =	strace s6  }
0x96: {  	s6 =	sld [smem:$0x3FFC];
	_ =	sdelay $0x3  }
0x97: {  	_ =	strace s6  }
0x98: {  	s6 =	sld [smem:$0x3FFD];
	_ =	sdelay $0x3  }
0x99: {  	_ =	strace s6  }
0x9a: {  	_ =	strace $0x8FFFFFFF  }
0x9b: {  	s19 =	sld [smem:$0x3FDB];
	_ =	sdelay $0x1  }
0x9c: {  	s7 =	simm.s32 $_scs_section_size  }
0x9d: {  	s8 =	simm.s32 $_size__tile_overlayer_lowered;
	s9 =	simm.s32 $_tile_overlayer_lowered  }
0x9e: {  	s22 =	simm.s32 $0x1BFF;
	s21 =	sshll.u32 s9, $0x1;
	s6 =	sadd.s32 s7, s19  }
0x9f: {  	s10 =	simm.s32 $0x0;
	s20 =	sshll.u32 s8, $0x1;
	s8 =	sadd.s32 s21, s6  }
0xa0: {  	[timem:s10], [sflag:s22] =	dma.local [hbm:s8], s20  }
0xa1: {  	_ =	swait.ge [sflag:s22], s20  }
0xa2: {  	s7 =	ssub.s32 $0x0, s20;
	[sflag:s22] =	ssyncset.done $0x0  }
0xa3: {  	[sflag:s22] =	ssyncadd.s32 s7;
	_ =	sdelay $0x1  }
0xa4: {  	s23 =	simm.s32 $0x1B8B  }
0xa5: {  	_ =	swait.ge [sflag:s23], $0x1  }
0xa6: {  	[sflag:s23] =	ssyncset.done $0x0  }
0xa7: {  	s25 =	simm.s32 $0x1B8E;
	s24 =	sld [smem:$0x3FFE];
	[sflag:s23] =	ssyncadd.s32 $0xFFFFFFFF  }
0xa8: {  	s26 =	simm.s32 $execute0_lowered;
	[smem:$0x3FD2] =	sst s25  }
0xa9: {  	s8 =	sshll.u32 s26, $0x1;
	_ =	strace $0x80000046;
	[dreg:$0x1] =	wrdreg $0xFFFFFFFF  }
0xaa: {  	s28 =	simm.s32 $_size_execute0_lowered;
	s6 =	sadd.s32 s6, s8;
	[dreg:$0x0] =	wrdreg $0x0  }
0xab: {  	s8 =	sshll.u32 s28, $0x1;
	[dreg:$0x2] =	wrdreg s6  }
0xac: {  	[dreg:$0x3] =	wrdreg s8  }
0xad: {  	[dreg:$0x4] =	wrdreg $0xC0  }
0xae: {  	_ =	task [dreg:s10], $0x5FFFF  }
0xaf: {  	[dreg:$0x1] =	wrdreg $0xFFFFFFFF  }
0xb0: {  	[dreg:$0x0] =	wrdreg $0x60  }
0xb1: {  	[dreg:$0x2] =	wrdreg s2  }
0xb2: {  	[dreg:$0x3] =	wrdreg s4  }
0xb3: {  	[dreg:$0x4] =	wrdreg s24  }
0xb4: {  	[dreg:$0x5] =	wrdreg s18  }
0xb5: {  	[dreg:$0x6] =	wrdreg s5  }
0xb6: {  	[dreg:$0x7] =	wrdreg $0xC1800  }
0xb7: {  	[dreg:$0x8] =	wrdreg $0x9  }
0xb8: {  	_ =	task.clear_ibuf [dreg:s10], $0x9FFFF;
	_ =	strace $0x90000046  }
0xb9: {  	s29 =	simm.s32 $0x9;
	_ =	strace $0x80000048  }
0xba: {  	_ =	swait.ge [sflag:s29], $0x1  }
0xbb: {  	[sflag:s29] =	ssyncadd.s32 $0xFFFFFFFF  }
0xbc: {  	_ =	strace $0x90000048  }
0xbd: {  	_ =	sfence  }
0xbe: {  	s30 =	sld [smem:$0x0];
	_ =	sdelay $0x2  }
0xbf: {  	s31 =	sshll.u32 s1, $0xD;
	s1 =	sshrl.u32 s1, $0x2  }
0xc0: {  	s3 =	sand.u32 $0x4000, s31;
	s1 =	sadd.s32 s1, s30  }
0xc1: {  	s0 =	sor.u32 s3, s0;
	s1 =	sshll.u32 s1, $0x11  }
0xc2: {  	s0 =	sor.u32 s1, s0  }
0xc3: {  	s0 =	sadd.s32 $0x8F2B, s0  }
0xc4: {  	[sflag:s0] =	ssyncadd.remote.s32 $0x1  }
0xc5: {  	_ =	sfence.sel $0xFFFF  }
0xc6: {  	[dreg:$0x0] =	wrdreg $0xFFFFFFFF;
	(pc) =	sbr.abs _section_cstart, $3  }
0xc7: {  	[dreg:$0x1] =	wrdreg $0xFFFFFFFF  }
0xc8: {  	_ =	task.clear_ibuf [dreg:s10], $0x2FFFF;
	_ =	strace $0x9FFFFFFF  }
0xc9: {  	(tm) =	ssettm $0x7FFFFFFF  }
tec
execute0_lowered:
.L_overlay_start_1:
0x0: {  	(tag) =	ssettag $0x1  }
0x1: {  	s1 =	rddreg [dreg:$0x0]  }
0x2: {  	s0 =	rddreg [dreg:$0x1]  }
0x3: {  	s3 =	rddreg [dreg:$0x2]  }
0x4: {  	s6 =	rddreg [dreg:$0x3]  }
0x5: {  	s7 =	rddreg [dreg:$0x4]  }
0x6: {  	s2 =	rddreg [dreg:$0x5];
	s4 =	simm.s32 $0x0;
	s5 =	srdreg.scid  }
0x7: {  	s15 =	stileid.u32;
	s13 =	simm.s32 $0x98A400;
	s16 =	simm.s32 $0x1  }
0x8: {  	s17 =	simm.s32 $0x4;
	s18 =	simm.s32 $0x4;
	s28 =	simm.s32 $0x3980  }
0x9: {  	s29 =	simm.s32 $0x4180;
	s30 =	simm.s32 $0x4980;
	s31 =	simm.s32 $0x5180  }
0xa: {  	[smem:$0x7FF] =	sst s4;
	s9 =	sand.u32 $0x1, s5;
	s8 =	sshll.u32 s15, $0x13  }
0xb: {  	s5 =	sadd.s32 $0x3A00, s3;
	s19 =	sshll.u32 s15, $0xE;
	s14 =	sshll.u32 s15, $0x12  }
0xc: {  	s22 =	sshll.u32 s15, $0x6;
	s26 =	sshll.u32 s15, $0xB;
	s15 =	simm.s32 $0x8180  }
0xd: {  	_ =	strace $0x80000047;
	s10 =	ssub.s32 $0x2, s9;
	s8 =	sadd.s32 s8, s3  }
0xe: {  	s12 =	sshll.u32 s9, $0xD;
	p0 =	seq.s32 s9, $0x0;
	s20 =	sshrl.u32 s14, $0x2  }
0xf: {  	s21 =	sshll.u32 s9, $0x12;
	v0 =	vmov s9;
	s9 =	simm.s32 $0x7180;
	s11 =	sshrl.u32 s10, $0x1  }
0x10: {  	s13 =	simm.s32 @!p0 $0xD8A400;
	s17 =	simm.s32 @!p0 $0x3;
	s10 =	ssub.s32 s10, s11  }
0x11: {  	s3 =	sadd.s32 s13, s3;
	s11 =	sor.u32 s12, s19;
	s13 =	simm.s32 $0x3  }
0x12: {  	s19 =	simm.s32 $0x100;
	s12 =	simm.s32 $0x0;
	s10 =	smax.u32 s10, $0x1  }
0x13: {  	s24 =	sshrl.u32 s11, $0x3;
	s25 =	sadd.s32 s14, s3;
	s14 =	simm.s32 $0x80  }
0x14: {  	s3 =	simm.s32 $0x6180;
	s11 =	simm.s32 $0x2;
	[dreg:$0x7] =	wrdreg s10  }
0x15: {  	s10 =	sadd.s32 s20, s2;
	s0 =	sadd.s32 s24, s0;
	[dreg:$0xb] =	wrdreg s25  }
.Ltmp0:
0x16: {  	s20 =	simm.s32 $0x180;
	s25 =	simm.s32 $0x2980;
	(pc) =	sbr.rel .LBB2_1-.Ltmp0, $4  }
0x17: {  	[dreg:$0x8] =	wrdreg s10;
	s10 =	sadd.s32 s21, s8;
	s8 =	sadd.s32 s22, s6  }
0x18: {  	v3 =	vlaneseq.u32;
	[dreg:$0xa] =	wrdreg s0;
	s0 =	sadd.s32 s26, s7;
	s26 =	simm.s32 $0x3180  }
0x19: {  	vm0 =	vmmov $0xffff;
	v2 =	vshrl.u32 v3, $0x3;
	s6 =	simm.s32 $0x6980;
	s23 =	sadd.s32 $0x18A400, s10;
	[dreg:$0xc] =	wrdreg s0  }
0x1a: {  	v1 =	vand.u32 $0x7, v3;
	v3 =	vor.u32 $0x8, v3;
	v2 =	vmul.u32 $0x8, v2;
	s0 =	simm.s32 $0x5980;
	s10 =	simm.s32 $0x7980;
	[dreg:$0x9] =	wrdreg s23  }
.LBB2_7:
0x1b: {  	s12 =	rddreg [dreg:$0xd]  }
0x1c: {  	s7 =	rddreg [dreg:$0x7];
	s12 =	sadd.s32 $0x1, s12  }
0x1d: {  	p0 =	sne.s32 s12, s7  }
.Ltmp1:
0x1e: {  	_ = 	snop;
	(pc) =	sbr.rel @!p0 .LBB2_8-.Ltmp1, $1  }
0x1f: {  	_ =	sdelay $0x3  }
.LBB2_1:
0x20: {  	[dreg:$0xd] =	wrdreg s12;
	s7 =	sadd.s32 $0x0, s8  }
0x21: {  	[tilespmem:s4], [sflag:$0x3] =	stream.linear.gather [hbm4b:s7+s4], $0x80, $0x38;
	[tilespmem:$0x1C180] =	vst v63  }
0x22: {  	_ =	swait.ge [sflag:s13], $0x80  }
0x23: {  	[sflag:s13] =	ssyncset.done $0x0  }
0x24: {  	[sflag:s13] =	ssyncadd.s32 $0xFFFFFF80  }
0x25: {  	v4 =	vld [tilespmem:$0x50]  }
0x26: {  	v5 =	vld [tilespmem:$0x30]  }
0x27: {  	v6 =	vld [tilespmem:$0x20]  }
0x28: {  	v7 =	vld [tilespmem:$0x10]  }
0x29: {  	v8 =	vld [tilespmem:$0x40]  }
0x2a: {  	v9 =	vld [tilespmem:$0x0];
	v4 =	vshll.u32 v4, $0x1  }
0x2b: {  	v10 =	vld [tilespmem:$0x60];
	v5 =	vshll.u32 v5, $0x1;
	v4 =	vor.u32 v0, v4  }
0x2c: {  	v11 =	vld [tilespmem:$0x70];
	v6 =	vshll.u32 v6, $0x1;
	v5 =	vor.u32 v0, v5;
	[tilespmem:$0xD0] =	vst v4  }
0x2d: {  	v6 =	vor.u32 v0, v6;
	v4 =	vshll.u32 v7, $0x1;
	[tilespmem:$0xB0] =	vst v5  }
0x2e: {  	[tilespmem:$0xA0] =	vst v6;
	v5 =	vshll.u32 v8, $0x1;
	v4 =	vor.u32 v0, v4  }
0x2f: {  	v6 =	vshll.u32 v9, $0x1;
	[tilespmem:$0x90] =	vst v4;
	v4 =	vor.u32 v0, v5  }
0x30: {  	s12 =	rddreg [dreg:$0x8];
	v5 =	vor.u32 v0, v6;
	[tilespmem:$0xC0] =	vst v4;
	v4 =	vshll.u32 v10, $0x1  }
0x31: {  	s7 =	simm.s32 $0x10;
	s21 =	smov.u32 s12;
	[tilespmem:$0x80] =	vst v5;
	v5 =	vshll.u32 v11, $0x1;
	v4 =	vor.u32 v0, v4  }
.LBB2_2:
0x32: {  	p0 =	sne.s32 s7, $0x30  }
0x33: {  	[tilespmem:$0xE0] =	vst v4;
	v4 =	vor.u32 v0, v5;
	s21 =	sadd.s32 $0x4000, s21;
	s22 =	smov.u32 s7;
	s7 =	sadd.s32 $0x10, s7  }
0x34: {  	[tilespmem:$0xF0] =	vst v4  }
0x35: {  	[tilespmem:s15], [sflag:$0x1] =	stream.indirect.gather [hbm4b:s5+s14], $0x80, s14, s14, $0xb8;
	[tilespmem:$0x1C180] =	vst v63  }
0x36: {  	_ =	swait.ge [sflag:s16], $0x4000  }
0x37: {  	[sflag:s16] =	ssyncset.done $0x0  }
0x38: {  	[sflag:s16] =	ssyncadd.s32 $0xFFFFC000  }
0x39: {  	[spmem:s12] =	stream.linear.scatter [tilespmem:s15], [sflag:$0x3], $0x4000, $0x38;
	[tilespmem:$0x1C180] =	vst v63  }
0x3a: {  	s22 =	sadd.s32 s22, s8;
	s12 =	smov.u32 s21;
	_ =	swait.ge [sflag:s13], $0x4000  }
0x3b: {  	[sflag:s13] =	ssyncset.done $0x0  }
0x3c: {  	[sflag:s13] =	ssyncadd.s32 $0xFFFFC000  }
0x3d: {  	[tilespmem:s4], [sflag:$0x3] =	stream.linear.gather [hbm4b:s22+s4], $0x80, $0x38;
	[tilespmem:$0x1C180] =	vst v63  }
0x3e: {  	_ =	swait.ge [sflag:s13], $0x80  }
0x3f: {  	[sflag:s13] =	ssyncset.done $0x0  }
0x40: {  	[sflag:s13] =	ssyncadd.s32 $0xFFFFFF80  }
0x41: {  	v4 =	vld [tilespmem:$0x50]  }
0x42: {  	v5 =	vld [tilespmem:$0x30]  }
0x43: {  	v6 =	vld [tilespmem:$0x20]  }
0x44: {  	v7 =	vld [tilespmem:$0x10]  }
0x45: {  	v8 =	vld [tilespmem:$0x40]  }
0x46: {  	v9 =	vld [tilespmem:$0x0];
	v4 =	vshll.u32 v4, $0x1  }
0x47: {  	v5 =	vshll.u32 v5, $0x1;
	v4 =	vor.u32 v0, v4;
	v10 =	vld [tilespmem:$0x60]  }
0x48: {  	v6 =	vshll.u32 v6, $0x1;
	v5 =	vor.u32 v0, v5;
	[tilespmem:$0xD0] =	vst v4;
	v11 =	vld [tilespmem:$0x70]  }
.Ltmp2:
0x49: {  	v4 =	vshll.u32 v7, $0x1;
	v6 =	vor.u32 v0, v6;
	[tilespmem:$0xB0] =	vst v5;
	(pc) =	sbr.rel @p0 .LBB2_2-.Ltmp2, $4  }
0x4a: {  	v4 =	vor.u32 v0, v4;
	[tilespmem:$0xA0] =	vst v6;
	v5 =	vshll.u32 v8, $0x1  }
0x4b: {  	v6 =	vshll.u32 v9, $0x1;
	[tilespmem:$0x90] =	vst v4;
	v4 =	vor.u32 v0, v5  }
0x4c: {  	v5 =	vor.u32 v0, v6;
	[tilespmem:$0xC0] =	vst v4;
	v4 =	vshll.u32 v10, $0x1  }
0x4d: {  	[tilespmem:$0x80] =	vst v5;
	v4 =	vor.u32 v0, v4;
	v5 =	vshll.u32 v11, $0x1  }
0x4e: {  	[tilespmem:$0xE0] =	vst v4;
	v4 =	vor.u32 v0, v5  }
0x4f: {  	[tilespmem:$0xF0] =	vst v4  }
0x50: {  	[tilespmem:s15], [sflag:$0x1] =	stream.indirect.gather [hbm4b:s5+s14], $0x80, s14, s14, $0xb8;
	[tilespmem:$0x1C180] =	vst v63  }
0x51: {  	_ =	swait.ge [sflag:s16], $0x4000  }
0x52: {  	[sflag:s16] =	ssyncset.done $0x0  }
0x53: {  	[sflag:s16] =	ssyncadd.s32 $0xFFFFC000  }
0x54: {  	[spmem:s12] =	stream.linear.scatter [tilespmem:s15], [sflag:$0x3], $0x4000, $0x38;
	[tilespmem:$0x1C180] =	vst v63  }
0x55: {  	_ =	swait.ge [sflag:s13], $0x4000  }
0x56: {  	[sflag:s13] =	ssyncset.done $0x0  }
0x57: {  	[sflag:s13] =	ssyncadd.s32 $0xFFFFC000  }
.Ltmp3:
0x58: {  	[bflag:$0x0] =	sbarrier.arrive $0xFFFF;
	(pc) =	sbr.rel .LBB2_4-.Ltmp3, $4  }
0x59: {  	s12 =	rddreg [dreg:$0xc]  }
0x5a: {  	s21 =	rddreg [dreg:$0xb]  }
0x5b: {  	s22 =	rddreg [dreg:$0xa]  }
0x5c: {  	s7 =	simm.s32 $0x0;
	s23 =	rddreg [dreg:$0x9]  }
.LBB2_6:
0x5d: {  	_ =	swait.ge [sflag:s11], $0x4000;
	s7 =	sadd.s32 $0x1, s7  }
0x5e: {  	[sflag:s11] =	ssyncset.done $0x0;
	p0 =	sne.s32 s7, $0x80  }
.Ltmp4:
0x5f: {  	[sflag:s11] =	ssyncadd.s32 $0xFFFFC000;
	(pc) =	sbr.rel @!p0 .LBB2_7-.Ltmp4, $4  }
0x60: {  	[hbm4b:s21+s4] =	stream.linear.scatter [tilespmem:s15], [sflag:s17], $0x4000, $0x38;
	[tilespmem:$0x1C180] =	vst v63  }
0x61: {  	_ =	swait.ge [sflag:s17], $0x4000  }
0x62: {  	s23 =	sadd.s32 $0x1000, s23;
	s22 =	sadd.s32 $0x10, s22;
	[sflag:s17] =	ssyncset.done $0x0  }
0x63: {  	s12 =	sadd.s32 $0x10, s12;
	s21 =	sadd.s32 $0x800, s21;
	[sflag:s17] =	ssyncadd.s32 $0xFFFFC000  }
.LBB2_4:
0x64: {  	[tilespmem:s19], [sflag:$0x4] =	stream.linear.gather [hbm4b:s12+s4], $0x80, $0x38;
	[tilespmem:$0x1C180] =	vst v63  }
0x65: {  	p0 =	sgt.u32 s7, $0x3F  }
.Ltmp5:
0x66: {  	_ = 	snop;
	(pc) =	sbr.rel @p0 .LBB2_6-.Ltmp5, $4  }
0x67: {  	_ =	swait.ge [sflag:s18], $0x80  }
0x68: {  	[sflag:s18] =	ssyncset.done $0x0  }
0x69: {  	[sflag:s18] =	ssyncadd.s32 $0xFFFFFF80  }
0x6a: {  	[tilespmem:s15], [sflag:$0x2] =	stream.indirect.gather [spmem:s2], $0x80, s19, s14, $0xb8;
	[tilespmem:$0x1C180] =	vst v63  }
0x6b: {  	[tilespmem:s4], [sflag:$0x4] =	stream.linear.gather [hbm4b:s22+s4], $0x80, $0x38;
	[tilespmem:$0x1C180] =	vst v63  }
0x6c: {  	_ =	swait.ge [sflag:s18], $0x80  }
0x6d: {  	[sflag:s18] =	ssyncset.done $0x0  }
0x6e: {  	[sflag:s18] =	ssyncadd.s32 $0xFFFFFF80  }
0x6f: {  	v4 =	vld [tilespmem:$0x0];
	_ =	sdelay $0x4  }
0x70: {  	v5 =	vshll.u32 v4, $0x1  }
0x71: {  	v4 =	vand.u32 $0x7, v4;
	v5 =	vand.u32 $0xFFFFFFF0, v5  }
0x72: {  	v4 =	vor.u32 v4, v5  }
0x73: {  	v5 =	vperm.xlane v4, v1;
	_ =	sdelay $0x1  }
0x74: {  	v4 =	vperm.xlane v4, v3;
	v5 =	vadd.s32 v2, v5;
	_ =	sdelay $0x1  }
0x75: {  	v4 =	vadd.s32 v2, v4;
	_ =	sdelay $0x2  }
0x76: {  	[tilespmem:s20], [sflag:$0x1] =	stream.indirect_vreg.gather [hbm4b:s1+s4], $0x80, v5, vm0, $0xb8;
	[tilespmem:$0x1C180] =	vst v63  }
0x77: {  	s24 =	simm.s32 $0x980  }
0x78: {  	[tilespmem:s24], [sflag:$0x1] =	stream.indirect_vreg.gather [hbm4b:s1+s4], $0x80, v4, vm0, $0xb8;
	[tilespmem:$0x1C180] =	vst v63  }
0x79: {  	v4 =	vld [tilespmem:$0x10];
	_ =	sdelay $0x4  }
0x7a: {  	v5 =	vshll.u32 v4, $0x1  }
0x7b: {  	v4 =	vand.u32 $0x7, v4;
	v5 =	vand.u32 $0xFFFFFFF0, v5  }
0x7c: {  	v4 =	vor.u32 v4, v5  }
0x7d: {  	v5 =	vperm.xlane v4, v1;
	_ =	sdelay $0x1  }
0x7e: {  	v4 =	vperm.xlane v4, v3;
	v5 =	vadd.s32 v2, v5;
	_ =	sdelay $0x1  }
0x7f: {  	v4 =	vadd.s32 v2, v4;
	_ =	sdelay $0x1  }
0x80: {  	s24 =	simm.s32 $0x1180  }
0x81: {  	[tilespmem:s24], [sflag:$0x1] =	stream.indirect_vreg.gather [hbm4b:s1+s4], $0x80, v5, vm0, $0xb8;
	[tilespmem:$0x1C180] =	vst v63  }
0x82: {  	s24 =	simm.s32 $0x1980  }
0x83: {  	[tilespmem:s24], [sflag:$0x1] =	stream.indirect_vreg.gather [hbm4b:s1+s4], $0x80, v4, vm0, $0xb8;
	[tilespmem:$0x1C180] =	vst v63  }
0x84: {  	v4 =	vld [tilespmem:$0x20];
	_ =	sdelay $0x4  }
0x85: {  	v5 =	vshll.u32 v4, $0x1  }
0x86: {  	v4 =	vand.u32 $0x7, v4;
	v5 =	vand.u32 $0xFFFFFFF0, v5  }
0x87: {  	v4 =	vor.u32 v4, v5  }
0x88: {  	v5 =	vperm.xlane v4, v1;
	_ =	sdelay $0x1  }
0x89: {  	v4 =	vperm.xlane v4, v3;
	v5 =	vadd.s32 v2, v5;
	_ =	sdelay $0x1  }
0x8a: {  	v4 =	vadd.s32 v2, v4;
	_ =	sdelay $0x1  }
0x8b: {  	s24 =	simm.s32 $0x2180  }
0x8c: {  	[tilespmem:s24], [sflag:$0x1] =	stream.indirect_vreg.gather [hbm4b:s1+s4], $0x80, v5, vm0, $0xb8;
	[tilespmem:$0x1C180] =	vst v63  }
0x8d: {  	_ = 	snop  }
0x8e: {  	[tilespmem:s25], [sflag:$0x1] =	stream.indirect_vreg.gather [hbm4b:s1+s4], $0x80, v4, vm0, $0xb8;
	[tilespmem:$0x1C180] =	vst v63  }
0x8f: {  	v4 =	vld [tilespmem:$0x30];
	_ =	sdelay $0x4  }
0x90: {  	v5 =	vshll.u32 v4, $0x1  }
0x91: {  	v4 =	vand.u32 $0x7, v4;
	v5 =	vand.u32 $0xFFFFFFF0, v5  }
0x92: {  	v4 =	vor.u32 v4, v5  }
0x93: {  	v5 =	vperm.xlane v4, v1;
	_ =	sdelay $0x1  }
0x94: {  	v4 =	vperm.xlane v4, v3;
	v5 =	vadd.s32 v2, v5;
	_ =	sdelay $0x1  }
0x95: {  	v4 =	vadd.s32 v2, v4;
	_ =	sdelay $0x2  }
0x96: {  	[tilespmem:s26], [sflag:$0x1] =	stream.indirect_vreg.gather [hbm4b:s1+s4], $0x80, v5, vm0, $0xb8;
	[tilespmem:$0x1C180] =	vst v63  }
0x97: {  	_ = 	snop  }
0x98: {  	[tilespmem:s28], [sflag:$0x1] =	stream.indirect_vreg.gather [hbm4b:s1+s4], $0x80, v4, vm0, $0xb8;
	[tilespmem:$0x1C180] =	vst v63  }
0x99: {  	v4 =	vld [tilespmem:$0x40];
	_ =	sdelay $0x4  }
0x9a: {  	v5 =	vshll.u32 v4, $0x1  }
0x9b: {  	v4 =	vand.u32 $0x7, v4;
	v5 =	vand.u32 $0xFFFFFFF0, v5  }
0x9c: {  	v4 =	vor.u32 v4, v5  }
0x9d: {  	v5 =	vperm.xlane v4, v1;
	_ =	sdelay $0x1  }
0x9e: {  	v4 =	vperm.xlane v4, v3;
	v5 =	vadd.s32 v2, v5;
	_ =	sdelay $0x1  }
0x9f: {  	v4 =	vadd.s32 v2, v4;
	_ =	sdelay $0x2  }
0xa0: {  	[tilespmem:s29], [sflag:$0x1] =	stream.indirect_vreg.gather [hbm4b:s1+s4], $0x80, v5, vm0, $0xb8;
	[tilespmem:$0x1C180] =	vst v63  }
0xa1: {  	_ = 	snop  }
0xa2: {  	[tilespmem:s30], [sflag:$0x1] =	stream.indirect_vreg.gather [hbm4b:s1+s4], $0x80, v4, vm0, $0xb8;
	[tilespmem:$0x1C180] =	vst v63  }
0xa3: {  	v4 =	vld [tilespmem:$0x50];
	_ =	sdelay $0x4  }
0xa4: {  	v5 =	vshll.u32 v4, $0x1  }
0xa5: {  	v4 =	vand.u32 $0x7, v4;
	v5 =	vand.u32 $0xFFFFFFF0, v5  }
0xa6: {  	v4 =	vor.u32 v4, v5  }
0xa7: {  	v5 =	vperm.xlane v4, v1;
	_ =	sdelay $0x1  }
0xa8: {  	v4 =	vperm.xlane v4, v3;
	v5 =	vadd.s32 v2, v5;
	_ =	sdelay $0x1  }
0xa9: {  	v4 =	vadd.s32 v2, v4;
	_ =	sdelay $0x2  }
0xaa: {  	[tilespmem:s31], [sflag:$0x1] =	stream.indirect_vreg.gather [hbm4b:s1+s4], $0x80, v5, vm0, $0xb8;
	[tilespmem:$0x1C180] =	vst v63  }
0xab: {  	_ = 	snop  }
0xac: {  	[tilespmem:s0], [sflag:$0x1] =	stream.indirect_vreg.gather [hbm4b:s1+s4], $0x80, v4, vm0, $0xb8;
	[tilespmem:$0x1C180] =	vst v63  }
0xad: {  	v4 =	vld [tilespmem:$0x60];
	_ =	sdelay $0x4  }
0xae: {  	v5 =	vshll.u32 v4, $0x1  }
0xaf: {  	v4 =	vand.u32 $0x7, v4;
	v5 =	vand.u32 $0xFFFFFFF0, v5  }
0xb0: {  	v4 =	vor.u32 v4, v5  }
0xb1: {  	v5 =	vperm.xlane v4, v1;
	_ =	sdelay $0x1  }
0xb2: {  	v4 =	vperm.xlane v4, v3;
	v5 =	vadd.s32 v2, v5;
	_ =	sdelay $0x1  }
0xb3: {  	v4 =	vadd.s32 v2, v4;
	_ =	sdelay $0x2  }
0xb4: {  	[tilespmem:s3], [sflag:$0x1] =	stream.indirect_vreg.gather [hbm4b:s1+s4], $0x80, v5, vm0, $0xb8;
	[tilespmem:$0x1C180] =	vst v63  }
0xb5: {  	_ = 	snop  }
0xb6: {  	[tilespmem:s6], [sflag:$0x1] =	stream.indirect_vreg.gather [hbm4b:s1+s4], $0x80, v4, vm0, $0xb8;
	[tilespmem:$0x1C180] =	vst v63  }
0xb7: {  	v4 =	vld [tilespmem:$0x70];
	_ =	sdelay $0x4  }
0xb8: {  	v5 =	vshll.u32 v4, $0x1  }
0xb9: {  	v4 =	vand.u32 $0x7, v4;
	v5 =	vand.u32 $0xFFFFFFF0, v5  }
0xba: {  	v4 =	vor.u32 v4, v5  }
0xbb: {  	v5 =	vperm.xlane v4, v1;
	_ =	sdelay $0x1  }
0xbc: {  	v4 =	vperm.xlane v4, v3;
	v5 =	vadd.s32 v2, v5;
	_ =	sdelay $0x1  }
0xbd: {  	v4 =	vadd.s32 v2, v4;
	_ =	sdelay $0x2  }
0xbe: {  	[tilespmem:s9], [sflag:$0x1] =	stream.indirect_vreg.gather [hbm4b:s1+s4], $0x80, v5, vm0, $0xb8;
	[tilespmem:$0x1C180] =	vst v63  }
0xbf: {  	_ = 	snop  }
0xc0: {  	[tilespmem:s10], [sflag:$0x1] =	stream.indirect_vreg.gather [hbm4b:s1+s4], $0x80, v4, vm0, $0xb8;
	[tilespmem:$0x1C180] =	vst v63  }
0xc1: {  	_ =	swait.ge [sflag:s16], $0x8000  }
0xc2: {  	[sflag:s16] =	ssyncset.done $0x0  }
.Ltmp6:
0xc3: {  	[sflag:s16] =	ssyncadd.s32 $0xFFFF8000;
	(pc) =	sbr.rel .LBB2_6-.Ltmp6, $4  }
0xc4: {  	[hbm4b:s23+s4] =	stream.linear.scatter [tilespmem:s20], [sflag:$0x4], $0x8000, $0x38;
	[tilespmem:$0x1C180] =	vst v63  }
0xc5: {  	_ =	swait.ge [sflag:s18], $0x8000  }
0xc6: {  	[sflag:s18] =	ssyncset.done $0x0  }
0xc7: {  	[sflag:s18] =	ssyncadd.s32 $0xFFFF8000  }
.LBB2_8:
0xc8: {  	_ =	sfence.sel $0x180000  }
0xc9: {  	[bflag:$0x0] =	sbarrier.arrive $0xFFFF  }
0xca: {  	_ =	strace $0x90000047  }
0xcb: {  	s0 =	stileid.u32;
	[bflag:$0x2] =	sbarrier.arrive $0xFFFF  }
0xcc: {  	p0 =	sne.s32 s0, $0x0;
	s0 =	rddreg [dreg:$0x6]  }
0xcd: {  	s0 =	sadd.s32 @!p0 $0x100000, s0  }
0xce: {  	[sflag:s0] =	ssyncadd.tile.s32 @!p0 $0x1;
	_ =	shalt  }
.Lfunc_end2:
_tile_overlayer_lowered:
.L_overlay_start_2:
0xcf: {  	(tag) =	ssettag $0x2  }
0xd0: {  	s0 =	rddreg [dreg:$0x0];
	s2 =	stileid.u32  }
0xd1: {  	s1 =	rddreg [dreg:$0x1];
	p0 =	sne.s32 s2, $0x0  }
0xd2: {  	s3 =	rddreg [dreg:$0x2];
	[bflag:$0x3] =	sbarrier.arrive $0xFFFF;
	s2 =	simm.s32 @!p0 $0x1C03  }
0xd3: {  	[timem:s3], [sflag:s2] =	dma.local @!p0 [hbm:s0], s1  }
0xd4: {  	s0 =	simm.s32 @!p0 $0x3  }
0xd5: {  	_ =	swait.ge @!p0 [sflag:s0], s1  }
0xd6: {  	s1 =	ssub.s32 @!p0 $0x0, s1;
	[sflag:s0] =	ssyncset.done @!p0 $0x0  }
0xd7: {  	[sflag:s0] =	ssyncadd.s32 @!p0 s1  }
0xd8: {  	[bflag:$0x3] =	sbarrier.arrive $0xFFFF  }
0xd9: {  	_ =	shalt  }

// kernel: kernel.9.cloned.1.call-start
scs
__scs_entry_jumppad:
0x0: {  	(pc) =	sbr.rel $0x88, $3  }
0x1: {  	(tag) =	ssettag $0x0;
	lr =	simm.s32 $0x1  }
0x2: {  	[smem:$0x3F8F] =	sst lr;
	_ =	strace $0xD0000000  }
0x3: {  	_ = 	snop  }
0x4: {  	_ = 	snop  }
0x5: {  	_ = 	snop  }
0x6: {  	_ = 	snop  }
0x7: {  	_ = 	snop  }
__scs_overlays_trampoline_lowered:
0x8: {  	[smem:$0x3F9E] =	sst s0  }
0x9: {  	[smem:$0x3F9F] =	sst s1  }
0xa: {  	[smem:$0x3FA0] =	sst s2  }
0xb: {  	[smem:$0x3FA1] =	sst s3  }
0xc: {  	[smem:$0x3FA2] =	sst s4  }
0xd: {  	[smem:$0x3FA3] =	sst s5  }
0xe: {  	[smem:$0x3FA4] =	sst s6  }
0xf: {  	[smem:$0x3FA5] =	sst s7  }
0x10: {  	[smem:$0x3FA6] =	sst s8  }
0x11: {  	[smem:$0x3FA7] =	sst s9;
	s0 =	simm.s32 @!p0 $0x0  }
0x12: {  	s1 =	sld [smem:$0x3F8D];
	s0 =	simm.s32 @p0 $0x1  }
0x13: {  	[smem:$0x3FA8] =	sst s0;
	s0 =	simm.s32 @!p1 $0x0  }
0x14: {  	s2 =	sld [smem:$0x3F8C];
	s0 =	simm.s32 @p1 $0x1  }
0x15: {  	[smem:$0x3FA9] =	sst s0;
	s0 =	simm.s32 @!p2 $0x0  }
0x16: {  	s3 =	sld [smem:$0x3FDB];
	s0 =	simm.s32 @p2 $0x1  }
0x17: {  	s4 =	simm.s32 $0x1BF5;
	[smem:$0x3FAB] =	sst s0  }
0x18: {  	s0 =	sld [smem:$0x3F8E];
	_ =	swait.ge [sflag:s4], $0x0  }
0x19: {  	s7 =	sld [smem:$0x3F8F]  }
0x1a: {  	s8 =	sadd.s32 $0xFFFFE003, lr  }
0x1b: {  	s9 =	sadd.s32 $0xFFFFFEF7, lr;
	s5 =	simm.s32 $0xFFFFFFFF;
	p2 =	slt.u32 s8, $0xFFFFF086  }
0x1c: {  	p1 =	slt.u32 s9, $0xF7A;
	s5 =	simm.s32 @!p2 $0x0  }
0x1d: {  	s5 =	simm.s32 @p1 $0x1;
	p0 =	seq.s32 s7, s2  }
0x1e: {  	s7 =	smul.u32 @!p0 $0xF7A, s2;
	p2 =	seq.s32 @!p0 s5, $0x0  }
0x1f: {  	s9 =	smul.u32 $0xF7A, s1;
	s8 =	simm.s32 @!p0 $0x1BF5;
	p2 =	por !p2, p0  }
0x20: {  	[sflag:s8] =	ssyncset.s32 @!p0 $0xFFFFF086;
	s6 =	sadd.s32 @!p0 s3, s7;
	s7 =	simm.s32 @!p0 $0x108  }
0x21: {  	s3 =	sadd.s32 s3, s9;
	s6 =	sadd.s32 @!p0 $0x88, s6;
	s7 =	simm.s32 @p2 $0x1082  }
0x22: {  	[simem:s7], [sflag:s8] =	dma.local @!p0 [hbm:s6], $0xF7A  }
0x23: {  	s9 =	sor.u32 $0xD0000000, s2;
	s6 =	simm.s32 $0x108;
	_ =	swait.ge @!p0 [sflag:s8], $0x0  }
0x24: {  	s3 =	sadd.s32 $0x88, s3;
	s6 =	simm.s32 @!p1 $0x1082;
	[sflag:s4] =	ssyncset.s32 $0xFFFFF086  }
0x25: {  	[simem:s6], [sflag:s4] =	dma.local [hbm:s3], $0xF7A  }
0x26: {  	[smem:$0x3F8F] =	sst s1;
	(tag) =	ssettag s2;
	_ =	strace s9  }
0x27: {  	s1 =	sld [smem:$0x3F9F]  }
0x28: {  	s2 =	sld [smem:$0x3FA0]  }
0x29: {  	s4 =	sld [smem:$0x3FA2]  }
0x2a: {  	p0 =	seq.s32 s5, $0x0;
	s5 =	sld [smem:$0x3FA3]  }
0x2b: {  	s6 =	sld [smem:$0x3FA4]  }
0x2c: {  	s7 =	sld [smem:$0x3FA5]  }
0x2d: {  	s3 =	simm.s32 $0x108;
	s8 =	sld [smem:$0x3FA6]  }
0x2e: {  	s3 =	simm.s32 @!p0 $0x1082;
	s9 =	sld [smem:$0x3FA7]  }
0x2f: {  	lr =	sadd.s32 s0, s3;
	s0 =	sld [smem:$0x3F9E]  }
0x30: {  	s3 =	sld [smem:$0x3FA1]  }
0x31: {  	[smem:$0x3FAA] =	sst s10  }
0x32: {  	s10 =	sld [smem:$0x3FA8];
	_ =	sdelay $0x3  }
0x33: {  	p0 =	seq.s32 s10, $0x1;
	s10 =	sld [smem:$0x3FAA];
	_ =	sdelay $0x3  }
0x34: {  	[smem:$0x3FAA] =	sst s10  }
0x35: {  	s10 =	sld [smem:$0x3FA9];
	_ =	sdelay $0x3  }
0x36: {  	p1 =	seq.s32 s10, $0x1;
	s10 =	sld [smem:$0x3FAA];
	_ =	sdelay $0x3  }
0x37: {  	[smem:$0x3FAA] =	sst s10  }
0x38: {  	s10 =	sld [smem:$0x3FAB]  }
0x39: {  	_ = 	snop;
	(pc) =	sbr.ind lr, $3  }
0x3a: {  	_ = 	snop  }
0x3b: {  	_ = 	snop  }
0x3c: {  	p2 =	seq.s32 s10, $0x1;
	s10 =	sld [smem:$0x3FAA]  }
0x3d: {  	_ =	shalt  }
0x3e: {  	_ =	shalt  }
0x3f: {  	_ =	shalt  }
0x40: {  	_ =	shalt  }
0x41: {  	_ =	shalt  }
0x42: {  	_ =	shalt  }
0x43: {  	_ =	shalt  }
0x44: {  	_ =	shalt  }
0x45: {  	_ =	shalt  }
0x46: {  	_ =	shalt  }
0x47: {  	_ =	shalt  }
0x48: {  	_ =	shalt  }
0x49: {  	_ =	shalt  }
0x4a: {  	_ =	shalt  }
0x4b: {  	_ =	shalt  }
0x4c: {  	_ =	shalt  }
0x4d: {  	_ =	shalt  }
0x4e: {  	_ =	shalt  }
0x4f: {  	_ =	shalt  }
0x50: {  	_ =	shalt  }
0x51: {  	_ =	shalt  }
0x52: {  	_ =	shalt  }
0x53: {  	_ =	shalt  }
0x54: {  	_ =	shalt  }
0x55: {  	_ =	shalt  }
0x56: {  	_ =	shalt  }
0x57: {  	_ =	shalt  }
0x58: {  	_ =	shalt  }
0x59: {  	_ =	shalt  }
0x5a: {  	_ =	shalt  }
0x5b: {  	_ =	shalt  }
0x5c: {  	_ =	shalt  }
0x5d: {  	_ =	shalt  }
0x5e: {  	_ =	shalt  }
0x5f: {  	_ =	shalt  }
0x60: {  	_ =	shalt  }
0x61: {  	_ =	shalt  }
0x62: {  	_ =	shalt  }
0x63: {  	_ =	shalt  }
0x64: {  	_ =	shalt  }
0x65: {  	_ =	shalt  }
0x66: {  	_ =	shalt  }
0x67: {  	_ =	shalt  }
0x68: {  	_ =	shalt  }
0x69: {  	_ =	shalt  }
0x6a: {  	_ =	shalt  }
0x6b: {  	_ =	shalt  }
0x6c: {  	_ =	shalt  }
0x6d: {  	_ =	shalt  }
0x6e: {  	_ =	shalt  }
0x6f: {  	_ =	shalt  }
0x70: {  	_ =	shalt  }
0x71: {  	_ =	shalt  }
0x72: {  	_ =	shalt  }
0x73: {  	_ =	shalt  }
0x74: {  	_ =	shalt  }
0x75: {  	_ =	shalt  }
0x76: {  	_ =	shalt  }
0x77: {  	_ =	shalt  }
0x78: {  	_ =	shalt  }
0x79: {  	_ =	shalt  }
0x7a: {  	_ =	shalt  }
0x7b: {  	_ =	shalt  }
0x7c: {  	_ =	shalt  }
0x7d: {  	_ =	shalt  }
0x7e: {  	_ =	shalt  }
0x7f: {  	_ =	shalt  }
0x80: {  	_ =	shalt  }
0x81: {  	_ =	shalt  }
0x82: {  	_ =	shalt  }
0x83: {  	_ =	shalt  }
0x84: {  	_ =	shalt  }
0x85: {  	_ =	shalt  }
0x86: {  	_ =	shalt  }
0x87: {  	_ =	shalt  }
.Lfunc_end0:
.L_simem_size_0:
called_computation.1_lowered:
.L_overlay_start_0:
0x88: {  	s2 =	sld [smem:$0x3FD9]  }
0x89: {  	s3 =	sld [smem:$0x3FFE];
	_ =	sdelay $0x1  }
0x8a: {  	s1 =	srdreg.scid  }
0x8b: {  	s0 =	sand.u32 $0x1, s1  }
0x8c: {  	s17 =	sshll.u32 s0, $0xA;
	s2 =	sadd.s32 s3, s2  }
0x8d: {  	s2 =	sadd.s32 s2, s17  }
0x8e: {  	[smem:$0x3FB6] =	sst s2  }
0x8f: {  	_ = 	snop  }
0x90: {  	s2 =	sld [smem:$0x3FC4]  }
0x91: {  	s18 =	sld [smem:$0x3FD0];
	(tm) =	ssettm $0x1  }
0x92: {  	s4 =	sld [smem:$0x3FFB];
	_ =	sdelay $0x3  }
0x93: {  	_ =	strace s4  }
0x94: {  	s4 =	sld [smem:$0x3FFC];
	_ =	sdelay $0x3  }
0x95: {  	_ =	strace s4  }
0x96: {  	s4 =	sld [smem:$0x3FFD];
	_ =	sdelay $0x3  }
0x97: {  	_ =	strace s4  }
0x98: {  	_ =	strace $0x8FFFFFFF  }
0x99: {  	s19 =	sld [smem:$0x3FDB];
	_ =	sdelay $0x1  }
0x9a: {  	s5 =	simm.s32 $_scs_section_size  }
0x9b: {  	s6 =	simm.s32 $_size__tile_overlayer_lowered;
	s7 =	simm.s32 $_tile_overlayer_lowered  }
0x9c: {  	s22 =	simm.s32 $0x1BFF;
	s21 =	sshll.u32 s7, $0x1;
	s4 =	sadd.s32 s5, s19  }
0x9d: {  	s8 =	simm.s32 $0x0;
	s20 =	sshll.u32 s6, $0x1;
	s6 =	sadd.s32 s21, s4  }
0x9e: {  	[timem:s8], [sflag:s22] =	dma.local [hbm:s6], s20  }
0x9f: {  	_ =	swait.ge [sflag:s22], s20  }
0xa0: {  	s5 =	ssub.s32 $0x0, s20;
	[sflag:s22] =	ssyncset.done $0x0  }
0xa1: {  	[sflag:s22] =	ssyncadd.s32 s5;
	_ =	sdelay $0x1  }
0xa2: {  	s23 =	simm.s32 $0x1B8B  }
0xa3: {  	_ =	swait.ge [sflag:s23], $0x1  }
0xa4: {  	[sflag:s23] =	ssyncset.done $0x0  }
0xa5: {  	s25 =	simm.s32 $0x1B8E;
	s24 =	sld [smem:$0x3FFE];
	[sflag:s23] =	ssyncadd.s32 $0xFFFFFFFF  }
0xa6: {  	s26 =	simm.s32 $execute0_lowered;
	[smem:$0x3FD2] =	sst s25  }
0xa7: {  	s6 =	sshll.u32 s26, $0x1;
	_ =	strace $0x80000049;
	[dreg:$0x1] =	wrdreg $0xFFFFFFFF  }
0xa8: {  	s28 =	simm.s32 $_size_execute0_lowered;
	s4 =	sadd.s32 s4, s6;
	[dreg:$0x0] =	wrdreg $0x0  }
0xa9: {  	s6 =	sshll.u32 s28, $0x1;
	[dreg:$0x2] =	wrdreg s4  }
0xaa: {  	[dreg:$0x3] =	wrdreg s6  }
0xab: {  	[dreg:$0x4] =	wrdreg $0xC0  }
0xac: {  	_ =	task [dreg:s8], $0x5FFFF  }
0xad: {  	[dreg:$0x1] =	wrdreg $0xFFFFFFFF  }
0xae: {  	[dreg:$0x0] =	wrdreg $0x60  }
0xaf: {  	[dreg:$0x2] =	wrdreg s24  }
0xb0: {  	[dreg:$0x3] =	wrdreg s2  }
0xb1: {  	[dreg:$0x4] =	wrdreg s18  }
0xb2: {  	[dreg:$0x5] =	wrdreg $0x8A800  }
0xb3: {  	[dreg:$0x6] =	wrdreg $0x18A800  }
0xb4: {  	[dreg:$0x7] =	wrdreg $0x9  }
0xb5: {  	_ =	task.clear_ibuf [dreg:s8], $0x8FFFF;
	_ =	strace $0x90000049  }
0xb6: {  	s29 =	simm.s32 $0x9;
	_ =	strace $0x8000004B  }
0xb7: {  	_ =	swait.ge [sflag:s29], $0x1  }
0xb8: {  	[sflag:s29] =	ssyncadd.s32 $0xFFFFFFFF  }
0xb9: {  	_ =	strace $0x9000004B  }
0xba: {  	_ =	sfence  }
0xbb: {  	s30 =	sld [smem:$0x0];
	_ =	sdelay $0x2  }
0xbc: {  	s31 =	sshll.u32 s1, $0xD;
	s1 =	sshrl.u32 s1, $0x2  }
0xbd: {  	s3 =	sand.u32 $0x4000, s31;
	s1 =	sadd.s32 s1, s30  }
0xbe: {  	s0 =	sor.u32 s3, s0;
	s1 =	sshll.u32 s1, $0x11  }
0xbf: {  	s0 =	sor.u32 s1, s0  }
0xc0: {  	s0 =	sadd.s32 $0x8F2B, s0  }
0xc1: {  	[sflag:s0] =	ssyncadd.remote.s32 $0x1  }
0xc2: {  	_ =	sfence.sel $0xFFFF  }
0xc3: {  	[dreg:$0x0] =	wrdreg $0xFFFFFFFF;
	(pc) =	sbr.abs _section_cstart, $3  }
0xc4: {  	[dreg:$0x1] =	wrdreg $0xFFFFFFFF  }
0xc5: {  	_ =	task.clear_ibuf [dreg:s8], $0x2FFFF;
	_ =	strace $0x9FFFFFFF  }
0xc6: {  	(tm) =	ssettm $0x7FFFFFFF  }
0xc7: {  	_ =	shalt  }
tec
execute0_lowered:
.L_overlay_start_1:
0x0: {  	(tag) =	ssettag $0x1  }
0x1: {  	s0 =	rddreg [dreg:$0x0]  }
0x2: {  	s1 =	rddreg [dreg:$0x1]  }
0x3: {  	s2 =	rddreg [dreg:$0x3]  }
0x4: {  	s4 =	rddreg [dreg:$0x4];
	s5 =	simm.s32 $0x0  }
0x5: {  	s12 =	stileid.u32;
	s6 =	srdreg.scid;
	s23 =	simm.s32 $0x480  }
0x6: {  	s24 =	simm.s32 $0x500;
	s25 =	simm.s32 $0x580;
	s26 =	simm.s32 $0x600  }
0x7: {  	s28 =	simm.s32 $0x80;
	s29 =	simm.s32 $0x2;
	s30 =	simm.s32 $0x100  }
0x8: {  	s31 =	simm.s32 $0x180;
	[smem:$0x7FF] =	sst s5;
	s3 =	sshll.u32 s12, $0x12  }
0x9: {  	s8 =	sshll.u32 s12, $0xB;
	s6 =	sand.u32 $0x1, s6;
	s9 =	sadd.s32 $0xBA00, s0  }
0xa: {  	s11 =	sadd.s32 $0x2BA00, s0;
	_ =	strace $0x8000004A;
	[dreg:$0xb] =	wrdreg s9  }
0xb: {  	s20 =	sshll.u32 s12, $0xD;
	s7 =	sadd.s32 s3, s0;
	[dreg:$0xc] =	wrdreg s11  }
0xc: {  	s10 =	sadd.s32 s8, s0;
	s14 =	ssub.s32 $0x2, s6;
	[dreg:$0x12] =	wrdreg s20  }
0xd: {  	s3 =	sshrl.u32 s3, $0x2;
	s0 =	sadd.s32 $0x2BE00, s0;
	[dreg:$0x7] =	wrdreg s23  }
0xe: {  	s18 =	sshrl.u32 s8, $0x2;
	p0 =	sne.s32 s6, $0x0;
	[dreg:$0x8] =	wrdreg s24  }
0xf: {  	s20 =	simm.s32 $0xA80;
	[dreg:$0x9] =	wrdreg s25;
	s23 =	simm.s32 $0x4  }
0x10: {  	s24 =	simm.s32 $0x400;
	[dreg:$0xa] =	wrdreg s26;
	s25 =	simm.s32 $0x4A80  }
0x11: {  	s26 =	simm.s32 $0x1;
	s6 =	simm.s32 $0x700;
	s11 =	simm.s32 $0x0  }
0x12: {  	s15 =	sshrl.u32 s14, $0x1;
	[dreg:$0xd] =	wrdreg s0;
	s9 =	sadd.s32 s3, s2  }
0x13: {  	s21 =	sadd.s32 $0x3A00, s10;
	s22 =	sadd.s32 $0x118A400, s7;
	s10 =	simm.s32 $0x800  }
0x14: {  	s16 =	ssub.s32 s14, s15;
	s3 =	sadd.s32 $0x4000, s9;
	[dreg:$0x14] =	wrdreg s21  }
0x15: {  	s17 =	sadd.s32 $0x8000, s9;
	s19 =	sadd.s32 $0xC000, s9;
	[dreg:$0x6] =	wrdreg s22  }
0x16: {  	s15 =	sshll.u32 s12, $0x6;
	s21 =	simm.s32 $0x3;
	[dreg:$0xe] =	wrdreg s3  }
.Ltmp0:
0x17: {  	s22 =	simm.s32 $0x300;
	[dreg:$0xf] =	wrdreg s17;
	(pc) =	sbr.rel .LBB2_1-.Ltmp0, $4  }
0x18: {  	[dreg:$0x10] =	wrdreg s19;
	s3 =	sadd.s32 s18, s4;
	s0 =	smax.u32 s16, $0x1  }
0x19: {  	s17 =	sadd.s32 $0x158A400, s7;
	s16 =	sadd.s32 s8, s1;
	s1 =	simm.s32 $0x680  }
0x1a: {  	s7 =	simm.s32 $0x380;
	s8 =	simm.s32 $0x780;
	[dreg:$0x11] =	wrdreg s3  }
0x1b: {  	v0 =	vimm.f32 $0.0e+00;
	v1 =	vimm.f32 $1.000000000e+00;
	[dreg:$0x13] =	wrdreg s0;
	s0 =	simm.s32 $0x200;
	s3 =	simm.s32 $0x280  }
.LBB2_9:
0x1c: {  	s14 =	rddreg [dreg:$0xb]  }
0x1d: {  	[sflag:s21] =	ssyncadd.s32 $0xFFFFFF80;
	s12 =	rddreg [dreg:$0xd]  }
.LBB2_10:
0x1e: {  	s13 =	rddreg [dreg:$0x12];
	[bflag:$0x0] =	sbarrier.arrive $0xFFFF  }
0x1f: {  	s19 =	sor.u32 $0x1C03, s15;
	s18 =	sshrl.u32 s9, $0x3;
	s13 =	sadd.s32 s14, s13  }
0x20: {  	[hbm:s13], [sflag:s19] =	dma.local [spmem:s18], $0x2000  }
0x21: {  	_ =	swait.ge [sflag:s21], $0x2000  }
0x22: {  	[sflag:s21] =	ssyncset.done $0x0;
	s18 =	rddreg [dreg:$0x11]  }
0x23: {  	s12 =	sadd.s32 s12, s15;
	[sflag:s21] =	ssyncadd.s32 $0xFFFFE000;
	s13 =	sshrl.u32 s18, $0x3  }
0x24: {  	[hbm:s12], [sflag:s19] =	dma.local [spmem:s13], $0x40  }
0x25: {  	_ =	swait.ge [sflag:s21], $0x40  }
0x26: {  	s11 =	sadd.s32 $0x1, s11;
	s19 =	rddreg [dreg:$0x13]  }
0x27: {  	p1 =	sne.s32 s11, s19  }
.Ltmp1:
0x28: {  	_ = 	snop;
	(pc) =	sbr.rel @!p1 .LBB2_11-.Ltmp1, $3  }
0x29: {  	_ =	sdelay $0x1  }
0x2a: {  	[sflag:s21] =	ssyncset.done $0x0  }
0x2b: {  	[sflag:s21] =	ssyncadd.s32 $0xFFFFFFC0  }
.LBB2_1:
0x2c: {  	s12 =	sand.u32 $0xFE00, s5  }
0x2d: {  	s14 =	sand.u32 $0x70, s5;
	s18 =	sshrl.u32 s12, $0x2  }
0x2e: {  	s12 =	simm.s32 $0x40;
	s18 =	sor.u32 s14, s18;
	s14 =	simm.s32 $0x0  }
.LBB2_2:
0x2f: {  	p1 =	sne.s32 s12, $0xFFC0  }
0x30: {  	[tilespmem:s18+$0xA80] =	vst v0;
	s14 =	sadd.s32 $0x10, s14;
	s18 =	smov.u32 s12;
	s12 =	sadd.s32 $0x40, s12  }
.Ltmp2:
0x31: {  	(pc) =	sbr.rel @p1 .LBB2_2-.Ltmp2, $4  }
0x32: {  	_ = 	snop  }
0x33: {  	s18 =	sand.u32 $0xFE00, s18  }
0x34: {  	s19 =	sand.u32 $0x70, s14;
	s18 =	sshrl.u32 s18, $0x2  }
0x35: {  	s18 =	sor.u32 s19, s18  }
0x36: {  	[tilespmem:s18+$0xA80] =	vst v0  }
0x37: {  	[tilespmem:$0x880] =	vst v0  }
0x38: {  	[tilespmem:$0x890] =	vst v0  }
0x39: {  	[tilespmem:$0x8A0] =	vst v0  }
0x3a: {  	[tilespmem:$0x8B0] =	vst v0  }
0x3b: {  	[tilespmem:$0x8C0] =	vst v0  }
0x3c: {  	[tilespmem:$0x8D0] =	vst v0  }
0x3d: {  	[tilespmem:$0x8E0] =	vst v0  }
0x3e: {  	[tilespmem:$0x8F0] =	vst v0  }
0x3f: {  	[tilespmem:$0x900] =	vst v0  }
0x40: {  	[tilespmem:$0x910] =	vst v0  }
0x41: {  	[tilespmem:$0x920] =	vst v0  }
0x42: {  	[tilespmem:$0x930] =	vst v0  }
0x43: {  	[tilespmem:$0x940] =	vst v0  }
0x44: {  	[tilespmem:$0x950] =	vst v0  }
0x45: {  	[tilespmem:$0x960] =	vst v0  }
0x46: {  	[tilespmem:$0x970] =	vst v0  }
0x47: {  	[tilespmem:$0x980] =	vst v0  }
0x48: {  	[tilespmem:$0x990] =	vst v0  }
0x49: {  	[tilespmem:$0x9A0] =	vst v0  }
0x4a: {  	[tilespmem:$0x9B0] =	vst v0  }
0x4b: {  	[tilespmem:$0x9C0] =	vst v0  }
0x4c: {  	[tilespmem:$0x9D0] =	vst v0  }
0x4d: {  	[tilespmem:$0x9E0] =	vst v0  }
0x4e: {  	[tilespmem:$0x9F0] =	vst v0  }
0x4f: {  	[tilespmem:$0xA00] =	vst v0  }
0x50: {  	[tilespmem:$0xA10] =	vst v0  }
0x51: {  	[tilespmem:$0xA20] =	vst v0  }
0x52: {  	[tilespmem:$0xA30] =	vst v0  }
0x53: {  	[tilespmem:$0xA40] =	vst v0  }
0x54: {  	[tilespmem:$0xA50] =	vst v0  }
0x55: {  	[tilespmem:$0xA60] =	vst v0  }
0x56: {  	[tilespmem:$0xA70] =	vst v0  }
0x57: {  	[tilespmem:$0x800] =	vst v1  }
0x58: {  	[tilespmem:$0x810] =	vst v1  }
0x59: {  	[tilespmem:$0x820] =	vst v1  }
0x5a: {  	[tilespmem:$0x830] =	vst v1  }
0x5b: {  	[tilespmem:$0x840] =	vst v1  }
0x5c: {  	[tilespmem:$0x850] =	vst v1  }
0x5d: {  	[tilespmem:$0x860] =	vst v1  }
0x5e: {  	[tilespmem:$0x870] =	vst v1  }
0x5f: {  	[spmem:s9] =	stream.linear.scatter [tilespmem:s20], [sflag:$0x3], $0x4000, $0x38;
	[tilespmem:$0x18C80] =	vst v63  }
0x60: {  	_ =	swait.ge [sflag:s21], $0x4000  }
0x61: {  	[sflag:s21] =	ssyncset.done $0x0  }
0x62: {  	s12 =	rddreg [dreg:$0xe];
	[sflag:s21] =	ssyncadd.s32 $0xFFFFC000  }
0x63: {  	[spmem:s12] =	stream.linear.scatter [tilespmem:s20], [sflag:$0x3], $0x4000, $0x38;
	[tilespmem:$0x18C80] =	vst v63  }
0x64: {  	_ =	swait.ge [sflag:s21], $0x4000  }
0x65: {  	[sflag:s21] =	ssyncset.done $0x0  }
0x66: {  	s14 =	rddreg [dreg:$0xf];
	[sflag:s21] =	ssyncadd.s32 $0xFFFFC000  }
0x67: {  	[spmem:s14] =	stream.linear.scatter [tilespmem:s20], [sflag:$0x3], $0x4000, $0x38;
	[tilespmem:$0x18C80] =	vst v63  }
0x68: {  	_ =	swait.ge [sflag:s21], $0x4000  }
0x69: {  	[sflag:s21] =	ssyncset.done $0x0  }
0x6a: {  	s18 =	rddreg [dreg:$0x10];
	[sflag:s21] =	ssyncadd.s32 $0xFFFFC000  }
0x6b: {  	[spmem:s18] =	stream.linear.scatter [tilespmem:s20], [sflag:$0x3], $0x4000, $0x38;
	[tilespmem:$0x18C80] =	vst v63  }
0x6c: {  	_ =	swait.ge [sflag:s21], $0x4000  }
0x6d: {  	[sflag:s21] =	ssyncset.done $0x0  }
0x6e: {  	s13 =	simm.s32 $0x880;
	s19 =	rddreg [dreg:$0x11];
	[sflag:s21] =	ssyncadd.s32 $0xFFFFC000  }
0x6f: {  	[spmem:s19] =	stream.linear.scatter [tilespmem:s13], [sflag:$0x3], $0x200, $0x38;
	[tilespmem:$0x18C80] =	vst v63  }
.Ltmp3:
0x70: {  	_ =	swait.ge [sflag:s21], $0x200;
	(pc) =	sbr.rel @p0 .LBB2_7-.Ltmp3, $3  }
0x71: {  	[sflag:s21] =	ssyncset.done $0x0  }
0x72: {  	[sflag:s21] =	ssyncadd.s32 $0xFFFFFE00  }
0x73: {  	[bflag:$0x0] =	sbarrier.arrive $0xFFFF;
	_ =	sdelay $0x1  }
0x74: {  	[tilespmem:s5], [sflag:$0x4] =	stream.linear.gather [hbm4b:s16+s5], $0x400, $0x38;
	[tilespmem:$0x18C80] =	vst v63  }
0x75: {  	_ =	swait.ge [sflag:s23], $0x400  }
0x76: {  	[sflag:s23] =	ssyncset.done $0x0  }
0x77: {  	s19 =	rddreg [dreg:$0x14];
	[sflag:s23] =	ssyncadd.s32 $0xFFFFFC00  }
0x78: {  	[tilespmem:s24], [sflag:$0x4] =	stream.linear.gather [hbm4b:s19+s5], $0x400, $0x38;
	[tilespmem:$0x18C80] =	vst v63  }
0x79: {  	_ =	swait.ge [sflag:s23], $0x400  }
0x7a: {  	s12 =	rddreg [dreg:$0x6];
	[sflag:s23] =	ssyncset.done $0x0  }
0x7b: {  	[sflag:s23] =	ssyncadd.s32 $0xFFFFFC00;
	s12 =	sadd.s32 $0x0, s12  }
0x7c: {  	[tilespmem:s20], [sflag:$0x1] =	stream.linear.gather [hbm4b:s12+s5], $0x4000, $0x38;
	[tilespmem:$0x18C80] =	vst v63  }
0x7d: {  	s14 =	sadd.s32 $0x800, s12  }
0x7e: {  	[tilespmem:s25], [sflag:$0x2] =	stream.linear.gather [hbm4b:s14+s5], $0x4000, $0x38;
	[tilespmem:$0x18C80] =	vst v63  }
0x7f: {  	_ =	swait.ge [sflag:s26], $0x4000  }
0x80: {  	[sflag:s26] =	ssyncset.done $0x0  }
0x81: {  	[sflag:s26] =	ssyncadd.s32 $0xFFFFC000  }
0x82: {  	[spmem:s2] =	stream.indirect.scatter.add.f32 [tilespmem:s20], [sflag:$0x4], $0x80, s5, s28, $0xb8;
	[tilespmem:$0x18C80] =	vst v63  }
0x83: {  	_ =	swait.ge [sflag:s23], $0x4000  }
0x84: {  	[sflag:s23] =	ssyncset.done $0x0  }
0x85: {  	[sflag:s23] =	ssyncadd.s32 $0xFFFFC000  }
0x86: {  	[spmem:s4] =	stream.indirect.scatter.add.f32 [tilespmem:s24], [sflag:$0x4], $0x1, s5, s28, $0xb8;
	[tilespmem:$0x18C80] =	vst v63  }
0x87: {  	_ =	swait.ge [sflag:s23], $0x80  }
0x88: {  	[sflag:s23] =	ssyncset.done $0x0  }
0x89: {  	s18 =	sadd.s32 $0x1000, s12;
	[sflag:s23] =	ssyncadd.s32 $0xFFFFFF80  }
0x8a: {  	[tilespmem:s20], [sflag:$0x1] =	stream.linear.gather [hbm4b:s18+s5], $0x4000, $0x38;
	[tilespmem:$0x18C80] =	vst v63  }
0x8b: {  	_ =	swait.ge [sflag:s29], $0x4000  }
0x8c: {  	[sflag:s29] =	ssyncset.done $0x0  }
0x8d: {  	[sflag:s29] =	ssyncadd.s32 $0xFFFFC000  }
0x8e: {  	[spmem:s2] =	stream.indirect.scatter.add.f32 [tilespmem:s25], [sflag:$0x4], $0x80, s28, s28, $0xb8;
	[tilespmem:$0x18C80] =	vst v63  }
0x8f: {  	_ =	swait.ge [sflag:s23], $0x4000  }
0x90: {  	[sflag:s23] =	ssyncset.done $0x0  }
0x91: {  	s13 =	rddreg [dreg:$0x7];
	[sflag:s23] =	ssyncadd.s32 $0xFFFFC000  }
0x92: {  	[spmem:s4] =	stream.indirect.scatter.add.f32 [tilespmem:s13], [sflag:$0x4], $0x1, s28, s28, $0xb8;
	[tilespmem:$0x18C80] =	vst v63  }
0x93: {  	_ =	swait.ge [sflag:s23], $0x80  }
0x94: {  	[sflag:s23] =	ssyncset.done $0x0  }
0x95: {  	s18 =	sadd.s32 $0x1800, s12;
	[sflag:s23] =	ssyncadd.s32 $0xFFFFFF80  }
0x96: {  	[tilespmem:s25], [sflag:$0x2] =	stream.linear.gather [hbm4b:s18+s5], $0x4000, $0x38;
	[tilespmem:$0x18C80] =	vst v63  }
0x97: {  	_ =	swait.ge [sflag:s26], $0x4000  }
0x98: {  	[sflag:s26] =	ssyncset.done $0x0  }
0x99: {  	[sflag:s26] =	ssyncadd.s32 $0xFFFFC000  }
0x9a: {  	[spmem:s2] =	stream.indirect.scatter.add.f32 [tilespmem:s20], [sflag:$0x4], $0x80, s30, s28, $0xb8;
	[tilespmem:$0x18C80] =	vst v63  }
0x9b: {  	_ =	swait.ge [sflag:s23], $0x4000  }
0x9c: {  	[sflag:s23] =	ssyncset.done $0x0  }
0x9d: {  	s13 =	rddreg [dreg:$0x8];
	[sflag:s23] =	ssyncadd.s32 $0xFFFFC000  }
0x9e: {  	[spmem:s4] =	stream.indirect.scatter.add.f32 [tilespmem:s13], [sflag:$0x4], $0x1, s30, s28, $0xb8;
	[tilespmem:$0x18C80] =	vst v63  }
0x9f: {  	_ =	swait.ge [sflag:s23], $0x80  }
0xa0: {  	[sflag:s23] =	ssyncset.done $0x0  }
0xa1: {  	s18 =	sadd.s32 $0x2000, s12;
	[sflag:s23] =	ssyncadd.s32 $0xFFFFFF80  }
0xa2: {  	[tilespmem:s20], [sflag:$0x1] =	stream.linear.gather [hbm4b:s18+s5], $0x4000, $0x38;
	[tilespmem:$0x18C80] =	vst v63  }
0xa3: {  	_ =	swait.ge [sflag:s29], $0x4000  }
0xa4: {  	[sflag:s29] =	ssyncset.done $0x0  }
0xa5: {  	[sflag:s29] =	ssyncadd.s32 $0xFFFFC000  }
0xa6: {  	[spmem:s2] =	stream.indirect.scatter.add.f32 [tilespmem:s25], [sflag:$0x4], $0x80, s31, s28, $0xb8;
	[tilespmem:$0x18C80] =	vst v63  }
0xa7: {  	_ =	swait.ge [sflag:s23], $0x4000  }
0xa8: {  	[sflag:s23] =	ssyncset.done $0x0  }
0xa9: {  	s13 =	rddreg [dreg:$0x9];
	[sflag:s23] =	ssyncadd.s32 $0xFFFFC000  }
0xaa: {  	[spmem:s4] =	stream.indirect.scatter.add.f32 [tilespmem:s13], [sflag:$0x4], $0x1, s31, s28, $0xb8;
	[tilespmem:$0x18C80] =	vst v63  }
0xab: {  	_ =	swait.ge [sflag:s23], $0x80  }
0xac: {  	[sflag:s23] =	ssyncset.done $0x0  }
0xad: {  	s18 =	sadd.s32 $0x2800, s12;
	[sflag:s23] =	ssyncadd.s32 $0xFFFFFF80  }
0xae: {  	[tilespmem:s25], [sflag:$0x2] =	stream.linear.gather [hbm4b:s18+s5], $0x4000, $0x38;
	[tilespmem:$0x18C80] =	vst v63  }
0xaf: {  	_ =	swait.ge [sflag:s26], $0x4000  }
0xb0: {  	[sflag:s26] =	ssyncset.done $0x0  }
0xb1: {  	[sflag:s26] =	ssyncadd.s32 $0xFFFFC000  }
0xb2: {  	[spmem:s2] =	stream.indirect.scatter.add.f32 [tilespmem:s20], [sflag:$0x4], $0x80, s0, s28, $0xb8;
	[tilespmem:$0x18C80] =	vst v63  }
0xb3: {  	_ =	swait.ge [sflag:s23], $0x4000  }
0xb4: {  	[sflag:s23] =	ssyncset.done $0x0  }
0xb5: {  	s13 =	rddreg [dreg:$0xa];
	[sflag:s23] =	ssyncadd.s32 $0xFFFFC000  }
0xb6: {  	[spmem:s4] =	stream.indirect.scatter.add.f32 [tilespmem:s13], [sflag:$0x4], $0x1, s0, s28, $0xb8;
	[tilespmem:$0x18C80] =	vst v63  }
0xb7: {  	_ =	swait.ge [sflag:s23], $0x80  }
0xb8: {  	[sflag:s23] =	ssyncset.done $0x0  }
0xb9: {  	s18 =	sadd.s32 $0x3000, s12;
	[sflag:s23] =	ssyncadd.s32 $0xFFFFFF80  }
0xba: {  	[tilespmem:s20], [sflag:$0x1] =	stream.linear.gather [hbm4b:s18+s5], $0x4000, $0x38;
	[tilespmem:$0x18C80] =	vst v63  }
0xbb: {  	_ =	swait.ge [sflag:s29], $0x4000  }
0xbc: {  	[sflag:s29] =	ssyncset.done $0x0  }
0xbd: {  	[sflag:s29] =	ssyncadd.s32 $0xFFFFC000  }
0xbe: {  	[spmem:s2] =	stream.indirect.scatter.add.f32 [tilespmem:s25], [sflag:$0x4], $0x80, s3, s28, $0xb8;
	[tilespmem:$0x18C80] =	vst v63  }
0xbf: {  	_ =	swait.ge [sflag:s23], $0x4000  }
0xc0: {  	[sflag:s23] =	ssyncset.done $0x0  }
0xc1: {  	[sflag:s23] =	ssyncadd.s32 $0xFFFFC000  }
0xc2: {  	[spmem:s4] =	stream.indirect.scatter.add.f32 [tilespmem:s1], [sflag:$0x4], $0x1, s3, s28, $0xb8;
	[tilespmem:$0x18C80] =	vst v63  }
0xc3: {  	_ =	swait.ge [sflag:s23], $0x80  }
0xc4: {  	[sflag:s23] =	ssyncset.done $0x0  }
0xc5: {  	s12 =	sadd.s32 $0x3800, s12;
	[sflag:s23] =	ssyncadd.s32 $0xFFFFFF80  }
0xc6: {  	[tilespmem:s25], [sflag:$0x2] =	stream.linear.gather [hbm4b:s12+s5], $0x4000, $0x38;
	[tilespmem:$0x18C80] =	vst v63  }
0xc7: {  	_ =	swait.ge [sflag:s26], $0x4000  }
0xc8: {  	[sflag:s26] =	ssyncset.done $0x0  }
0xc9: {  	[sflag:s26] =	ssyncadd.s32 $0xFFFFC000  }
0xca: {  	[spmem:s2] =	stream.indirect.scatter.add.f32 [tilespmem:s20], [sflag:$0x4], $0x80, s22, s28, $0xb8;
	[tilespmem:$0x18C80] =	vst v63  }
0xcb: {  	_ =	swait.ge [sflag:s23], $0x4000  }
0xcc: {  	[sflag:s23] =	ssyncset.done $0x0  }
0xcd: {  	[sflag:s23] =	ssyncadd.s32 $0xFFFFC000  }
0xce: {  	[spmem:s4] =	stream.indirect.scatter.add.f32 [tilespmem:s6], [sflag:$0x4], $0x1, s22, s28, $0xb8;
	[tilespmem:$0x18C80] =	vst v63  }
0xcf: {  	_ =	swait.ge [sflag:s23], $0x80  }
0xd0: {  	[sflag:s23] =	ssyncset.done $0x0  }
0xd1: {  	[sflag:s23] =	ssyncadd.s32 $0xFFFFFF80  }
0xd2: {  	_ =	swait.ge [sflag:s29], $0x4000  }
0xd3: {  	[sflag:s29] =	ssyncset.done $0x0  }
0xd4: {  	[sflag:s29] =	ssyncadd.s32 $0xFFFFC000  }
0xd5: {  	[spmem:s2] =	stream.indirect.scatter.add.f32 [tilespmem:s25], [sflag:$0x4], $0x80, s7, s28, $0xb8;
	[tilespmem:$0x18C80] =	vst v63  }
0xd6: {  	_ =	swait.ge [sflag:s23], $0x4000  }
0xd7: {  	[sflag:s23] =	ssyncset.done $0x0  }
0xd8: {  	[sflag:s23] =	ssyncadd.s32 $0xFFFFC000  }
0xd9: {  	[spmem:s4] =	stream.indirect.scatter.add.f32 [tilespmem:s8], [sflag:$0x4], $0x1, s7, s28, $0xb8;
	[tilespmem:$0x18C80] =	vst v63  }
0xda: {  	_ =	swait.ge [sflag:s23], $0x80  }
0xdb: {  	s18 =	smov.u32 s16;
	s12 =	simm.s32 $0x4000;
	[sflag:s23] =	ssyncset.done $0x0  }
.LBB2_5:
0xdc: {  	[sflag:s23] =	ssyncadd.s32 $0xFFFFFF80;
	s18 =	sadd.s32 $0x80, s18  }
0xdd: {  	[tilespmem:s5], [sflag:$0x4] =	stream.linear.gather [hbm4b:s18+s5], $0x400, $0x38;
	[tilespmem:$0x18C80] =	vst v63  }
0xde: {  	_ =	swait.ge [sflag:s23], $0x400  }
0xdf: {  	[sflag:s23] =	ssyncset.done $0x0  }
0xe0: {  	s19 =	sadd.s32 $0x80, s19;
	[sflag:s23] =	ssyncadd.s32 $0xFFFFFC00  }
0xe1: {  	[tilespmem:s24], [sflag:$0x4] =	stream.linear.gather [hbm4b:s19+s5], $0x400, $0x38;
	[tilespmem:$0x18C80] =	vst v63  }
0xe2: {  	_ =	swait.ge [sflag:s23], $0x400  }
0xe3: {  	s14 =	smov.u32 s12;
	s13 =	rddreg [dreg:$0x6];
	[sflag:s23] =	ssyncset.done $0x0  }
0xe4: {  	[sflag:s23] =	ssyncadd.s32 $0xFFFFFC00;
	s14 =	sadd.s32 s14, s13  }
0xe5: {  	[tilespmem:s20], [sflag:$0x1] =	stream.linear.gather [hbm4b:s14+s5], $0x4000, $0x38;
	[tilespmem:$0x18C80] =	vst v63  }
0xe6: {  	s13 =	sadd.s32 $0x800, s14  }
0xe7: {  	[tilespmem:s25], [sflag:$0x2] =	stream.linear.gather [hbm4b:s13+s5], $0x4000, $0x38;
	[tilespmem:$0x18C80] =	vst v63  }
0xe8: {  	_ =	swait.ge [sflag:s26], $0x4000  }
0xe9: {  	[sflag:s26] =	ssyncset.done $0x0  }
0xea: {  	[sflag:s26] =	ssyncadd.s32 $0xFFFFC000  }
0xeb: {  	[spmem:s2] =	stream.indirect.scatter.add.f32 [tilespmem:s20], [sflag:$0x4], $0x80, s5, s28, $0xb8;
	[tilespmem:$0x18C80] =	vst v63  }
0xec: {  	_ =	swait.ge [sflag:s23], $0x4000  }
0xed: {  	[sflag:s23] =	ssyncset.done $0x0  }
0xee: {  	[sflag:s23] =	ssyncadd.s32 $0xFFFFC000  }
0xef: {  	[spmem:s4] =	stream.indirect.scatter.add.f32 [tilespmem:s24], [sflag:$0x4], $0x1, s5, s28, $0xb8;
	[tilespmem:$0x18C80] =	vst v63  }
0xf0: {  	_ =	swait.ge [sflag:s23], $0x80  }
0xf1: {  	[sflag:s23] =	ssyncset.done $0x0  }
0xf2: {  	s13 =	sadd.s32 $0x1000, s14;
	[sflag:s23] =	ssyncadd.s32 $0xFFFFFF80  }
0xf3: {  	[tilespmem:s20], [sflag:$0x1] =	stream.linear.gather [hbm4b:s13+s5], $0x4000, $0x38;
	[tilespmem:$0x18C80] =	vst v63  }
0xf4: {  	_ =	swait.ge [sflag:s29], $0x4000  }
0xf5: {  	[sflag:s29] =	ssyncset.done $0x0  }
0xf6: {  	[sflag:s29] =	ssyncadd.s32 $0xFFFFC000  }
0xf7: {  	[spmem:s2] =	stream.indirect.scatter.add.f32 [tilespmem:s25], [sflag:$0x4], $0x80, s28, s28, $0xb8;
	[tilespmem:$0x18C80] =	vst v63  }
0xf8: {  	_ =	swait.ge [sflag:s23], $0x4000  }
0xf9: {  	[sflag:s23] =	ssyncset.done $0x0  }
0xfa: {  	s13 =	rddreg [dreg:$0x7];
	[sflag:s23] =	ssyncadd.s32 $0xFFFFC000  }
0xfb: {  	[spmem:s4] =	stream.indirect.scatter.add.f32 [tilespmem:s13], [sflag:$0x4], $0x1, s28, s28, $0xb8;
	[tilespmem:$0x18C80] =	vst v63  }
0xfc: {  	_ =	swait.ge [sflag:s23], $0x80  }
0xfd: {  	[sflag:s23] =	ssyncset.done $0x0  }
0xfe: {  	s13 =	sadd.s32 $0x1800, s14;
	[sflag:s23] =	ssyncadd.s32 $0xFFFFFF80  }
0xff: {  	[tilespmem:s25], [sflag:$0x2] =	stream.linear.gather [hbm4b:s13+s5], $0x4000, $0x38;
	[tilespmem:$0x18C80] =	vst v63  }
0x100: {  	_ =	swait.ge [sflag:s26], $0x4000  }
0x101: {  	[sflag:s26] =	ssyncset.done $0x0  }
0x102: {  	[sflag:s26] =	ssyncadd.s32 $0xFFFFC000  }
0x103: {  	[spmem:s2] =	stream.indirect.scatter.add.f32 [tilespmem:s20], [sflag:$0x4], $0x80, s30, s28, $0xb8;
	[tilespmem:$0x18C80] =	vst v63  }
0x104: {  	_ =	swait.ge [sflag:s23], $0x4000  }
0x105: {  	[sflag:s23] =	ssyncset.done $0x0  }
0x106: {  	s13 =	rddreg [dreg:$0x8];
	[sflag:s23] =	ssyncadd.s32 $0xFFFFC000  }
0x107: {  	[spmem:s4] =	stream.indirect.scatter.add.f32 [tilespmem:s13], [sflag:$0x4], $0x1, s30, s28, $0xb8;
	[tilespmem:$0x18C80] =	vst v63  }
0x108: {  	_ =	swait.ge [sflag:s23], $0x80  }
0x109: {  	[sflag:s23] =	ssyncset.done $0x0  }
0x10a: {  	s13 =	sadd.s32 $0x2000, s14;
	[sflag:s23] =	ssyncadd.s32 $0xFFFFFF80  }
0x10b: {  	[tilespmem:s20], [sflag:$0x1] =	stream.linear.gather [hbm4b:s13+s5], $0x4000, $0x38;
	[tilespmem:$0x18C80] =	vst v63  }
0x10c: {  	_ =	swait.ge [sflag:s29], $0x4000  }
0x10d: {  	[sflag:s29] =	ssyncset.done $0x0  }
0x10e: {  	[sflag:s29] =	ssyncadd.s32 $0xFFFFC000  }
0x10f: {  	[spmem:s2] =	stream.indirect.scatter.add.f32 [tilespmem:s25], [sflag:$0x4], $0x80, s31, s28, $0xb8;
	[tilespmem:$0x18C80] =	vst v63  }
0x110: {  	_ =	swait.ge [sflag:s23], $0x4000  }
0x111: {  	[sflag:s23] =	ssyncset.done $0x0  }
0x112: {  	s13 =	rddreg [dreg:$0x9];
	[sflag:s23] =	ssyncadd.s32 $0xFFFFC000  }
0x113: {  	[spmem:s4] =	stream.indirect.scatter.add.f32 [tilespmem:s13], [sflag:$0x4], $0x1, s31, s28, $0xb8;
	[tilespmem:$0x18C80] =	vst v63  }
0x114: {  	_ =	swait.ge [sflag:s23], $0x80  }
0x115: {  	[sflag:s23] =	ssyncset.done $0x0  }
0x116: {  	s13 =	sadd.s32 $0x2800, s14;
	[sflag:s23] =	ssyncadd.s32 $0xFFFFFF80  }
0x117: {  	[tilespmem:s25], [sflag:$0x2] =	stream.linear.gather [hbm4b:s13+s5], $0x4000, $0x38;
	[tilespmem:$0x18C80] =	vst v63  }
0x118: {  	_ =	swait.ge [sflag:s26], $0x4000  }
0x119: {  	[sflag:s26] =	ssyncset.done $0x0  }
0x11a: {  	[sflag:s26] =	ssyncadd.s32 $0xFFFFC000  }
0x11b: {  	[spmem:s2] =	stream.indirect.scatter.add.f32 [tilespmem:s20], [sflag:$0x4], $0x80, s0, s28, $0xb8;
	[tilespmem:$0x18C80] =	vst v63  }
0x11c: {  	_ =	swait.ge [sflag:s23], $0x4000  }
0x11d: {  	[sflag:s23] =	ssyncset.done $0x0  }
0x11e: {  	s13 =	rddreg [dreg:$0xa];
	[sflag:s23] =	ssyncadd.s32 $0xFFFFC000  }
0x11f: {  	[spmem:s4] =	stream.indirect.scatter.add.f32 [tilespmem:s13], [sflag:$0x4], $0x1, s0, s28, $0xb8;
	[tilespmem:$0x18C80] =	vst v63  }
0x120: {  	_ =	swait.ge [sflag:s23], $0x80  }
0x121: {  	[sflag:s23] =	ssyncset.done $0x0  }
0x122: {  	s13 =	sadd.s32 $0x3000, s14;
	[sflag:s23] =	ssyncadd.s32 $0xFFFFFF80  }
0x123: {  	[tilespmem:s20], [sflag:$0x1] =	stream.linear.gather [hbm4b:s13+s5], $0x4000, $0x38;
	[tilespmem:$0x18C80] =	vst v63  }
0x124: {  	_ =	swait.ge [sflag:s29], $0x4000  }
0x125: {  	[sflag:s29] =	ssyncset.done $0x0  }
0x126: {  	[sflag:s29] =	ssyncadd.s32 $0xFFFFC000  }
0x127: {  	[spmem:s2] =	stream.indirect.scatter.add.f32 [tilespmem:s25], [sflag:$0x4], $0x80, s3, s28, $0xb8;
	[tilespmem:$0x18C80] =	vst v63  }
0x128: {  	_ =	swait.ge [sflag:s23], $0x4000  }
0x129: {  	[sflag:s23] =	ssyncset.done $0x0  }
0x12a: {  	[sflag:s23] =	ssyncadd.s32 $0xFFFFC000  }
0x12b: {  	[spmem:s4] =	stream.indirect.scatter.add.f32 [tilespmem:s1], [sflag:$0x4], $0x1, s3, s28, $0xb8;
	[tilespmem:$0x18C80] =	vst v63  }
0x12c: {  	_ =	swait.ge [sflag:s23], $0x80  }
0x12d: {  	[sflag:s23] =	ssyncset.done $0x0  }
0x12e: {  	s14 =	sadd.s32 $0x3800, s14;
	[sflag:s23] =	ssyncadd.s32 $0xFFFFFF80  }
0x12f: {  	[tilespmem:s25], [sflag:$0x2] =	stream.linear.gather [hbm4b:s14+s5], $0x4000, $0x38;
	[tilespmem:$0x18C80] =	vst v63  }
0x130: {  	_ =	swait.ge [sflag:s26], $0x4000  }
0x131: {  	[sflag:s26] =	ssyncset.done $0x0  }
0x132: {  	[sflag:s26] =	ssyncadd.s32 $0xFFFFC000  }
0x133: {  	[spmem:s2] =	stream.indirect.scatter.add.f32 [tilespmem:s20], [sflag:$0x4], $0x80, s22, s28, $0xb8;
	[tilespmem:$0x18C80] =	vst v63  }
0x134: {  	_ =	swait.ge [sflag:s23], $0x4000  }
0x135: {  	[sflag:s23] =	ssyncset.done $0x0  }
0x136: {  	[sflag:s23] =	ssyncadd.s32 $0xFFFFC000  }
0x137: {  	[spmem:s4] =	stream.indirect.scatter.add.f32 [tilespmem:s6], [sflag:$0x4], $0x1, s22, s28, $0xb8;
	[tilespmem:$0x18C80] =	vst v63  }
0x138: {  	_ =	swait.ge [sflag:s23], $0x80  }
0x139: {  	[sflag:s23] =	ssyncset.done $0x0  }
0x13a: {  	[sflag:s23] =	ssyncadd.s32 $0xFFFFFF80  }
0x13b: {  	_ =	swait.ge [sflag:s29], $0x4000  }
0x13c: {  	[sflag:s29] =	ssyncset.done $0x0  }
0x13d: {  	[sflag:s29] =	ssyncadd.s32 $0xFFFFC000  }
0x13e: {  	[spmem:s2] =	stream.indirect.scatter.add.f32 [tilespmem:s25], [sflag:$0x4], $0x80, s7, s28, $0xb8;
	[tilespmem:$0x18C80] =	vst v63  }
0x13f: {  	p1 =	seq.s32 s12, $0x3C000;
	_ =	swait.ge [sflag:s23], $0x4000  }
.Ltmp4:
0x140: {  	[sflag:s23] =	ssyncset.done $0x0;
	(pc) =	sbr.rel @!p1 .LBB2_5-.Ltmp4, $4  }
0x141: {  	[sflag:s23] =	ssyncadd.s32 $0xFFFFC000  }
0x142: {  	[spmem:s4] =	stream.indirect.scatter.add.f32 [tilespmem:s8], [sflag:$0x4], $0x1, s7, s28, $0xb8;
	[tilespmem:$0x18C80] =	vst v63  }
0x143: {  	_ =	swait.ge [sflag:s23], $0x80  }
0x144: {  	s12 =	sadd.s32 $0x4000, s12;
	[sflag:s23] =	ssyncset.done $0x0  }
.Ltmp5:
0x145: {  	(pc) =	sbr.rel .LBB2_10-.Ltmp5, $3  }
0x146: {  	_ =	sdelay $0x1  }
0x147: {  	[sflag:s23] =	ssyncadd.s32 $0xFFFFFF80;
	s12 =	rddreg [dreg:$0xc]  }
0x148: {  	s14 =	rddreg [dreg:$0x2]  }
.LBB2_7:
0x149: {  	[tilespmem:s5], [sflag:$0x3] =	stream.linear.gather [hbm4b:s16+s5], $0x400, $0x38;
	[tilespmem:$0x18C80] =	vst v63  }
0x14a: {  	_ =	swait.ge [sflag:s21], $0x400  }
0x14b: {  	[sflag:s21] =	ssyncset.done $0x0  }
0x14c: {  	s12 =	sadd.s32 $0x0, s17;
	[sflag:s21] =	ssyncadd.s32 $0xFFFFFC00  }
0x14d: {  	[tilespmem:s20], [sflag:$0x1] =	stream.linear.gather [hbm4b:s12+s5], $0x4000, $0x38;
	[tilespmem:$0x18C80] =	vst v63  }
0x14e: {  	s13 =	sadd.s32 $0x800, s12  }
0x14f: {  	[tilespmem:s25], [sflag:$0x2] =	stream.linear.gather [hbm4b:s13+s5], $0x4000, $0x38;
	[tilespmem:$0x18C80] =	vst v63  }
0x150: {  	_ =	swait.ge [sflag:s26], $0x4000  }
0x151: {  	[sflag:s26] =	ssyncset.done $0x0  }
0x152: {  	[sflag:s26] =	ssyncadd.s32 $0xFFFFC000  }
0x153: {  	[spmem:s2] =	stream.indirect.scatter.add.f32 [tilespmem:s20], [sflag:$0x3], $0x80, s5, s28, $0xb8;
	[tilespmem:$0x18C80] =	vst v63  }
0x154: {  	_ =	swait.ge [sflag:s21], $0x4000  }
0x155: {  	[sflag:s21] =	ssyncset.done $0x0  }
0x156: {  	[sflag:s21] =	ssyncadd.s32 $0xFFFFC000  }
0x157: {  	[spmem:s4] =	stream.indirect.scatter.add.f32 [tilespmem:s10], [sflag:$0x3], $0x1, s5, s28, $0xb8;
	[tilespmem:$0x18C80] =	vst v63  }
0x158: {  	_ =	swait.ge [sflag:s21], $0x80  }
0x159: {  	[sflag:s21] =	ssyncset.done $0x0  }
0x15a: {  	s18 =	sadd.s32 $0x1000, s12;
	[sflag:s21] =	ssyncadd.s32 $0xFFFFFF80  }
0x15b: {  	[tilespmem:s20], [sflag:$0x1] =	stream.linear.gather [hbm4b:s18+s5], $0x4000, $0x38;
	[tilespmem:$0x18C80] =	vst v63  }
0x15c: {  	_ =	swait.ge [sflag:s29], $0x4000  }
0x15d: {  	[sflag:s29] =	ssyncset.done $0x0  }
0x15e: {  	[sflag:s29] =	ssyncadd.s32 $0xFFFFC000  }
0x15f: {  	[spmem:s2] =	stream.indirect.scatter.add.f32 [tilespmem:s25], [sflag:$0x3], $0x80, s28, s28, $0xb8;
	[tilespmem:$0x18C80] =	vst v63  }
0x160: {  	_ =	swait.ge [sflag:s21], $0x4000  }
0x161: {  	[sflag:s21] =	ssyncset.done $0x0  }
0x162: {  	[sflag:s21] =	ssyncadd.s32 $0xFFFFC000  }
0x163: {  	[spmem:s4] =	stream.indirect.scatter.add.f32 [tilespmem:s10], [sflag:$0x3], $0x1, s28, s28, $0xb8;
	[tilespmem:$0x18C80] =	vst v63  }
0x164: {  	_ =	swait.ge [sflag:s21], $0x80  }
0x165: {  	[sflag:s21] =	ssyncset.done $0x0  }
0x166: {  	s19 =	sadd.s32 $0x1800, s12;
	[sflag:s21] =	ssyncadd.s32 $0xFFFFFF80  }
0x167: {  	[tilespmem:s25], [sflag:$0x2] =	stream.linear.gather [hbm4b:s19+s5], $0x4000, $0x38;
	[tilespmem:$0x18C80] =	vst v63  }
0x168: {  	_ =	swait.ge [sflag:s26], $0x4000  }
0x169: {  	[sflag:s26] =	ssyncset.done $0x0  }
0x16a: {  	[sflag:s26] =	ssyncadd.s32 $0xFFFFC000  }
0x16b: {  	[spmem:s2] =	stream.indirect.scatter.add.f32 [tilespmem:s20], [sflag:$0x3], $0x80, s30, s28, $0xb8;
	[tilespmem:$0x18C80] =	vst v63  }
0x16c: {  	_ =	swait.ge [sflag:s21], $0x4000  }
0x16d: {  	[sflag:s21] =	ssyncset.done $0x0  }
0x16e: {  	[sflag:s21] =	ssyncadd.s32 $0xFFFFC000  }
0x16f: {  	[spmem:s4] =	stream.indirect.scatter.add.f32 [tilespmem:s10], [sflag:$0x3], $0x1, s30, s28, $0xb8;
	[tilespmem:$0x18C80] =	vst v63  }
0x170: {  	_ =	swait.ge [sflag:s21], $0x80  }
0x171: {  	[sflag:s21] =	ssyncset.done $0x0  }
0x172: {  	s14 =	sadd.s32 $0x2000, s12;
	[sflag:s21] =	ssyncadd.s32 $0xFFFFFF80  }
0x173: {  	[tilespmem:s20], [sflag:$0x1] =	stream.linear.gather [hbm4b:s14+s5], $0x4000, $0x38;
	[tilespmem:$0x18C80] =	vst v63  }
0x174: {  	_ =	swait.ge [sflag:s29], $0x4000  }
0x175: {  	[sflag:s29] =	ssyncset.done $0x0  }
0x176: {  	[sflag:s29] =	ssyncadd.s32 $0xFFFFC000  }
0x177: {  	[spmem:s2] =	stream.indirect.scatter.add.f32 [tilespmem:s25], [sflag:$0x3], $0x80, s31, s28, $0xb8;
	[tilespmem:$0x18C80] =	vst v63  }
0x178: {  	_ =	swait.ge [sflag:s21], $0x4000  }
0x179: {  	[sflag:s21] =	ssyncset.done $0x0  }
0x17a: {  	[sflag:s21] =	ssyncadd.s32 $0xFFFFC000  }
0x17b: {  	[spmem:s4] =	stream.indirect.scatter.add.f32 [tilespmem:s10], [sflag:$0x3], $0x1, s31, s28, $0xb8;
	[tilespmem:$0x18C80] =	vst v63  }
0x17c: {  	_ =	swait.ge [sflag:s21], $0x80  }
0x17d: {  	[sflag:s21] =	ssyncset.done $0x0  }
0x17e: {  	s18 =	sadd.s32 $0x2800, s12;
	[sflag:s21] =	ssyncadd.s32 $0xFFFFFF80  }
0x17f: {  	[tilespmem:s25], [sflag:$0x2] =	stream.linear.gather [hbm4b:s18+s5], $0x4000, $0x38;
	[tilespmem:$0x18C80] =	vst v63  }
0x180: {  	_ =	swait.ge [sflag:s26], $0x4000  }
0x181: {  	[sflag:s26] =	ssyncset.done $0x0  }
0x182: {  	[sflag:s26] =	ssyncadd.s32 $0xFFFFC000  }
0x183: {  	[spmem:s2] =	stream.indirect.scatter.add.f32 [tilespmem:s20], [sflag:$0x3], $0x80, s0, s28, $0xb8;
	[tilespmem:$0x18C80] =	vst v63  }
0x184: {  	_ =	swait.ge [sflag:s21], $0x4000  }
0x185: {  	[sflag:s21] =	ssyncset.done $0x0  }
0x186: {  	[sflag:s21] =	ssyncadd.s32 $0xFFFFC000  }
0x187: {  	[spmem:s4] =	stream.indirect.scatter.add.f32 [tilespmem:s10], [sflag:$0x3], $0x1, s0, s28, $0xb8;
	[tilespmem:$0x18C80] =	vst v63  }
0x188: {  	_ =	swait.ge [sflag:s21], $0x80  }
0x189: {  	[sflag:s21] =	ssyncset.done $0x0  }
0x18a: {  	s19 =	sadd.s32 $0x3000, s12;
	[sflag:s21] =	ssyncadd.s32 $0xFFFFFF80  }
0x18b: {  	[tilespmem:s20], [sflag:$0x1] =	stream.linear.gather [hbm4b:s19+s5], $0x4000, $0x38;
	[tilespmem:$0x18C80] =	vst v63  }
0x18c: {  	_ =	swait.ge [sflag:s29], $0x4000  }
0x18d: {  	[sflag:s29] =	ssyncset.done $0x0  }
0x18e: {  	[sflag:s29] =	ssyncadd.s32 $0xFFFFC000  }
0x18f: {  	[spmem:s2] =	stream.indirect.scatter.add.f32 [tilespmem:s25], [sflag:$0x3], $0x80, s3, s28, $0xb8;
	[tilespmem:$0x18C80] =	vst v63  }
0x190: {  	_ =	swait.ge [sflag:s21], $0x4000  }
0x191: {  	[sflag:s21] =	ssyncset.done $0x0  }
0x192: {  	[sflag:s21] =	ssyncadd.s32 $0xFFFFC000  }
0x193: {  	[spmem:s4] =	stream.indirect.scatter.add.f32 [tilespmem:s10], [sflag:$0x3], $0x1, s3, s28, $0xb8;
	[tilespmem:$0x18C80] =	vst v63  }
0x194: {  	_ =	swait.ge [sflag:s21], $0x80  }
0x195: {  	[sflag:s21] =	ssyncset.done $0x0  }
0x196: {  	s12 =	sadd.s32 $0x3800, s12;
	[sflag:s21] =	ssyncadd.s32 $0xFFFFFF80  }
0x197: {  	[tilespmem:s25], [sflag:$0x2] =	stream.linear.gather [hbm4b:s12+s5], $0x4000, $0x38;
	[tilespmem:$0x18C80] =	vst v63  }
0x198: {  	_ =	swait.ge [sflag:s26], $0x4000  }
0x199: {  	[sflag:s26] =	ssyncset.done $0x0  }
0x19a: {  	[sflag:s26] =	ssyncadd.s32 $0xFFFFC000  }
0x19b: {  	[spmem:s2] =	stream.indirect.scatter.add.f32 [tilespmem:s20], [sflag:$0x3], $0x80, s22, s28, $0xb8;
	[tilespmem:$0x18C80] =	vst v63  }
0x19c: {  	_ =	swait.ge [sflag:s21], $0x4000  }
0x19d: {  	[sflag:s21] =	ssyncset.done $0x0  }
0x19e: {  	[sflag:s21] =	ssyncadd.s32 $0xFFFFC000  }
0x19f: {  	[spmem:s4] =	stream.indirect.scatter.add.f32 [tilespmem:s10], [sflag:$0x3], $0x1, s22, s28, $0xb8;
	[tilespmem:$0x18C80] =	vst v63  }
0x1a0: {  	_ =	swait.ge [sflag:s21], $0x80  }
0x1a1: {  	[sflag:s21] =	ssyncset.done $0x0  }
0x1a2: {  	[sflag:s21] =	ssyncadd.s32 $0xFFFFFF80  }
0x1a3: {  	_ =	swait.ge [sflag:s29], $0x4000  }
0x1a4: {  	[sflag:s29] =	ssyncset.done $0x0  }
0x1a5: {  	[sflag:s29] =	ssyncadd.s32 $0xFFFFC000  }
0x1a6: {  	[spmem:s2] =	stream.indirect.scatter.add.f32 [tilespmem:s25], [sflag:$0x3], $0x80, s7, s28, $0xb8;
	[tilespmem:$0x18C80] =	vst v63  }
0x1a7: {  	_ =	swait.ge [sflag:s21], $0x4000  }
0x1a8: {  	[sflag:s21] =	ssyncset.done $0x0  }
0x1a9: {  	[sflag:s21] =	ssyncadd.s32 $0xFFFFC000  }
0x1aa: {  	[spmem:s4] =	stream.indirect.scatter.add.f32 [tilespmem:s10], [sflag:$0x3], $0x1, s7, s28, $0xb8;
	[tilespmem:$0x18C80] =	vst v63  }
0x1ab: {  	_ =	swait.ge [sflag:s21], $0x80  }
0x1ac: {  	s18 =	smov.u32 s16;
	s12 =	simm.s32 $0x4000;
	[sflag:s21] =	ssyncset.done $0x0  }
.LBB2_8:
0x1ad: {  	p1 =	sne.s32 s12, $0x3C000;
	[sflag:s21] =	ssyncadd.s32 $0xFFFFFF80;
	s18 =	sadd.s32 $0x80, s18  }
0x1ae: {  	[tilespmem:s5], [sflag:$0x3] =	stream.linear.gather [hbm4b:s18+s5], $0x400, $0x38;
	[tilespmem:$0x18C80] =	vst v63  }
0x1af: {  	s13 =	smov.u32 s12;
	s12 =	sadd.s32 $0x4000, s12;
	_ =	swait.ge [sflag:s21], $0x400  }
0x1b0: {  	[sflag:s21] =	ssyncset.done $0x0  }
0x1b1: {  	s14 =	sadd.s32 s13, s17;
	[sflag:s21] =	ssyncadd.s32 $0xFFFFFC00  }
0x1b2: {  	[tilespmem:s20], [sflag:$0x1] =	stream.linear.gather [hbm4b:s14+s5], $0x4000, $0x38;
	[tilespmem:$0x18C80] =	vst v63  }
0x1b3: {  	s13 =	sadd.s32 $0x800, s14  }
0x1b4: {  	[tilespmem:s25], [sflag:$0x2] =	stream.linear.gather [hbm4b:s13+s5], $0x4000, $0x38;
	[tilespmem:$0x18C80] =	vst v63  }
0x1b5: {  	_ =	swait.ge [sflag:s26], $0x4000  }
0x1b6: {  	[sflag:s26] =	ssyncset.done $0x0  }
0x1b7: {  	[sflag:s26] =	ssyncadd.s32 $0xFFFFC000  }
0x1b8: {  	[spmem:s2] =	stream.indirect.scatter.add.f32 [tilespmem:s20], [sflag:$0x3], $0x80, s5, s28, $0xb8;
	[tilespmem:$0x18C80] =	vst v63  }
0x1b9: {  	_ =	swait.ge [sflag:s21], $0x4000  }
0x1ba: {  	[sflag:s21] =	ssyncset.done $0x0  }
0x1bb: {  	[sflag:s21] =	ssyncadd.s32 $0xFFFFC000  }
0x1bc: {  	[spmem:s4] =	stream.indirect.scatter.add.f32 [tilespmem:s10], [sflag:$0x3], $0x1, s5, s28, $0xb8;
	[tilespmem:$0x18C80] =	vst v63  }
0x1bd: {  	_ =	swait.ge [sflag:s21], $0x80  }
0x1be: {  	[sflag:s21] =	ssyncset.done $0x0  }
0x1bf: {  	s13 =	sadd.s32 $0x1000, s14;
	[sflag:s21] =	ssyncadd.s32 $0xFFFFFF80  }
0x1c0: {  	[tilespmem:s20], [sflag:$0x1] =	stream.linear.gather [hbm4b:s13+s5], $0x4000, $0x38;
	[tilespmem:$0x18C80] =	vst v63  }
0x1c1: {  	_ =	swait.ge [sflag:s29], $0x4000  }
0x1c2: {  	[sflag:s29] =	ssyncset.done $0x0  }
0x1c3: {  	[sflag:s29] =	ssyncadd.s32 $0xFFFFC000  }
0x1c4: {  	[spmem:s2] =	stream.indirect.scatter.add.f32 [tilespmem:s25], [sflag:$0x3], $0x80, s28, s28, $0xb8;
	[tilespmem:$0x18C80] =	vst v63  }
0x1c5: {  	_ =	swait.ge [sflag:s21], $0x4000  }
0x1c6: {  	[sflag:s21] =	ssyncset.done $0x0  }
0x1c7: {  	[sflag:s21] =	ssyncadd.s32 $0xFFFFC000  }
0x1c8: {  	[spmem:s4] =	stream.indirect.scatter.add.f32 [tilespmem:s10], [sflag:$0x3], $0x1, s28, s28, $0xb8;
	[tilespmem:$0x18C80] =	vst v63  }
0x1c9: {  	_ =	swait.ge [sflag:s21], $0x80  }
0x1ca: {  	[sflag:s21] =	ssyncset.done $0x0  }
0x1cb: {  	s13 =	sadd.s32 $0x1800, s14;
	[sflag:s21] =	ssyncadd.s32 $0xFFFFFF80  }
0x1cc: {  	[tilespmem:s25], [sflag:$0x2] =	stream.linear.gather [hbm4b:s13+s5], $0x4000, $0x38;
	[tilespmem:$0x18C80] =	vst v63  }
0x1cd: {  	_ =	swait.ge [sflag:s26], $0x4000  }
0x1ce: {  	[sflag:s26] =	ssyncset.done $0x0  }
0x1cf: {  	[sflag:s26] =	ssyncadd.s32 $0xFFFFC000  }
0x1d0: {  	[spmem:s2] =	stream.indirect.scatter.add.f32 [tilespmem:s20], [sflag:$0x3], $0x80, s30, s28, $0xb8;
	[tilespmem:$0x18C80] =	vst v63  }
0x1d1: {  	_ =	swait.ge [sflag:s21], $0x4000  }
0x1d2: {  	[sflag:s21] =	ssyncset.done $0x0  }
0x1d3: {  	[sflag:s21] =	ssyncadd.s32 $0xFFFFC000  }
0x1d4: {  	[spmem:s4] =	stream.indirect.scatter.add.f32 [tilespmem:s10], [sflag:$0x3], $0x1, s30, s28, $0xb8;
	[tilespmem:$0x18C80] =	vst v63  }
0x1d5: {  	_ =	swait.ge [sflag:s21], $0x80  }
0x1d6: {  	[sflag:s21] =	ssyncset.done $0x0  }
0x1d7: {  	s13 =	sadd.s32 $0x2000, s14;
	[sflag:s21] =	ssyncadd.s32 $0xFFFFFF80  }
0x1d8: {  	[tilespmem:s20], [sflag:$0x1] =	stream.linear.gather [hbm4b:s13+s5], $0x4000, $0x38;
	[tilespmem:$0x18C80] =	vst v63  }
0x1d9: {  	_ =	swait.ge [sflag:s29], $0x4000  }
0x1da: {  	[sflag:s29] =	ssyncset.done $0x0  }
0x1db: {  	[sflag:s29] =	ssyncadd.s32 $0xFFFFC000  }
0x1dc: {  	[spmem:s2] =	stream.indirect.scatter.add.f32 [tilespmem:s25], [sflag:$0x3], $0x80, s31, s28, $0xb8;
	[tilespmem:$0x18C80] =	vst v63  }
0x1dd: {  	_ =	swait.ge [sflag:s21], $0x4000  }
0x1de: {  	[sflag:s21] =	ssyncset.done $0x0  }
0x1df: {  	[sflag:s21] =	ssyncadd.s32 $0xFFFFC000  }
0x1e0: {  	[spmem:s4] =	stream.indirect.scatter.add.f32 [tilespmem:s10], [sflag:$0x3], $0x1, s31, s28, $0xb8;
	[tilespmem:$0x18C80] =	vst v63  }
0x1e1: {  	_ =	swait.ge [sflag:s21], $0x80  }
0x1e2: {  	[sflag:s21] =	ssyncset.done $0x0  }
0x1e3: {  	s13 =	sadd.s32 $0x2800, s14;
	[sflag:s21] =	ssyncadd.s32 $0xFFFFFF80  }
0x1e4: {  	[tilespmem:s25], [sflag:$0x2] =	stream.linear.gather [hbm4b:s13+s5], $0x4000, $0x38;
	[tilespmem:$0x18C80] =	vst v63  }
0x1e5: {  	_ =	swait.ge [sflag:s26], $0x4000  }
0x1e6: {  	[sflag:s26] =	ssyncset.done $0x0  }
0x1e7: {  	[sflag:s26] =	ssyncadd.s32 $0xFFFFC000  }
0x1e8: {  	[spmem:s2] =	stream.indirect.scatter.add.f32 [tilespmem:s20], [sflag:$0x3], $0x80, s0, s28, $0xb8;
	[tilespmem:$0x18C80] =	vst v63  }
0x1e9: {  	_ =	swait.ge [sflag:s21], $0x4000  }
0x1ea: {  	[sflag:s21] =	ssyncset.done $0x0  }
0x1eb: {  	[sflag:s21] =	ssyncadd.s32 $0xFFFFC000  }
0x1ec: {  	[spmem:s4] =	stream.indirect.scatter.add.f32 [tilespmem:s10], [sflag:$0x3], $0x1, s0, s28, $0xb8;
	[tilespmem:$0x18C80] =	vst v63  }
0x1ed: {  	_ =	swait.ge [sflag:s21], $0x80  }
0x1ee: {  	[sflag:s21] =	ssyncset.done $0x0  }
0x1ef: {  	s13 =	sadd.s32 $0x3000, s14;
	[sflag:s21] =	ssyncadd.s32 $0xFFFFFF80  }
0x1f0: {  	[tilespmem:s20], [sflag:$0x1] =	stream.linear.gather [hbm4b:s13+s5], $0x4000, $0x38;
	[tilespmem:$0x18C80] =	vst v63  }
0x1f1: {  	_ =	swait.ge [sflag:s29], $0x4000  }
0x1f2: {  	[sflag:s29] =	ssyncset.done $0x0  }
0x1f3: {  	[sflag:s29] =	ssyncadd.s32 $0xFFFFC000  }
0x1f4: {  	[spmem:s2] =	stream.indirect.scatter.add.f32 [tilespmem:s25], [sflag:$0x3], $0x80, s3, s28, $0xb8;
	[tilespmem:$0x18C80] =	vst v63  }
0x1f5: {  	_ =	swait.ge [sflag:s21], $0x4000  }
0x1f6: {  	[sflag:s21] =	ssyncset.done $0x0  }
0x1f7: {  	[sflag:s21] =	ssyncadd.s32 $0xFFFFC000  }
0x1f8: {  	[spmem:s4] =	stream.indirect.scatter.add.f32 [tilespmem:s10], [sflag:$0x3], $0x1, s3, s28, $0xb8;
	[tilespmem:$0x18C80] =	vst v63  }
0x1f9: {  	_ =	swait.ge [sflag:s21], $0x80  }
0x1fa: {  	[sflag:s21] =	ssyncset.done $0x0  }
0x1fb: {  	s13 =	sadd.s32 $0x3800, s14;
	[sflag:s21] =	ssyncadd.s32 $0xFFFFFF80  }
0x1fc: {  	[tilespmem:s25], [sflag:$0x2] =	stream.linear.gather [hbm4b:s13+s5], $0x4000, $0x38;
	[tilespmem:$0x18C80] =	vst v63  }
0x1fd: {  	_ =	swait.ge [sflag:s26], $0x4000  }
0x1fe: {  	[sflag:s26] =	ssyncset.done $0x0  }
0x1ff: {  	[sflag:s26] =	ssyncadd.s32 $0xFFFFC000  }
0x200: {  	[spmem:s2] =	stream.indirect.scatter.add.f32 [tilespmem:s20], [sflag:$0x3], $0x80, s22, s28, $0xb8;
	[tilespmem:$0x18C80] =	vst v63  }
0x201: {  	_ =	swait.ge [sflag:s21], $0x4000  }
0x202: {  	[sflag:s21] =	ssyncset.done $0x0  }
0x203: {  	[sflag:s21] =	ssyncadd.s32 $0xFFFFC000  }
0x204: {  	[spmem:s4] =	stream.indirect.scatter.add.f32 [tilespmem:s10], [sflag:$0x3], $0x1, s22, s28, $0xb8;
	[tilespmem:$0x18C80] =	vst v63  }
0x205: {  	_ =	swait.ge [sflag:s21], $0x80  }
0x206: {  	[sflag:s21] =	ssyncset.done $0x0  }
0x207: {  	[sflag:s21] =	ssyncadd.s32 $0xFFFFFF80  }
0x208: {  	_ =	swait.ge [sflag:s29], $0x4000  }
0x209: {  	[sflag:s29] =	ssyncset.done $0x0  }
0x20a: {  	[sflag:s29] =	ssyncadd.s32 $0xFFFFC000  }
0x20b: {  	[spmem:s2] =	stream.indirect.scatter.add.f32 [tilespmem:s25], [sflag:$0x3], $0x80, s7, s28, $0xb8;
	[tilespmem:$0x18C80] =	vst v63  }
0x20c: {  	_ =	swait.ge [sflag:s21], $0x4000  }
.Ltmp6:
0x20d: {  	[sflag:s21] =	ssyncset.done $0x0;
	(pc) =	sbr.rel @p1 .LBB2_8-.Ltmp6, $4  }
0x20e: {  	[sflag:s21] =	ssyncadd.s32 $0xFFFFC000  }
0x20f: {  	[spmem:s4] =	stream.indirect.scatter.add.f32 [tilespmem:s10], [sflag:$0x3], $0x1, s7, s28, $0xb8;
	[tilespmem:$0x18C80] =	vst v63  }
0x210: {  	_ =	swait.ge [sflag:s21], $0x80  }
0x211: {  	[sflag:s21] =	ssyncset.done $0x0  }
.Ltmp7:
0x212: {  	_ = 	snop;
	(pc) =	sbr.rel .LBB2_9-.Ltmp7, $1  }
0x213: {  	_ =	sdelay $0x3  }
.LBB2_11:
0x214: {  	_ =	sfence.sel $0x180000  }
0x215: {  	[bflag:$0x0] =	sbarrier.arrive $0xFFFF  }
0x216: {  	_ =	strace $0x9000004A  }
0x217: {  	s0 =	stileid.u32;
	[bflag:$0x2] =	sbarrier.arrive $0xFFFF  }
0x218: {  	p0 =	sne.s32 s0, $0x0;
	s0 =	rddreg [dreg:$0x5]  }
0x219: {  	s0 =	sadd.s32 @!p0 $0x100000, s0  }
0x21a: {  	[sflag:s0] =	ssyncadd.tile.s32 @!p0 $0x1;
	_ =	shalt  }
.Lfunc_end2:
_tile_overlayer_lowered:
.L_overlay_start_2:
0x21b: {  	(tag) =	ssettag $0x2  }
0x21c: {  	s0 =	rddreg [dreg:$0x0];
	s2 =	stileid.u32  }
0x21d: {  	s1 =	rddreg [dreg:$0x1];
	p0 =	sne.s32 s2, $0x0  }
0x21e: {  	s3 =	rddreg [dreg:$0x2];
	[bflag:$0x3] =	sbarrier.arrive $0xFFFF;
	s2 =	simm.s32 @!p0 $0x1C03  }
0x21f: {  	[timem:s3], [sflag:s2] =	dma.local @!p0 [hbm:s0], s1  }
0x220: {  	s0 =	simm.s32 @!p0 $0x3  }
0x221: {  	_ =	swait.ge @!p0 [sflag:s0], s1  }
0x222: {  	s1 =	ssub.s32 @!p0 $0x0, s1;
	[sflag:s0] =	ssyncset.done @!p0 $0x0  }
0x223: {  	[sflag:s0] =	ssyncadd.s32 @!p0 s1  }
0x224: {  	[bflag:$0x3] =	sbarrier.arrive $0xFFFF  }
0x225: {  	_ =	shalt  }

</sc_bundles>
